<compile_context>
chip_gen: v7x
topology: tpu7x:2x2x1
jax: 0.10.2.dev20260603
libtpu: 0.0.44.dev20260713+nightly
codegen_flags: <defaults>
</compile_context>

<pallas_src>
import jax
import jax.numpy as jnp
from jax import lax
from jax.experimental import pallas as pl
from jax.experimental.pallas import tpu as pltpu
from jax.experimental.pallas import tpu_sc as plsc

N_U = 5000
N_I = 5000
N = N_U + N_I
NPAD = 10240
E = 320000
D = 128
NC, NS = 2, 16
CH = 80
EPC = E // NC
EPTM = EPC // NS
NCH = EPTM // CH
EPT = E // NS
SEG = NPAD // NS
LANES = 16

_MESH = dict(core_axis_name="c", subcore_axis_name="s", num_cores=NC,
             num_subcores=NS)
_SC_PARAMS = pltpu.CompilerParams(needs_layout_passes=False)


def _rsqrt_newton(d):
    i = plsc.bitcast(d, jnp.int32)
    i = jnp.int32(0x5F3759DF) - lax.shift_right_logical(i, 1)
    y = plsc.bitcast(i, jnp.float32)
    for _ in range(3):
        y = y * (1.5 - 0.5 * d * y * y)
    return y


def _deg_body(src_hbm, dst_hbm, out_hbm, idx_v, hist_v, red_v, res_v,
              stage_sh, sem_p):
    cid = lax.axis_index("c")
    sid = lax.axis_index("s")
    zero16 = jnp.zeros((LANES,), jnp.float32)
    ones16 = jnp.ones((LANES,), jnp.float32)
    base = sid * EPT

    def _histogram(arr_hbm, h):
        pltpu.async_copy(arr_hbm.at[pl.ds(base, EPT)], idx_v, sem_p)

        def fill_zeros(i, _):
            hist_v[pl.ds(i * LANES, LANES)] = zero16
            return 0

        lax.fori_loop(0, NPAD // LANES, fill_zeros, 0)
        pltpu.make_async_copy(arr_hbm.at[pl.ds(base, EPT)], idx_v,
                              sem_p).wait()

        def hist(i, _):
            iv = idx_v[pl.ds(i * LANES, LANES)]
            plsc.addupdate_scatter(hist_v, [iv], ones16)
            return 0

        lax.fori_loop(0, EPT // LANES, hist, 0)

        pltpu.sync_copy(hist_v, stage_sh.at[sid])
        plsc.subcore_barrier()
        pltpu.sync_copy(stage_sh.at[:, pl.ds(sid * SEG, SEG)], red_v)

        def reduce(v, _):
            sl = pl.ds(v * LANES, LANES)
            acc = zero16
            for t in range(NS):
                acc = acc + red_v[t, sl]
            res_v[sl] = _rsqrt_newton(jnp.maximum(acc, 1.0))
            return 0

        lax.fori_loop(0, SEG // LANES, reduce, 0)
        pltpu.sync_copy(res_v, out_hbm.at[h, pl.ds(sid * SEG, SEG)])

    @pl.when(cid == 0)
    def _():
        _histogram(src_hbm, 0)

    @pl.when(cid == 1)
    def _():
        _histogram(dst_hbm, 1)


_deg_call = pl.kernel(
    _deg_body,
    out_type=jax.ShapeDtypeStruct((2, NPAD), jnp.float32),
    mesh=plsc.VectorSubcoreMesh(**_MESH),
    compiler_params=_SC_PARAMS,
    scratch_types=[
        pltpu.VMEM((EPT,), jnp.int32),
        pltpu.VMEM((NPAD,), jnp.float32),
        pltpu.VMEM((NS, SEG), jnp.float32),
        pltpu.VMEM((SEG,), jnp.float32),
        pltpu.VMEM_SHARED((NS, NPAD), jnp.float32),
        pltpu.SemaphoreType.DMA,
    ],
)


BR = 1000
NBU = N_U // BR


def _lin_body(u_ref, i_ref, wu_ref, wi_ref, bu_ref, bi_ref, r_ref, o_ref):
    j = pl.program_id(0)
    x = jnp.where(j < NBU, u_ref[...], i_ref[...])
    w = jnp.where(j < NBU, wu_ref[...], wi_ref[...])
    b = jnp.where(j < NBU, bu_ref[...], bi_ref[...])
    y = jnp.dot(x, w, preferred_element_type=jnp.float32) + b
    o_ref[...] = y * r_ref[...]


_lin_call = pl.pallas_call(
    _lin_body,
    grid=(N // BR,),
    in_specs=[
        pl.BlockSpec((BR, D), lambda j: (jnp.minimum(j, NBU - 1), 0)),
        pl.BlockSpec((BR, D), lambda j: (jnp.maximum(j - NBU, 0), 0)),
        pl.BlockSpec((D, D), lambda j: (0, 0)),
        pl.BlockSpec((D, D), lambda j: (0, 0)),
        pl.BlockSpec((1, D), lambda j: (0, 0)),
        pl.BlockSpec((1, D), lambda j: (0, 0)),
        pl.BlockSpec((BR, 1), lambda j: (j, 0)),
    ],
    out_specs=pl.BlockSpec((BR, D), lambda j: (j, 0)),
    out_shape=jax.ShapeDtypeStruct((N, D), jnp.float32),
)


NBUF = 3


def _msg_body(node_hbm, src_hbm, dst_hbm, ef_hbm, out_hbm,
              sidx_v,
              ef0, ef1, ef2,
              didx0, didx1, didx2,
              rows0, rows1, rows2,
              acc_sh, sem_g, sem_d, sem_e, sem_p):
    efs = (ef0, ef1, ef2)
    didx = (didx0, didx1, didx2)
    rows = (rows0, rows1, rows2)
    cid = lax.axis_index("c")
    sid = lax.axis_index("s")
    base = cid * EPC + sid * EPTM

    pltpu.async_copy(src_hbm.at[pl.ds(base, EPTM)], sidx_v, sem_p)

    def issue(j, b):
        pltpu.async_copy(dst_hbm.at[pl.ds(base + j * CH, CH)],
                         didx[b], sem_d.at[b])
        pltpu.async_copy(ef_hbm.at[pl.ds(base + j * CH, CH)],
                         efs[b], sem_e.at[b])
        pltpu.async_copy(node_hbm.at[sidx_v.at[pl.ds(j * CH, CH)]],
                         rows[b], sem_g.at[b])

    def consume(j, b):
        pltpu.make_async_copy(node_hbm.at[sidx_v.at[pl.ds(j * CH, CH)]],
                              rows[b], sem_g.at[b]).wait()
        pltpu.make_async_copy(ef_hbm.at[pl.ds(base + j * CH, CH)],
                              efs[b], sem_e.at[b]).wait()

        def scale(i, _):
            e = plsc.load_gather(efs[b],
                                 [jnp.full((LANES,), i, jnp.int32)])
            for k in range(D // LANES):
                sl = pl.ds(k * LANES, LANES)
                rows[b][i, sl] = rows[b][i, sl] * e
            return 0

        lax.fori_loop(0, CH, scale, 0)
        pltpu.make_async_copy(dst_hbm.at[pl.ds(base + j * CH, CH)],
                              didx[b], sem_d.at[b]).wait()
        pltpu.sync_copy(rows[b], acc_sh.at[didx[b]], add=True)

    def zero_rows(i, _):
        for k in range(D // LANES):
            rows2[i, pl.ds(k * LANES, LANES)] = jnp.zeros((LANES,),
                                                          jnp.float32)
        return 0

    lax.fori_loop(0, CH, zero_rows, 0)
    pltpu.make_async_copy(src_hbm.at[pl.ds(base, EPTM)], sidx_v,
                          sem_p).wait()
    for b in range(NBUF - 1):
        issue(b, b)
    for t in range(SEG // CH):
        pltpu.sync_copy(rows2, acc_sh.at[pl.ds(sid * SEG + t * CH, CH)])
    plsc.subcore_barrier()

    def group(gi, _):
        j0 = gi * NBUF
        for b in range(NBUF):
            j = j0 + b
            consume(j, b)
            bn = (b + NBUF - 1) % NBUF
            jn = j + NBUF - 1

            @pl.when(jn < NCH)
            def _():
                issue(jn, bn)

        return 0

    lax.fori_loop(0, NCH // NBUF, group, 0)
    for j in range((NCH // NBUF) * NBUF, NCH):
        consume(j, j % NBUF)
    plsc.subcore_barrier()

    pltpu.sync_copy(acc_sh.at[pl.ds(sid * SEG, SEG)],
                    out_hbm.at[cid, pl.ds(sid * SEG, SEG)])


_msg_call = pl.kernel(
    _msg_body,
    out_type=jax.ShapeDtypeStruct((NC, NPAD, D), jnp.float32),
    mesh=plsc.VectorSubcoreMesh(**_MESH),
    compiler_params=_SC_PARAMS,
    scratch_types=(
        [pltpu.VMEM((EPTM,), jnp.int32)]
        + [pltpu.VMEM((CH,), jnp.float32) for _ in range(NBUF)]
        + [pltpu.VMEM((CH,), jnp.int32) for _ in range(NBUF)]
        + [pltpu.VMEM((CH, D), jnp.float32) for _ in range(NBUF)]
        + [pltpu.VMEM_SHARED((NPAD, D), jnp.float32),
           pltpu.SemaphoreType.DMA((NBUF,)),
           pltpu.SemaphoreType.DMA((NBUF,)),
           pltpu.SemaphoreType.DMA((NBUF,)),
           pltpu.SemaphoreType.DMA]
    ),
)


def _fin_body(p0_ref, p1_ref, r_ref, o_ref):
    o_ref[...] = (p0_ref[0] + p1_ref[0]) * r_ref[...]


_fin_call = pl.pallas_call(
    _fin_body,
    grid=(N // BR,),
    in_specs=[
        pl.BlockSpec((1, BR, D), lambda j: (0, j, 0)),
        pl.BlockSpec((1, BR, D), lambda j: (1, j, 0)),
        pl.BlockSpec((BR, 1), lambda j: (j, 0)),
    ],
    out_specs=pl.BlockSpec((BR, D), lambda j: (j, 0)),
    out_shape=jax.ShapeDtypeStruct((N, D), jnp.float32),
)


@jax.jit
def kernel(u_f, i_f, edge_index, e_f, Wu, bu, Wi, bi):
    src = edge_index[0]
    dst = edge_index[1]

    invs = _deg_call(src, dst)
    inv_out = invs[0, :N].reshape(N, 1)
    inv_in = invs[1, :N].reshape(N, 1)

    node = _lin_call(u_f, i_f, Wu.T, Wi.T, bu.reshape(1, D),
                     bi.reshape(1, D), inv_out)

    parts = _msg_call(node, src, dst, e_f)
    return _fin_call(parts, parts, inv_in)

# --- scband reference (transcript-rebuilt; emitter-appended) ---
"""Pipeline reference for scband-gcnlayer-88699664597653 (READ-ONLY COPY).

The authoritative reference and input builder live on the scoring server;
editing this copy changes nothing except your own understanding.
"""

import jax, jax.numpy as jnp
import numpy as np

N_U = 5000
N_I = 5000
N = N_U + N_I
E = 320000
D_IN = 128
D_OUT = 128


def setup_inputs(seed: int = 0) -> dict:
    key = jax.random.key(seed)
    ks = jax.random.split(key, 8)
    u_f = jax.random.normal(ks[0], (N_U, D_IN), dtype=jnp.float32)
    i_f = jax.random.normal(ks[1], (N_I, D_IN), dtype=jnp.float32)
    edge_index = jax.random.randint(ks[2], (2, E), 0, N, dtype=jnp.int32)
    e_f = jax.random.uniform(ks[3], (E,), dtype=jnp.float32)
    # Linear layer params (xavier_uniform for weights, default-style bias)
    limit = float(np.sqrt(6.0 / (D_IN + D_OUT)))
    Wu = jax.random.uniform(ks[4], (D_OUT, D_IN), dtype=jnp.float32, minval=-limit, maxval=limit)
    Wi = jax.random.uniform(ks[5], (D_OUT, D_IN), dtype=jnp.float32, minval=-limit, maxval=limit)
    b_limit = float(1.0 / np.sqrt(D_IN))
    bu = jax.random.uniform(ks[6], (D_OUT,), dtype=jnp.float32, minval=-b_limit, maxval=b_limit)
    bi = jax.random.uniform(ks[7], (D_OUT,), dtype=jnp.float32, minval=-b_limit, maxval=b_limit)
    return {"u_f": u_f, "i_f": i_f, "edge_index": edge_index, "e_f": e_f,
            "Wu": Wu, "bu": bu, "Wi": Wi, "bi": bi}


def reference(u_f, i_f, edge_index, e_f, Wu, bu, Wi, bi):
    # Linear transforms (self.weight == True)
    u = u_f @ Wu.T + bu
    it = i_f @ Wi.T + bi
    node_f = jnp.concatenate([u, it], axis=0)  # [N, D_OUT]
    src = edge_index[0]
    dst = edge_index[1]
    # out-degree normalization (symmetric GCN norm, src side)
    out_deg = jnp.maximum(jnp.bincount(src, length=N).astype(jnp.float32), 1.0)
    node_f = node_f * (out_deg ** -0.5)[:, None]
    # message: edge weight * src feature; reduce: sum over dst
    m = e_f[:, None] * jnp.take(node_f, src, axis=0)  # [E, D_OUT]
    rst = jnp.zeros((N, D_OUT), dtype=jnp.float32).at[dst].add(m)
    # in-degree normalization (dst side)
    in_deg = jnp.maximum(jnp.bincount(dst, length=N).astype(jnp.float32), 1.0)
    rst = rst * (in_deg ** -0.5)[:, None]
    # activation is None
    return rst

if __name__ == "__main__":
    import jax
    _d = setup_inputs()
    print(jax.jit(kernel)(*tuple(_d.values())))

</pallas_src>

<mosaic_0001>
#map = affine_map<(d0, d1) -> (0)>
#map1 = affine_map<(d0, d1) -> (0, 0)>
module attributes {stable_mosaic.version = 14 : i64} {
  func.func @_deg_body(%arg0: i32, %arg1: i32, %arg2: memref<320000xi32, #tpu.memory_space<hbm>>, %arg3: memref<320000xi32, #tpu.memory_space<hbm>>, %arg4: memref<2x10240xf32, #tpu.memory_space<hbm>>, %arg5: memref<20000xi32, #tpu.memory_space<vmem>>, %arg6: memref<10240xf32, #tpu.memory_space<vmem>>, %arg7: memref<16x640xf32, #tpu.memory_space<vmem>>, %arg8: memref<640xf32, #tpu.memory_space<vmem>>, %arg9: memref<16x10240xf32, #tpu.memory_space<vmem_shared>>, %arg10: memref<!tpu.dma_semaphore, #tpu.memory_space<semaphore_mem>>) attributes {dimension_semantics = [#tpu.dimension_semantics<core_parallel>, #tpu.dimension_semantics<subcore_parallel>], iteration_bounds = array<i64: 2, 16>, scalar_prefetch = 0 : i64, scratch_operands = 6 : i64, tpu.core_type = #tpu.core_type<sc_vector_subcore>, window_params = [{transform_indices = #map}, {transform_indices = #map}, {transform_indices = #map1}]} {
    %broadcast_in_dim3A = arith.constant 0.000000e+00 : f32
    %broadcast_in_dim3A_0 = vector.broadcast %broadcast_in_dim3A : f32 to vector<16xf32>
    %broadcast_in_dim3A_1 = arith.constant 1.000000e+00 : f32
    %broadcast_in_dim3A_2 = vector.broadcast %broadcast_in_dim3A_1 : f32 to vector<16xf32>
    %mul3A = arith.constant 20000 : i32
    %mul3A_3 = arith.muli %arg1, %mul3A : i32
    %eq3A = arith.constant 0 : i32
    %eq3A_4 = arith.cmpi eq, %arg0, %eq3A : i32
    %convert_element_type3A = arith.extui %eq3A_4 : i1 to i32
    %cond3A = arith.constant 0 : i32
    %cond3A_5 = arith.cmpi ne, %convert_element_type3A, %cond3A : i32
    scf.if %cond3A_5 {
      %dma_start3A = tpu.memref_slice %arg2[%mul3A_3] : memref<320000xi32, #tpu.memory_space<hbm>> -> memref<20000xi32, #tpu.memory_space<hbm>>
      %dma_start3A_11 = tpu.memref_slice %arg2[%mul3A_3] : memref<320000xi32, #tpu.memory_space<hbm>> -> memref<20000xi32, #tpu.memory_space<hbm>>
      tpu.enqueue_dma source(%dma_start3A_11 : memref<20000xi32, #tpu.memory_space<hbm>>) target(%arg5 : memref<20000xi32, #tpu.memory_space<vmem>>) target_semaphore(%arg10 : memref<!tpu.dma_semaphore, #tpu.memory_space<semaphore_mem>>)
      %scan3A = arith.constant 0 : i32
      %scan3A_12 = arith.constant 0 : i32
      %scan3A_13 = arith.constant 640 : i32
      %scan3A_14 = arith.addi %scan3A_12, %scan3A_13 : i32
      %scan3A_15 = arith.constant 1 : i32
      %scan3A_16 = scf.for %scan3A_37 = %scan3A_12 to %scan3A_14 step %scan3A_15 iter_args(%scan3A_38 = %scan3A) -> (i32)  : i32 {
        %mul3A_39 = arith.constant 16 : i32
        %mul3A_40 = arith.muli %scan3A_37, %mul3A_39 : i32
        %swap3A = arith.index_cast %mul3A_40 : i32 to index
        %swap3A_41 = tpu.vector_load %arg6[%swap3A] {strides = array<i32>} : memref<10240xf32, #tpu.memory_space<vmem>>, vector<16xf32>,
        tpu.vector_store %arg6[%swap3A], %broadcast_in_dim3A_0 {strides = array<i32>} : memref<10240xf32, #tpu.memory_space<vmem>>, vector<16xf32>,
        %scan3A_42 = arith.constant 0 : i32
        scf.yield %scan3A_42 : i32
      }
      %scan3A_17 = arith.constant 640 : i32
      %dma_wait3A = tpu.memref_slice %arg2[%mul3A_3] : memref<320000xi32, #tpu.memory_space<hbm>> -> memref<20000xi32, #tpu.memory_space<hbm>>
      %dma_wait3A_18 = tpu.memref_slice %arg2[%mul3A_3] : memref<320000xi32, #tpu.memory_space<hbm>> -> memref<20000xi32, #tpu.memory_space<hbm>>
      tpu.wait_dma2 semaphore(%arg10 : memref<!tpu.dma_semaphore, #tpu.memory_space<semaphore_mem>>) src(%dma_wait3A_18 : memref<20000xi32, #tpu.memory_space<hbm>>) dst(%arg5 : memref<20000xi32, #tpu.memory_space<vmem>>)
      %scan3A_19 = arith.constant 0 : i32
      %scan3A_20 = arith.constant 0 : i32
      %scan3A_21 = arith.constant 1250 : i32
      %scan3A_22 = arith.addi %scan3A_20, %scan3A_21 : i32
      %scan3A_23 = arith.constant 1 : i32
      %scan3A_24 = scf.for %scan3A_37 = %scan3A_20 to %scan3A_22 step %scan3A_23 iter_args(%scan3A_38 = %scan3A_19) -> (i32)  : i32 {
        %mul3A_39 = arith.constant 16 : i32
        %mul3A_40 = arith.muli %scan3A_37, %mul3A_39 : i32
        %get3A = arith.index_cast %mul3A_40 : i32 to index
        %get3A_41 = tpu.vector_load %arg5[%get3A] {strides = array<i32>} : memref<20000xi32, #tpu.memory_space<vmem>>, vector<16xi32>,
        tpu.vector_store_idx %arg6[%get3A_41], %broadcast_in_dim3A_2 {add = true} : memref<10240xf32, #tpu.memory_space<vmem>>[vector<16xi32>], vector<16xf32>,
        %scan3A_42 = arith.constant 0 : i32
        scf.yield %scan3A_42 : i32
      }
      %scan3A_25 = arith.constant 1250 : i32
      "tpu.region"() ({
        %run_scoped3A_37 = tpu.sem_alloc : memref<!tpu.dma_semaphore, #tpu.memory_space<semaphore_mem>>
        %dma_start3A_38 = arith.constant 0 : i32
        %dma_start3A_39 = tpu.memref_slice %arg9[%arg1, %dma_start3A_38] : memref<16x10240xf32, #tpu.memory_space<vmem_shared>> -> memref<1x10240xf32, #tpu.memory_space<vmem_shared>>
        %dma_start3A_40 = tpu.memref_squeeze %dma_start3A_39 : memref<1x10240xf32, #tpu.memory_space<vmem_shared>> -> memref<10240xf32, #tpu.memory_space<vmem_shared>>
        %dma_start3A_41 = arith.constant 0 : i32
        %dma_start3A_42 = tpu.memref_slice %arg9[%arg1, %dma_start3A_41] : memref<16x10240xf32, #tpu.memory_space<vmem_shared>> -> memref<1x10240xf32, #tpu.memory_space<vmem_shared>>
        %dma_start3A_43 = tpu.memref_squeeze %dma_start3A_42 : memref<1x10240xf32, #tpu.memory_space<vmem_shared>> -> memref<10240xf32, #tpu.memory_space<vmem_shared>>
        tpu.enqueue_dma source(%arg6 : memref<10240xf32, #tpu.memory_space<vmem>>) target(%dma_start3A_43 : memref<10240xf32, #tpu.memory_space<vmem_shared>>) target_semaphore(%run_scoped3A_37 : memref<!tpu.dma_semaphore, #tpu.memory_space<semaphore_mem>>)
        %dma_wait3A_44 = arith.constant 0 : i32
        %dma_wait3A_45 = tpu.memref_slice %arg9[%arg1, %dma_wait3A_44] : memref<16x10240xf32, #tpu.memory_space<vmem_shared>> -> memref<1x10240xf32, #tpu.memory_space<vmem_shared>>
        %dma_wait3A_46 = tpu.memref_squeeze %dma_wait3A_45 : memref<1x10240xf32, #tpu.memory_space<vmem_shared>> -> memref<10240xf32, #tpu.memory_space<vmem_shared>>
        %dma_wait3A_47 = arith.constant 0 : i32
        %dma_wait3A_48 = tpu.memref_slice %arg9[%arg1, %dma_wait3A_47] : memref<16x10240xf32, #tpu.memory_space<vmem_shared>> -> memref<1x10240xf32, #tpu.memory_space<vmem_shared>>
        %dma_wait3A_49 = tpu.memref_squeeze %dma_wait3A_48 : memref<1x10240xf32, #tpu.memory_space<vmem_shared>> -> memref<10240xf32, #tpu.memory_space<vmem_shared>>
        tpu.wait_dma2 semaphore(%run_scoped3A_37 : memref<!tpu.dma_semaphore, #tpu.memory_space<semaphore_mem>>) src(%arg6 : memref<10240xf32, #tpu.memory_space<vmem>>) dst(%dma_wait3A_49 : memref<10240xf32, #tpu.memory_space<vmem_shared>>)
        tpu.yield
      }) : () -> ()
      %barrier3A = arith.constant 0 : index
      tpu.barrier barrier_id(%barrier3A)
      %mul3A_26 = arith.constant 640 : i32
      %mul3A_27 = arith.muli %arg1, %mul3A_26 : i32
      "tpu.region"() ({
        %run_scoped3A_37 = tpu.sem_alloc : memref<!tpu.dma_semaphore, #tpu.memory_space<semaphore_mem>>
        %dma_start3A_38 = arith.constant 0 : i32
        %dma_start3A_39 = tpu.memref_slice %arg9[%dma_start3A_38, %mul3A_27] : memref<16x10240xf32, #tpu.memory_space<vmem_shared>> -> memref<16x640xf32, #tpu.memory_space<vmem_shared>>
        %dma_start3A_40 = arith.constant 0 : i32
        %dma_start3A_41 = tpu.memref_slice %arg9[%dma_start3A_40, %mul3A_27] : memref<16x10240xf32, #tpu.memory_space<vmem_shared>> -> memref<16x640xf32, #tpu.memory_space<vmem_shared>>
        tpu.enqueue_dma source(%dma_start3A_41 : memref<16x640xf32, #tpu.memory_space<vmem_shared>>) target(%arg7 : memref<16x640xf32, #tpu.memory_space<vmem>>) target_semaphore(%run_scoped3A_37 : memref<!tpu.dma_semaphore, #tpu.memory_space<semaphore_mem>>)
        %dma_wait3A_42 = arith.constant 0 : i32
        %dma_wait3A_43 = tpu.memref_slice %arg9[%dma_wait3A_42, %mul3A_27] : memref<16x10240xf32, #tpu.memory_space<vmem_shared>> -> memref<16x640xf32, #tpu.memory_space<vmem_shared>>
        %dma_wait3A_44 = arith.constant 0 : i32
        %dma_wait3A_45 = tpu.memref_slice %arg9[%dma_wait3A_44, %mul3A_27] : memref<16x10240xf32, #tpu.memory_space<vmem_shared>> -> memref<16x640xf32, #tpu.memory_space<vmem_shared>>
        tpu.wait_dma2 semaphore(%run_scoped3A_37 : memref<!tpu.dma_semaphore, #tpu.memory_space<semaphore_mem>>) src(%dma_wait3A_45 : memref<16x640xf32, #tpu.memory_space<vmem_shared>>) dst(%arg7 : memref<16x640xf32, #tpu.memory_space<vmem>>)
        tpu.yield
      }) : () -> ()
      %scan3A_28 = arith.constant 0 : i32
      %scan3A_29 = arith.constant 0 : i32
      %scan3A_30 = arith.constant 40 : i32
      %scan3A_31 = arith.addi %scan3A_29, %scan3A_30 : i32
      %scan3A_32 = arith.constant 1 : i32
      %scan3A_33 = scf.for %scan3A_37 = %scan3A_29 to %scan3A_31 step %scan3A_32 iter_args(%scan3A_38 = %scan3A_28) -> (i32)  : i32 {
        %mul3A_39 = arith.constant 16 : i32
        %mul3A_40 = arith.muli %scan3A_37, %mul3A_39 : i32
        %get3A = arith.constant 0 : i32
        %get3A_41 = arith.index_cast %get3A : i32 to index
        %get3A_42 = arith.index_cast %mul3A_40 : i32 to index
        %get3A_43 = tpu.vector_load %arg7[%get3A_41, %get3A_42] {strides = array<i32>} : memref<16x640xf32, #tpu.memory_space<vmem>>, vector<16xf32>,
        %add3A = arith.addf %broadcast_in_dim3A_0, %get3A_43 : vector<16xf32>
        %get3A_44 = arith.constant 1 : i32
        %get3A_45 = arith.index_cast %get3A_44 : i32 to index
        %get3A_46 = arith.index_cast %mul3A_40 : i32 to index
        %get3A_47 = tpu.vector_load %arg7[%get3A_45, %get3A_46] {strides = array<i32>} : memref<16x640xf32, #tpu.memory_space<vmem>>, vector<16xf32>,
        %add3A_48 = arith.addf %add3A, %get3A_47 : vector<16xf32>
        %get3A_49 = arith.constant 2 : i32
        %get3A_50 = arith.index_cast %get3A_49 : i32 to index
        %get3A_51 = arith.index_cast %mul3A_40 : i32 to index
        %get3A_52 = tpu.vector_load %arg7[%get3A_50, %get3A_51] {strides = array<i32>} : memref<16x640xf32, #tpu.memory_space<vmem>>, vector<16xf32>,
        %add3A_53 = arith.addf %add3A_48, %get3A_52 : vector<16xf32>
        %get3A_54 = arith.constant 3 : i32
        %get3A_55 = arith.index_cast %get3A_54 : i32 to index
        %get3A_56 = arith.index_cast %mul3A_40 : i32 to index
        %get3A_57 = tpu.vector_load %arg7[%get3A_55, %get3A_56] {strides = array<i32>} : memref<16x640xf32, #tpu.memory_space<vmem>>, vector<16xf32>,
        %add3A_58 = arith.addf %add3A_53, %get3A_57 : vector<16xf32>
        %get3A_59 = arith.constant 4 : i32
        %get3A_60 = arith.index_cast %get3A_59 : i32 to index
        %get3A_61 = arith.index_cast %mul3A_40 : i32 to index
        %get3A_62 = tpu.vector_load %arg7[%get3A_60, %get3A_61] {strides = array<i32>} : memref<16x640xf32, #tpu.memory_space<vmem>>, vector<16xf32>,
        %add3A_63 = arith.addf %add3A_58, %get3A_62 : vector<16xf32>
        %get3A_64 = arith.constant 5 : i32
        %get3A_65 = arith.index_cast %get3A_64 : i32 to index
        %get3A_66 = arith.index_cast %mul3A_40 : i32 to index
        %get3A_67 = tpu.vector_load %arg7[%get3A_65, %get3A_66] {strides = array<i32>} : memref<16x640xf32, #tpu.memory_space<vmem>>, vector<16xf32>,
        %add3A_68 = arith.addf %add3A_63, %get3A_67 : vector<16xf32>
        %get3A_69 = arith.constant 6 : i32
        %get3A_70 = arith.index_cast %get3A_69 : i32 to index
        %get3A_71 = arith.index_cast %mul3A_40 : i32 to index
        %get3A_72 = tpu.vector_load %arg7[%get3A_70, %get3A_71] {strides = array<i32>} : memref<16x640xf32, #tpu.memory_space<vmem>>, vector<16xf32>,
        %add3A_73 = arith.addf %add3A_68, %get3A_72 : vector<16xf32>
        %get3A_74 = arith.constant 7 : i32
        %get3A_75 = arith.index_cast %get3A_74 : i32 to index
        %get3A_76 = arith.index_cast %mul3A_40 : i32 to index
        %get3A_77 = tpu.vector_load %arg7[%get3A_75, %get3A_76] {strides = array<i32>} : memref<16x640xf32, #tpu.memory_space<vmem>>, vector<16xf32>,
        %add3A_78 = arith.addf %add3A_73, %get3A_77 : vector<16xf32>
        %get3A_79 = arith.constant 8 : i32
        %get3A_80 = arith.index_cast %get3A_79 : i32 to index
        %get3A_81 = arith.index_cast %mul3A_40 : i32 to index
        %get3A_82 = tpu.vector_load %arg7[%get3A_80, %get3A_81] {strides = array<i32>} : memref<16x640xf32, #tpu.memory_space<vmem>>, vector<16xf32>,
        %add3A_83 = arith.addf %add3A_78, %get3A_82 : vector<16xf32>
        %get3A_84 = arith.constant 9 : i32
        %get3A_85 = arith.index_cast %get3A_84 : i32 to index
        %get3A_86 = arith.index_cast %mul3A_40 : i32 to index
        %get3A_87 = tpu.vector_load %arg7[%get3A_85, %get3A_86] {strides = array<i32>} : memref<16x640xf32, #tpu.memory_space<vmem>>, vector<16xf32>,
        %add3A_88 = arith.addf %add3A_83, %get3A_87 : vector<16xf32>
        %get3A_89 = arith.constant 10 : i32
        %get3A_90 = arith.index_cast %get3A_89 : i32 to index
        %get3A_91 = arith.index_cast %mul3A_40 : i32 to index
        %get3A_92 = tpu.vector_load %arg7[%get3A_90, %get3A_91] {strides = array<i32>} : memref<16x640xf32, #tpu.memory_space<vmem>>, vector<16xf32>,
        %add3A_93 = arith.addf %add3A_88, %get3A_92 : vector<16xf32>
        %get3A_94 = arith.constant 11 : i32
        %get3A_95 = arith.index_cast %get3A_94 : i32 to index
        %get3A_96 = arith.index_cast %mul3A_40 : i32 to index
        %get3A_97 = tpu.vector_load %arg7[%get3A_95, %get3A_96] {strides = array<i32>} : memref<16x640xf32, #tpu.memory_space<vmem>>, vector<16xf32>,
        %add3A_98 = arith.addf %add3A_93, %get3A_97 : vector<16xf32>
        %get3A_99 = arith.constant 12 : i32
        %get3A_100 = arith.index_cast %get3A_99 : i32 to index
        %get3A_101 = arith.index_cast %mul3A_40 : i32 to index
        %get3A_102 = tpu.vector_load %arg7[%get3A_100, %get3A_101] {strides = array<i32>} : memref<16x640xf32, #tpu.memory_space<vmem>>, vector<16xf32>,
        %add3A_103 = arith.addf %add3A_98, %get3A_102 : vector<16xf32>
        %get3A_104 = arith.constant 13 : i32
        %get3A_105 = arith.index_cast %get3A_104 : i32 to index
        %get3A_106 = arith.index_cast %mul3A_40 : i32 to index
        %get3A_107 = tpu.vector_load %arg7[%get3A_105, %get3A_106] {strides = array<i32>} : memref<16x640xf32, #tpu.memory_space<vmem>>, vector<16xf32>,
        %add3A_108 = arith.addf %add3A_103, %get3A_107 : vector<16xf32>
        %get3A_109 = arith.constant 14 : i32
        %get3A_110 = arith.index_cast %get3A_109 : i32 to index
        %get3A_111 = arith.index_cast %mul3A_40 : i32 to index
        %get3A_112 = tpu.vector_load %arg7[%get3A_110, %get3A_111] {strides = array<i32>} : memref<16x640xf32, #tpu.memory_space<vmem>>, vector<16xf32>,
        %add3A_113 = arith.addf %add3A_108, %get3A_112 : vector<16xf32>
        %get3A_114 = arith.constant 15 : i32
        %get3A_115 = arith.index_cast %get3A_114 : i32 to index
        %get3A_116 = arith.index_cast %mul3A_40 : i32 to index
        %get3A_117 = tpu.vector_load %arg7[%get3A_115, %get3A_116] {strides = array<i32>} : memref<16x640xf32, #tpu.memory_space<vmem>>, vector<16xf32>,
        %add3A_118 = arith.addf %add3A_113, %get3A_117 : vector<16xf32>
        %max3A = arith.constant 1.000000e+00 : f32
        %max3A_119 = vector.broadcast %max3A : f32 to vector<16xf32>
        %max3A_120 = arith.maximumf %add3A_118, %max3A_119 : vector<16xf32>
        %bitcast3A = vector.bitcast %max3A_120 : vector<16xf32> to vector<16xi32>
        %shift_right_logical3A = arith.constant 1 : i32
        %shift_right_logical3A_121 = vector.broadcast %shift_right_logical3A : i32 to vector<16xi32>
        %shift_right_logical3A_122 = arith.shrui %bitcast3A, %shift_right_logical3A_121 : vector<16xi32>
        %sub3A = arith.constant 1597463007 : i32
        %sub3A_123 = vector.broadcast %sub3A : i32 to vector<16xi32>
        %sub3A_124 = arith.subi %sub3A_123, %shift_right_logical3A_122 : vector<16xi32>
        %bitcast3A_125 = vector.bitcast %sub3A_124 : vector<16xi32> to vector<16xf32>
        %mul3A_126 = arith.constant 5.000000e-01 : f32
        %mul3A_127 = vector.broadcast %mul3A_126 : f32 to vector<16xf32>
        %mul3A_128 = arith.mulf %mul3A_127, %max3A_120 : vector<16xf32>
        %mul3A_129 = arith.mulf %mul3A_128, %bitcast3A_125 : vector<16xf32>
        %mul3A_130 = arith.mulf %mul3A_129, %bitcast3A_125 : vector<16xf32>
        %sub3A_131 = arith.constant 1.500000e+00 : f32
        %sub3A_132 = vector.broadcast %sub3A_131 : f32 to vector<16xf32>
        %sub3A_133 = arith.subf %sub3A_132, %mul3A_130 : vector<16xf32>
        %mul3A_134 = arith.mulf %bitcast3A_125, %sub3A_133 : vector<16xf32>
        %mul3A_135 = arith.constant 5.000000e-01 : f32
        %mul3A_136 = vector.broadcast %mul3A_135 : f32 to vector<16xf32>
        %mul3A_137 = arith.mulf %mul3A_136, %max3A_120 : vector<16xf32>
        %mul3A_138 = arith.mulf %mul3A_137, %mul3A_134 : vector<16xf32>
        %mul3A_139 = arith.mulf %mul3A_138, %mul3A_134 : vector<16xf32>
        %sub3A_140 = arith.constant 1.500000e+00 : f32
        %sub3A_141 = vector.broadcast %sub3A_140 : f32 to vector<16xf32>
        %sub3A_142 = arith.subf %sub3A_141, %mul3A_139 : vector<16xf32>
        %mul3A_143 = arith.mulf %mul3A_134, %sub3A_142 : vector<16xf32>
        %mul3A_144 = arith.constant 5.000000e-01 : f32
        %mul3A_145 = vector.broadcast %mul3A_144 : f32 to vector<16xf32>
        %mul3A_146 = arith.mulf %mul3A_145, %max3A_120 : vector<16xf32>
        %mul3A_147 = arith.mulf %mul3A_146, %mul3A_143 : vector<16xf32>
        %mul3A_148 = arith.mulf %mul3A_147, %mul3A_143 : vector<16xf32>
        %sub3A_149 = arith.constant 1.500000e+00 : f32
        %sub3A_150 = vector.broadcast %sub3A_149 : f32 to vector<16xf32>
        %sub3A_151 = arith.subf %sub3A_150, %mul3A_148 : vector<16xf32>
        %mul3A_152 = arith.mulf %mul3A_143, %sub3A_151 : vector<16xf32>
        %swap3A = arith.index_cast %mul3A_40 : i32 to index
        %swap3A_153 = tpu.vector_load %arg8[%swap3A] {strides = array<i32>} : memref<640xf32, #tpu.memory_space<vmem>>, vector<16xf32>,
        tpu.vector_store %arg8[%swap3A], %mul3A_152 {strides = array<i32>} : memref<640xf32, #tpu.memory_space<vmem>>, vector<16xf32>,
        %scan3A_154 = arith.constant 0 : i32
        scf.yield %scan3A_154 : i32
      }
      %scan3A_34 = arith.constant 40 : i32
      %mul3A_35 = arith.constant 640 : i32
      %mul3A_36 = arith.muli %arg1, %mul3A_35 : i32
      %run_scoped3A = arith.constant 0 : i32
      "tpu.region"() ({
        %run_scoped3A_37 = tpu.sem_alloc : memref<!tpu.dma_semaphore, #tpu.memory_space<semaphore_mem>>
        %dma_start3A_38 = tpu.memref_slice %arg4[%run_scoped3A, %mul3A_36] : memref<2x10240xf32, #tpu.memory_space<hbm>> -> memref<1x640xf32, #tpu.memory_space<hbm>>
        %dma_start3A_39 = tpu.memref_squeeze %dma_start3A_38 : memref<1x640xf32, #tpu.memory_space<hbm>> -> memref<640xf32, #tpu.memory_space<hbm>>
        %dma_start3A_40 = tpu.memref_slice %arg4[%run_scoped3A, %mul3A_36] : memref<2x10240xf32, #tpu.memory_space<hbm>> -> memref<1x640xf32, #tpu.memory_space<hbm>>
        %dma_start3A_41 = tpu.memref_squeeze %dma_start3A_40 : memref<1x640xf32, #tpu.memory_space<hbm>> -> memref<640xf32, #tpu.memory_space<hbm>>
        tpu.enqueue_dma source(%arg8 : memref<640xf32, #tpu.memory_space<vmem>>) target(%dma_start3A_41 : memref<640xf32, #tpu.memory_space<hbm>>) target_semaphore(%run_scoped3A_37 : memref<!tpu.dma_semaphore, #tpu.memory_space<semaphore_mem>>)
        %dma_wait3A_42 = tpu.memref_slice %arg4[%run_scoped3A, %mul3A_36] : memref<2x10240xf32, #tpu.memory_space<hbm>> -> memref<1x640xf32, #tpu.memory_space<hbm>>
        %dma_wait3A_43 = tpu.memref_squeeze %dma_wait3A_42 : memref<1x640xf32, #tpu.memory_space<hbm>> -> memref<640xf32, #tpu.memory_space<hbm>>
        %dma_wait3A_44 = tpu.memref_slice %arg4[%run_scoped3A, %mul3A_36] : memref<2x10240xf32, #tpu.memory_space<hbm>> -> memref<1x640xf32, #tpu.memory_space<hbm>>
        %dma_wait3A_45 = tpu.memref_squeeze %dma_wait3A_44 : memref<1x640xf32, #tpu.memory_space<hbm>> -> memref<640xf32, #tpu.memory_space<hbm>>
        tpu.wait_dma2 semaphore(%run_scoped3A_37 : memref<!tpu.dma_semaphore, #tpu.memory_space<semaphore_mem>>) src(%arg8 : memref<640xf32, #tpu.memory_space<vmem>>) dst(%dma_wait3A_45 : memref<640xf32, #tpu.memory_space<hbm>>)
        tpu.yield
      }) : () -> ()
    } else {
    }
    %eq3A_6 = arith.constant 1 : i32
    %eq3A_7 = arith.cmpi eq, %arg0, %eq3A_6 : i32
    %convert_element_type3A_8 = arith.extui %eq3A_7 : i1 to i32
    %cond3A_9 = arith.constant 0 : i32
    %cond3A_10 = arith.cmpi ne, %convert_element_type3A_8, %cond3A_9 : i32
    scf.if %cond3A_10 {
      %dma_start3A = tpu.memref_slice %arg3[%mul3A_3] : memref<320000xi32, #tpu.memory_space<hbm>> -> memref<20000xi32, #tpu.memory_space<hbm>>
      %dma_start3A_11 = tpu.memref_slice %arg3[%mul3A_3] : memref<320000xi32, #tpu.memory_space<hbm>> -> memref<20000xi32, #tpu.memory_space<hbm>>
      tpu.enqueue_dma source(%dma_start3A_11 : memref<20000xi32, #tpu.memory_space<hbm>>) target(%arg5 : memref<20000xi32, #tpu.memory_space<vmem>>) target_semaphore(%arg10 : memref<!tpu.dma_semaphore, #tpu.memory_space<semaphore_mem>>)
      %scan3A = arith.constant 0 : i32
      %scan3A_12 = arith.constant 0 : i32
      %scan3A_13 = arith.constant 640 : i32
      %scan3A_14 = arith.addi %scan3A_12, %scan3A_13 : i32
      %scan3A_15 = arith.constant 1 : i32
      %scan3A_16 = scf.for %scan3A_37 = %scan3A_12 to %scan3A_14 step %scan3A_15 iter_args(%scan3A_38 = %scan3A) -> (i32)  : i32 {
        %mul3A_39 = arith.constant 16 : i32
        %mul3A_40 = arith.muli %scan3A_37, %mul3A_39 : i32
        %swap3A = arith.index_cast %mul3A_40 : i32 to index
        %swap3A_41 = tpu.vector_load %arg6[%swap3A] {strides = array<i32>} : memref<10240xf32, #tpu.memory_space<vmem>>, vector<16xf32>,
        tpu.vector_store %arg6[%swap3A], %broadcast_in_dim3A_0 {strides = array<i32>} : memref<10240xf32, #tpu.memory_space<vmem>>, vector<16xf32>,
        %scan3A_42 = arith.constant 0 : i32
        scf.yield %scan3A_42 : i32
      }
      %scan3A_17 = arith.constant 640 : i32
      %dma_wait3A = tpu.memref_slice %arg3[%mul3A_3] : memref<320000xi32, #tpu.memory_space<hbm>> -> memref<20000xi32, #tpu.memory_space<hbm>>
      %dma_wait3A_18 = tpu.memref_slice %arg3[%mul3A_3] : memref<320000xi32, #tpu.memory_space<hbm>> -> memref<20000xi32, #tpu.memory_space<hbm>>
      tpu.wait_dma2 semaphore(%arg10 : memref<!tpu.dma_semaphore, #tpu.memory_space<semaphore_mem>>) src(%dma_wait3A_18 : memref<20000xi32, #tpu.memory_space<hbm>>) dst(%arg5 : memref<20000xi32, #tpu.memory_space<vmem>>)
      %scan3A_19 = arith.constant 0 : i32
      %scan3A_20 = arith.constant 0 : i32
      %scan3A_21 = arith.constant 1250 : i32
      %scan3A_22 = arith.addi %scan3A_20, %scan3A_21 : i32
      %scan3A_23 = arith.constant 1 : i32
      %scan3A_24 = scf.for %scan3A_37 = %scan3A_20 to %scan3A_22 step %scan3A_23 iter_args(%scan3A_38 = %scan3A_19) -> (i32)  : i32 {
        %mul3A_39 = arith.constant 16 : i32
        %mul3A_40 = arith.muli %scan3A_37, %mul3A_39 : i32
        %get3A = arith.index_cast %mul3A_40 : i32 to index
        %get3A_41 = tpu.vector_load %arg5[%get3A] {strides = array<i32>} : memref<20000xi32, #tpu.memory_space<vmem>>, vector<16xi32>,
        tpu.vector_store_idx %arg6[%get3A_41], %broadcast_in_dim3A_2 {add = true} : memref<10240xf32, #tpu.memory_space<vmem>>[vector<16xi32>], vector<16xf32>,
        %scan3A_42 = arith.constant 0 : i32
        scf.yield %scan3A_42 : i32
      }
      %scan3A_25 = arith.constant 1250 : i32
      "tpu.region"() ({
        %run_scoped3A_37 = tpu.sem_alloc : memref<!tpu.dma_semaphore, #tpu.memory_space<semaphore_mem>>
        %dma_start3A_38 = arith.constant 0 : i32
        %dma_start3A_39 = tpu.memref_slice %arg9[%arg1, %dma_start3A_38] : memref<16x10240xf32, #tpu.memory_space<vmem_shared>> -> memref<1x10240xf32, #tpu.memory_space<vmem_shared>>
        %dma_start3A_40 = tpu.memref_squeeze %dma_start3A_39 : memref<1x10240xf32, #tpu.memory_space<vmem_shared>> -> memref<10240xf32, #tpu.memory_space<vmem_shared>>
        %dma_start3A_41 = arith.constant 0 : i32
        %dma_start3A_42 = tpu.memref_slice %arg9[%arg1, %dma_start3A_41] : memref<16x10240xf32, #tpu.memory_space<vmem_shared>> -> memref<1x10240xf32, #tpu.memory_space<vmem_shared>>
        %dma_start3A_43 = tpu.memref_squeeze %dma_start3A_42 : memref<1x10240xf32, #tpu.memory_space<vmem_shared>> -> memref<10240xf32, #tpu.memory_space<vmem_shared>>
        tpu.enqueue_dma source(%arg6 : memref<10240xf32, #tpu.memory_space<vmem>>) target(%dma_start3A_43 : memref<10240xf32, #tpu.memory_space<vmem_shared>>) target_semaphore(%run_scoped3A_37 : memref<!tpu.dma_semaphore, #tpu.memory_space<semaphore_mem>>)
        %dma_wait3A_44 = arith.constant 0 : i32
        %dma_wait3A_45 = tpu.memref_slice %arg9[%arg1, %dma_wait3A_44] : memref<16x10240xf32, #tpu.memory_space<vmem_shared>> -> memref<1x10240xf32, #tpu.memory_space<vmem_shared>>
        %dma_wait3A_46 = tpu.memref_squeeze %dma_wait3A_45 : memref<1x10240xf32, #tpu.memory_space<vmem_shared>> -> memref<10240xf32, #tpu.memory_space<vmem_shared>>
        %dma_wait3A_47 = arith.constant 0 : i32
        %dma_wait3A_48 = tpu.memref_slice %arg9[%arg1, %dma_wait3A_47] : memref<16x10240xf32, #tpu.memory_space<vmem_shared>> -> memref<1x10240xf32, #tpu.memory_space<vmem_shared>>
        %dma_wait3A_49 = tpu.memref_squeeze %dma_wait3A_48 : memref<1x10240xf32, #tpu.memory_space<vmem_shared>> -> memref<10240xf32, #tpu.memory_space<vmem_shared>>
        tpu.wait_dma2 semaphore(%run_scoped3A_37 : memref<!tpu.dma_semaphore, #tpu.memory_space<semaphore_mem>>) src(%arg6 : memref<10240xf32, #tpu.memory_space<vmem>>) dst(%dma_wait3A_49 : memref<10240xf32, #tpu.memory_space<vmem_shared>>)
        tpu.yield
      }) : () -> ()
      %barrier3A = arith.constant 0 : index
      tpu.barrier barrier_id(%barrier3A)
      %mul3A_26 = arith.constant 640 : i32
      %mul3A_27 = arith.muli %arg1, %mul3A_26 : i32
      "tpu.region"() ({
        %run_scoped3A_37 = tpu.sem_alloc : memref<!tpu.dma_semaphore, #tpu.memory_space<semaphore_mem>>
        %dma_start3A_38 = arith.constant 0 : i32
        %dma_start3A_39 = tpu.memref_slice %arg9[%dma_start3A_38, %mul3A_27] : memref<16x10240xf32, #tpu.memory_space<vmem_shared>> -> memref<16x640xf32, #tpu.memory_space<vmem_shared>>
        %dma_start3A_40 = arith.constant 0 : i32
        %dma_start3A_41 = tpu.memref_slice %arg9[%dma_start3A_40, %mul3A_27] : memref<16x10240xf32, #tpu.memory_space<vmem_shared>> -> memref<16x640xf32, #tpu.memory_space<vmem_shared>>
        tpu.enqueue_dma source(%dma_start3A_41 : memref<16x640xf32, #tpu.memory_space<vmem_shared>>) target(%arg7 : memref<16x640xf32, #tpu.memory_space<vmem>>) target_semaphore(%run_scoped3A_37 : memref<!tpu.dma_semaphore, #tpu.memory_space<semaphore_mem>>)
        %dma_wait3A_42 = arith.constant 0 : i32
        %dma_wait3A_43 = tpu.memref_slice %arg9[%dma_wait3A_42, %mul3A_27] : memref<16x10240xf32, #tpu.memory_space<vmem_shared>> -> memref<16x640xf32, #tpu.memory_space<vmem_shared>>
        %dma_wait3A_44 = arith.constant 0 : i32
        %dma_wait3A_45 = tpu.memref_slice %arg9[%dma_wait3A_44, %mul3A_27] : memref<16x10240xf32, #tpu.memory_space<vmem_shared>> -> memref<16x640xf32, #tpu.memory_space<vmem_shared>>
        tpu.wait_dma2 semaphore(%run_scoped3A_37 : memref<!tpu.dma_semaphore, #tpu.memory_space<semaphore_mem>>) src(%dma_wait3A_45 : memref<16x640xf32, #tpu.memory_space<vmem_shared>>) dst(%arg7 : memref<16x640xf32, #tpu.memory_space<vmem>>)
        tpu.yield
      }) : () -> ()
      %scan3A_28 = arith.constant 0 : i32
      %scan3A_29 = arith.constant 0 : i32
      %scan3A_30 = arith.constant 40 : i32
      %scan3A_31 = arith.addi %scan3A_29, %scan3A_30 : i32
      %scan3A_32 = arith.constant 1 : i32
      %scan3A_33 = scf.for %scan3A_37 = %scan3A_29 to %scan3A_31 step %scan3A_32 iter_args(%scan3A_38 = %scan3A_28) -> (i32)  : i32 {
        %mul3A_39 = arith.constant 16 : i32
        %mul3A_40 = arith.muli %scan3A_37, %mul3A_39 : i32
        %get3A = arith.constant 0 : i32
        %get3A_41 = arith.index_cast %get3A : i32 to index
        %get3A_42 = arith.index_cast %mul3A_40 : i32 to index
        %get3A_43 = tpu.vector_load %arg7[%get3A_41, %get3A_42] {strides = array<i32>} : memref<16x640xf32, #tpu.memory_space<vmem>>, vector<16xf32>,
        %add3A = arith.addf %broadcast_in_dim3A_0, %get3A_43 : vector<16xf32>
        %get3A_44 = arith.constant 1 : i32
        %get3A_45 = arith.index_cast %get3A_44 : i32 to index
        %get3A_46 = arith.index_cast %mul3A_40 : i32 to index
        %get3A_47 = tpu.vector_load %arg7[%get3A_45, %get3A_46] {strides = array<i32>} : memref<16x640xf32, #tpu.memory_space<vmem>>, vector<16xf32>,
        %add3A_48 = arith.addf %add3A, %get3A_47 : vector<16xf32>
        %get3A_49 = arith.constant 2 : i32
        %get3A_50 = arith.index_cast %get3A_49 : i32 to index
        %get3A_51 = arith.index_cast %mul3A_40 : i32 to index
        %get3A_52 = tpu.vector_load %arg7[%get3A_50, %get3A_51] {strides = array<i32>} : memref<16x640xf32, #tpu.memory_space<vmem>>, vector<16xf32>,
        %add3A_53 = arith.addf %add3A_48, %get3A_52 : vector<16xf32>
        %get3A_54 = arith.constant 3 : i32
        %get3A_55 = arith.index_cast %get3A_54 : i32 to index
        %get3A_56 = arith.index_cast %mul3A_40 : i32 to index
        %get3A_57 = tpu.vector_load %arg7[%get3A_55, %get3A_56] {strides = array<i32>} : memref<16x640xf32, #tpu.memory_space<vmem>>, vector<16xf32>,
        %add3A_58 = arith.addf %add3A_53, %get3A_57 : vector<16xf32>
        %get3A_59 = arith.constant 4 : i32
        %get3A_60 = arith.index_cast %get3A_59 : i32 to index
        %get3A_61 = arith.index_cast %mul3A_40 : i32 to index
        %get3A_62 = tpu.vector_load %arg7[%get3A_60, %get3A_61] {strides = array<i32>} : memref<16x640xf32, #tpu.memory_space<vmem>>, vector<16xf32>,
        %add3A_63 = arith.addf %add3A_58, %get3A_62 : vector<16xf32>
        %get3A_64 = arith.constant 5 : i32
        %get3A_65 = arith.index_cast %get3A_64 : i32 to index
        %get3A_66 = arith.index_cast %mul3A_40 : i32 to index
        %get3A_67 = tpu.vector_load %arg7[%get3A_65, %get3A_66] {strides = array<i32>} : memref<16x640xf32, #tpu.memory_space<vmem>>, vector<16xf32>,
        %add3A_68 = arith.addf %add3A_63, %get3A_67 : vector<16xf32>
        %get3A_69 = arith.constant 6 : i32
        %get3A_70 = arith.index_cast %get3A_69 : i32 to index
        %get3A_71 = arith.index_cast %mul3A_40 : i32 to index
        %get3A_72 = tpu.vector_load %arg7[%get3A_70, %get3A_71] {strides = array<i32>} : memref<16x640xf32, #tpu.memory_space<vmem>>, vector<16xf32>,
        %add3A_73 = arith.addf %add3A_68, %get3A_72 : vector<16xf32>
        %get3A_74 = arith.constant 7 : i32
        %get3A_75 = arith.index_cast %get3A_74 : i32 to index
        %get3A_76 = arith.index_cast %mul3A_40 : i32 to index
        %get3A_77 = tpu.vector_load %arg7[%get3A_75, %get3A_76] {strides = array<i32>} : memref<16x640xf32, #tpu.memory_space<vmem>>, vector<16xf32>,
        %add3A_78 = arith.addf %add3A_73, %get3A_77 : vector<16xf32>
        %get3A_79 = arith.constant 8 : i32
        %get3A_80 = arith.index_cast %get3A_79 : i32 to index
        %get3A_81 = arith.index_cast %mul3A_40 : i32 to index
        %get3A_82 = tpu.vector_load %arg7[%get3A_80, %get3A_81] {strides = array<i32>} : memref<16x640xf32, #tpu.memory_space<vmem>>, vector<16xf32>,
        %add3A_83 = arith.addf %add3A_78, %get3A_82 : vector<16xf32>
        %get3A_84 = arith.constant 9 : i32
        %get3A_85 = arith.index_cast %get3A_84 : i32 to index
        %get3A_86 = arith.index_cast %mul3A_40 : i32 to index
        %get3A_87 = tpu.vector_load %arg7[%get3A_85, %get3A_86] {strides = array<i32>} : memref<16x640xf32, #tpu.memory_space<vmem>>, vector<16xf32>,
        %add3A_88 = arith.addf %add3A_83, %get3A_87 : vector<16xf32>
        %get3A_89 = arith.constant 10 : i32
        %get3A_90 = arith.index_cast %get3A_89 : i32 to index
        %get3A_91 = arith.index_cast %mul3A_40 : i32 to index
        %get3A_92 = tpu.vector_load %arg7[%get3A_90, %get3A_91] {strides = array<i32>} : memref<16x640xf32, #tpu.memory_space<vmem>>, vector<16xf32>,
        %add3A_93 = arith.addf %add3A_88, %get3A_92 : vector<16xf32>
        %get3A_94 = arith.constant 11 : i32
        %get3A_95 = arith.index_cast %get3A_94 : i32 to index
        %get3A_96 = arith.index_cast %mul3A_40 : i32 to index
        %get3A_97 = tpu.vector_load %arg7[%get3A_95, %get3A_96] {strides = array<i32>} : memref<16x640xf32, #tpu.memory_space<vmem>>, vector<16xf32>,
        %add3A_98 = arith.addf %add3A_93, %get3A_97 : vector<16xf32>
        %get3A_99 = arith.constant 12 : i32
        %get3A_100 = arith.index_cast %get3A_99 : i32 to index
        %get3A_101 = arith.index_cast %mul3A_40 : i32 to index
        %get3A_102 = tpu.vector_load %arg7[%get3A_100, %get3A_101] {strides = array<i32>} : memref<16x640xf32, #tpu.memory_space<vmem>>, vector<16xf32>,
        %add3A_103 = arith.addf %add3A_98, %get3A_102 : vector<16xf32>
        %get3A_104 = arith.constant 13 : i32
        %get3A_105 = arith.index_cast %get3A_104 : i32 to index
        %get3A_106 = arith.index_cast %mul3A_40 : i32 to index
        %get3A_107 = tpu.vector_load %arg7[%get3A_105, %get3A_106] {strides = array<i32>} : memref<16x640xf32, #tpu.memory_space<vmem>>, vector<16xf32>,
        %add3A_108 = arith.addf %add3A_103, %get3A_107 : vector<16xf32>
        %get3A_109 = arith.constant 14 : i32
        %get3A_110 = arith.index_cast %get3A_109 : i32 to index
        %get3A_111 = arith.index_cast %mul3A_40 : i32 to index
        %get3A_112 = tpu.vector_load %arg7[%get3A_110, %get3A_111] {strides = array<i32>} : memref<16x640xf32, #tpu.memory_space<vmem>>, vector<16xf32>,
        %add3A_113 = arith.addf %add3A_108, %get3A_112 : vector<16xf32>
        %get3A_114 = arith.constant 15 : i32
        %get3A_115 = arith.index_cast %get3A_114 : i32 to index
        %get3A_116 = arith.index_cast %mul3A_40 : i32 to index
        %get3A_117 = tpu.vector_load %arg7[%get3A_115, %get3A_116] {strides = array<i32>} : memref<16x640xf32, #tpu.memory_space<vmem>>, vector<16xf32>,
        %add3A_118 = arith.addf %add3A_113, %get3A_117 : vector<16xf32>
        %max3A = arith.constant 1.000000e+00 : f32
        %max3A_119 = vector.broadcast %max3A : f32 to vector<16xf32>
        %max3A_120 = arith.maximumf %add3A_118, %max3A_119 : vector<16xf32>
        %bitcast3A = vector.bitcast %max3A_120 : vector<16xf32> to vector<16xi32>
        %shift_right_logical3A = arith.constant 1 : i32
        %shift_right_logical3A_121 = vector.broadcast %shift_right_logical3A : i32 to vector<16xi32>
        %shift_right_logical3A_122 = arith.shrui %bitcast3A, %shift_right_logical3A_121 : vector<16xi32>
        %sub3A = arith.constant 1597463007 : i32
        %sub3A_123 = vector.broadcast %sub3A : i32 to vector<16xi32>
        %sub3A_124 = arith.subi %sub3A_123, %shift_right_logical3A_122 : vector<16xi32>
        %bitcast3A_125 = vector.bitcast %sub3A_124 : vector<16xi32> to vector<16xf32>
        %mul3A_126 = arith.constant 5.000000e-01 : f32
        %mul3A_127 = vector.broadcast %mul3A_126 : f32 to vector<16xf32>
        %mul3A_128 = arith.mulf %mul3A_127, %max3A_120 : vector<16xf32>
        %mul3A_129 = arith.mulf %mul3A_128, %bitcast3A_125 : vector<16xf32>
        %mul3A_130 = arith.mulf %mul3A_129, %bitcast3A_125 : vector<16xf32>
        %sub3A_131 = arith.constant 1.500000e+00 : f32
        %sub3A_132 = vector.broadcast %sub3A_131 : f32 to vector<16xf32>
        %sub3A_133 = arith.subf %sub3A_132, %mul3A_130 : vector<16xf32>
        %mul3A_134 = arith.mulf %bitcast3A_125, %sub3A_133 : vector<16xf32>
        %mul3A_135 = arith.constant 5.000000e-01 : f32
        %mul3A_136 = vector.broadcast %mul3A_135 : f32 to vector<16xf32>
        %mul3A_137 = arith.mulf %mul3A_136, %max3A_120 : vector<16xf32>
        %mul3A_138 = arith.mulf %mul3A_137, %mul3A_134 : vector<16xf32>
        %mul3A_139 = arith.mulf %mul3A_138, %mul3A_134 : vector<16xf32>
        %sub3A_140 = arith.constant 1.500000e+00 : f32
        %sub3A_141 = vector.broadcast %sub3A_140 : f32 to vector<16xf32>
        %sub3A_142 = arith.subf %sub3A_141, %mul3A_139 : vector<16xf32>
        %mul3A_143 = arith.mulf %mul3A_134, %sub3A_142 : vector<16xf32>
        %mul3A_144 = arith.constant 5.000000e-01 : f32
        %mul3A_145 = vector.broadcast %mul3A_144 : f32 to vector<16xf32>
        %mul3A_146 = arith.mulf %mul3A_145, %max3A_120 : vector<16xf32>
        %mul3A_147 = arith.mulf %mul3A_146, %mul3A_143 : vector<16xf32>
        %mul3A_148 = arith.mulf %mul3A_147, %mul3A_143 : vector<16xf32>
        %sub3A_149 = arith.constant 1.500000e+00 : f32
        %sub3A_150 = vector.broadcast %sub3A_149 : f32 to vector<16xf32>
        %sub3A_151 = arith.subf %sub3A_150, %mul3A_148 : vector<16xf32>
        %mul3A_152 = arith.mulf %mul3A_143, %sub3A_151 : vector<16xf32>
        %swap3A = arith.index_cast %mul3A_40 : i32 to index
        %swap3A_153 = tpu.vector_load %arg8[%swap3A] {strides = array<i32>} : memref<640xf32, #tpu.memory_space<vmem>>, vector<16xf32>,
        tpu.vector_store %arg8[%swap3A], %mul3A_152 {strides = array<i32>} : memref<640xf32, #tpu.memory_space<vmem>>, vector<16xf32>,
        %scan3A_154 = arith.constant 0 : i32
        scf.yield %scan3A_154 : i32
      }
      %scan3A_34 = arith.constant 40 : i32
      %mul3A_35 = arith.constant 640 : i32
      %mul3A_36 = arith.muli %arg1, %mul3A_35 : i32
      %run_scoped3A = arith.constant 1 : i32
      "tpu.region"() ({
        %run_scoped3A_37 = tpu.sem_alloc : memref<!tpu.dma_semaphore, #tpu.memory_space<semaphore_mem>>
        %dma_start3A_38 = tpu.memref_slice %arg4[%run_scoped3A, %mul3A_36] : memref<2x10240xf32, #tpu.memory_space<hbm>> -> memref<1x640xf32, #tpu.memory_space<hbm>>
        %dma_start3A_39 = tpu.memref_squeeze %dma_start3A_38 : memref<1x640xf32, #tpu.memory_space<hbm>> -> memref<640xf32, #tpu.memory_space<hbm>>
        %dma_start3A_40 = tpu.memref_slice %arg4[%run_scoped3A, %mul3A_36] : memref<2x10240xf32, #tpu.memory_space<hbm>> -> memref<1x640xf32, #tpu.memory_space<hbm>>
        %dma_start3A_41 = tpu.memref_squeeze %dma_start3A_40 : memref<1x640xf32, #tpu.memory_space<hbm>> -> memref<640xf32, #tpu.memory_space<hbm>>
        tpu.enqueue_dma source(%arg8 : memref<640xf32, #tpu.memory_space<vmem>>) target(%dma_start3A_41 : memref<640xf32, #tpu.memory_space<hbm>>) target_semaphore(%run_scoped3A_37 : memref<!tpu.dma_semaphore, #tpu.memory_space<semaphore_mem>>)
        %dma_wait3A_42 = tpu.memref_slice %arg4[%run_scoped3A, %mul3A_36] : memref<2x10240xf32, #tpu.memory_space<hbm>> -> memref<1x640xf32, #tpu.memory_space<hbm>>
        %dma_wait3A_43 = tpu.memref_squeeze %dma_wait3A_42 : memref<1x640xf32, #tpu.memory_space<hbm>> -> memref<640xf32, #tpu.memory_space<hbm>>
        %dma_wait3A_44 = tpu.memref_slice %arg4[%run_scoped3A, %mul3A_36] : memref<2x10240xf32, #tpu.memory_space<hbm>> -> memref<1x640xf32, #tpu.memory_space<hbm>>
        %dma_wait3A_45 = tpu.memref_squeeze %dma_wait3A_44 : memref<1x640xf32, #tpu.memory_space<hbm>> -> memref<640xf32, #tpu.memory_space<hbm>>
        tpu.wait_dma2 semaphore(%run_scoped3A_37 : memref<!tpu.dma_semaphore, #tpu.memory_space<semaphore_mem>>) src(%arg8 : memref<640xf32, #tpu.memory_space<vmem>>) dst(%dma_wait3A_45 : memref<640xf32, #tpu.memory_space<hbm>>)
        tpu.yield
      }) : () -> ()
    } else {
    }
    return
  }
}

#map = affine_map<(d0, d1) -> (0, 0)>
#map1 = affine_map<(d0, d1) -> (0)>
#map2 = affine_map<(d0, d1) -> (0, 0, 0)>
module attributes {stable_mosaic.version = 14 : i64} {
  func.func @_msg_body(%arg0: i32, %arg1: i32, %arg2: memref<10000x128xf32, #tpu.memory_space<hbm>>, %arg3: memref<320000xi32, #tpu.memory_space<hbm>>, %arg4: memref<320000xi32, #tpu.memory_space<hbm>>, %arg5: memref<320000xf32, #tpu.memory_space<hbm>>, %arg6: memref<2x10240x128xf32, #tpu.memory_space<hbm>>, %arg7: memref<10000xi32, #tpu.memory_space<vmem>>, %arg8: memref<80xf32, #tpu.memory_space<vmem>>, %arg9: memref<80xf32, #tpu.memory_space<vmem>>, %arg10: memref<80xf32, #tpu.memory_space<vmem>>, %arg11: memref<80xi32, #tpu.memory_space<vmem>>, %arg12: memref<80xi32, #tpu.memory_space<vmem>>, %arg13: memref<80xi32, #tpu.memory_space<vmem>>, %arg14: memref<80x128xf32, #tpu.memory_space<vmem>>, %arg15: memref<80x128xf32, #tpu.memory_space<vmem>>, %arg16: memref<80x128xf32, #tpu.memory_space<vmem>>, %arg17: memref<10240x128xf32, #tpu.memory_space<vmem_shared>>, %arg18: memref<3x!tpu.dma_semaphore, #tpu.memory_space<semaphore_mem>>, %arg19: memref<3x!tpu.dma_semaphore, #tpu.memory_space<semaphore_mem>>, %arg20: memref<3x!tpu.dma_semaphore, #tpu.memory_space<semaphore_mem>>, %arg21: memref<!tpu.dma_semaphore, #tpu.memory_space<semaphore_mem>>) attributes {dimension_semantics = [#tpu.dimension_semantics<core_parallel>, #tpu.dimension_semantics<subcore_parallel>], iteration_bounds = array<i64: 2, 16>, scalar_prefetch = 0 : i64, scratch_operands = 15 : i64, tpu.core_type = #tpu.core_type<sc_vector_subcore>, window_params = [{transform_indices = #map}, {transform_indices = #map1}, {transform_indices = #map1}, {transform_indices = #map1}, {transform_indices = #map2}]} {
    %mul3A = arith.constant 160000 : i32
    %mul3A_0 = arith.muli %arg0, %mul3A : i32
    %mul3A_1 = arith.constant 10000 : i32
    %mul3A_2 = arith.muli %arg1, %mul3A_1 : i32
    %add3A = arith.addi %mul3A_0, %mul3A_2 : i32
    %dma_start3A = tpu.memref_slice %arg3[%add3A] : memref<320000xi32, #tpu.memory_space<hbm>> -> memref<10000xi32, #tpu.memory_space<hbm>>
    %dma_start3A_3 = tpu.memref_slice %arg3[%add3A] : memref<320000xi32, #tpu.memory_space<hbm>> -> memref<10000xi32, #tpu.memory_space<hbm>>
    tpu.enqueue_dma source(%dma_start3A_3 : memref<10000xi32, #tpu.memory_space<hbm>>) target(%arg7 : memref<10000xi32, #tpu.memory_space<vmem>>) target_semaphore(%arg21 : memref<!tpu.dma_semaphore, #tpu.memory_space<semaphore_mem>>)
    %scan3A = arith.constant 0 : i32
    %scan3A_4 = arith.constant 0 : i32
    %scan3A_5 = arith.constant 80 : i32
    %scan3A_6 = arith.addi %scan3A_4, %scan3A_5 : i32
    %scan3A_7 = arith.constant 1 : i32
    %scan3A_8 = scf.for %scan3A_157 = %scan3A_4 to %scan3A_6 step %scan3A_7 iter_args(%scan3A_158 = %scan3A) -> (i32)  : i32 {
      %broadcast_in_dim3A = arith.constant 0.000000e+00 : f32
      %broadcast_in_dim3A_159 = vector.broadcast %broadcast_in_dim3A : f32 to vector<16xf32>
      %swap3A = arith.index_cast %scan3A_157 : i32 to index
      %swap3A_160 = arith.constant 0 : index
      %swap3A_161 = tpu.vector_load %arg16[%swap3A, %swap3A_160] {strides = array<i32>} : memref<80x128xf32, #tpu.memory_space<vmem>>, vector<16xf32>,
      tpu.vector_store %arg16[%swap3A, %swap3A_160], %broadcast_in_dim3A_159 {strides = array<i32>} : memref<80x128xf32, #tpu.memory_space<vmem>>, vector<16xf32>,
      %broadcast_in_dim3A_162 = arith.constant 0.000000e+00 : f32
      %broadcast_in_dim3A_163 = vector.broadcast %broadcast_in_dim3A_162 : f32 to vector<16xf32>
      %swap3A_164 = arith.index_cast %scan3A_157 : i32 to index
      %swap3A_165 = arith.constant 16 : index
      %swap3A_166 = tpu.vector_load %arg16[%swap3A_164, %swap3A_165] {strides = array<i32>} : memref<80x128xf32, #tpu.memory_space<vmem>>, vector<16xf32>,
      tpu.vector_store %arg16[%swap3A_164, %swap3A_165], %broadcast_in_dim3A_163 {strides = array<i32>} : memref<80x128xf32, #tpu.memory_space<vmem>>, vector<16xf32>,
      %broadcast_in_dim3A_167 = arith.constant 0.000000e+00 : f32
      %broadcast_in_dim3A_168 = vector.broadcast %broadcast_in_dim3A_167 : f32 to vector<16xf32>
      %swap3A_169 = arith.index_cast %scan3A_157 : i32 to index
      %swap3A_170 = arith.constant 32 : index
      %swap3A_171 = tpu.vector_load %arg16[%swap3A_169, %swap3A_170] {strides = array<i32>} : memref<80x128xf32, #tpu.memory_space<vmem>>, vector<16xf32>,
      tpu.vector_store %arg16[%swap3A_169, %swap3A_170], %broadcast_in_dim3A_168 {strides = array<i32>} : memref<80x128xf32, #tpu.memory_space<vmem>>, vector<16xf32>,
      %broadcast_in_dim3A_172 = arith.constant 0.000000e+00 : f32
      %broadcast_in_dim3A_173 = vector.broadcast %broadcast_in_dim3A_172 : f32 to vector<16xf32>
      %swap3A_174 = arith.index_cast %scan3A_157 : i32 to index
      %swap3A_175 = arith.constant 48 : index
      %swap3A_176 = tpu.vector_load %arg16[%swap3A_174, %swap3A_175] {strides = array<i32>} : memref<80x128xf32, #tpu.memory_space<vmem>>, vector<16xf32>,
      tpu.vector_store %arg16[%swap3A_174, %swap3A_175], %broadcast_in_dim3A_173 {strides = array<i32>} : memref<80x128xf32, #tpu.memory_space<vmem>>, vector<16xf32>,
      %broadcast_in_dim3A_177 = arith.constant 0.000000e+00 : f32
      %broadcast_in_dim3A_178 = vector.broadcast %broadcast_in_dim3A_177 : f32 to vector<16xf32>
      %swap3A_179 = arith.index_cast %scan3A_157 : i32 to index
      %swap3A_180 = arith.constant 64 : index
      %swap3A_181 = tpu.vector_load %arg16[%swap3A_179, %swap3A_180] {strides = array<i32>} : memref<80x128xf32, #tpu.memory_space<vmem>>, vector<16xf32>,
      tpu.vector_store %arg16[%swap3A_179, %swap3A_180], %broadcast_in_dim3A_178 {strides = array<i32>} : memref<80x128xf32, #tpu.memory_space<vmem>>, vector<16xf32>,
      %broadcast_in_dim3A_182 = arith.constant 0.000000e+00 : f32
      %broadcast_in_dim3A_183 = vector.broadcast %broadcast_in_dim3A_182 : f32 to vector<16xf32>
      %swap3A_184 = arith.index_cast %scan3A_157 : i32 to index
      %swap3A_185 = arith.constant 80 : index
      %swap3A_186 = tpu.vector_load %arg16[%swap3A_184, %swap3A_185] {strides = array<i32>} : memref<80x128xf32, #tpu.memory_space<vmem>>, vector<16xf32>,
      tpu.vector_store %arg16[%swap3A_184, %swap3A_185], %broadcast_in_dim3A_183 {strides = array<i32>} : memref<80x128xf32, #tpu.memory_space<vmem>>, vector<16xf32>,
      %broadcast_in_dim3A_187 = arith.constant 0.000000e+00 : f32
      %broadcast_in_dim3A_188 = vector.broadcast %broadcast_in_dim3A_187 : f32 to vector<16xf32>
      %swap3A_189 = arith.index_cast %scan3A_157 : i32 to index
      %swap3A_190 = arith.constant 96 : index
      %swap3A_191 = tpu.vector_load %arg16[%swap3A_189, %swap3A_190] {strides = array<i32>} : memref<80x128xf32, #tpu.memory_space<vmem>>, vector<16xf32>,
      tpu.vector_store %arg16[%swap3A_189, %swap3A_190], %broadcast_in_dim3A_188 {strides = array<i32>} : memref<80x128xf32, #tpu.memory_space<vmem>>, vector<16xf32>,
      %broadcast_in_dim3A_192 = arith.constant 0.000000e+00 : f32
      %broadcast_in_dim3A_193 = vector.broadcast %broadcast_in_dim3A_192 : f32 to vector<16xf32>
      %swap3A_194 = arith.index_cast %scan3A_157 : i32 to index
      %swap3A_195 = arith.constant 112 : index
      %swap3A_196 = tpu.vector_load %arg16[%swap3A_194, %swap3A_195] {strides = array<i32>} : memref<80x128xf32, #tpu.memory_space<vmem>>, vector<16xf32>,
      tpu.vector_store %arg16[%swap3A_194, %swap3A_195], %broadcast_in_dim3A_193 {strides = array<i32>} : memref<80x128xf32, #tpu.memory_space<vmem>>, vector<16xf32>,
      %scan3A_197 = arith.constant 0 : i32
      scf.yield %scan3A_197 : i32
    }
    %scan3A_9 = arith.constant 80 : i32
    %dma_wait3A = tpu.memref_slice %arg3[%add3A] : memref<320000xi32, #tpu.memory_space<hbm>> -> memref<10000xi32, #tpu.memory_space<hbm>>
    %dma_wait3A_10 = tpu.memref_slice %arg3[%add3A] : memref<320000xi32, #tpu.memory_space<hbm>> -> memref<10000xi32, #tpu.memory_space<hbm>>
    tpu.wait_dma2 semaphore(%arg21 : memref<!tpu.dma_semaphore, #tpu.memory_space<semaphore_mem>>) src(%dma_wait3A_10 : memref<10000xi32, #tpu.memory_space<hbm>>) dst(%arg7 : memref<10000xi32, #tpu.memory_space<vmem>>)
    %add3A_11 = arith.constant 0 : i32
    %add3A_12 = arith.addi %add3A, %add3A_11 : i32
    %dma_start3A_13 = arith.constant 0 : i32
    %dma_start3A_14 = tpu.memref_slice %arg4[%add3A_12] : memref<320000xi32, #tpu.memory_space<hbm>> -> memref<80xi32, #tpu.memory_space<hbm>>
    %dma_start3A_15 = tpu.memref_slice %arg19[%dma_start3A_13] : memref<3x!tpu.dma_semaphore, #tpu.memory_space<semaphore_mem>> -> memref<1x!tpu.dma_semaphore, #tpu.memory_space<semaphore_mem>>
    %dma_start3A_16 = tpu.memref_squeeze %dma_start3A_15 : memref<1x!tpu.dma_semaphore, #tpu.memory_space<semaphore_mem>> -> memref<!tpu.dma_semaphore, #tpu.memory_space<semaphore_mem>>
    %dma_start3A_17 = tpu.memref_slice %arg4[%add3A_12] : memref<320000xi32, #tpu.memory_space<hbm>> -> memref<80xi32, #tpu.memory_space<hbm>>
    tpu.enqueue_dma source(%dma_start3A_17 : memref<80xi32, #tpu.memory_space<hbm>>) target(%arg11 : memref<80xi32, #tpu.memory_space<vmem>>) target_semaphore(%dma_start3A_16 : memref<!tpu.dma_semaphore, #tpu.memory_space<semaphore_mem>>)
    %add3A_18 = arith.constant 0 : i32
    %add3A_19 = arith.addi %add3A, %add3A_18 : i32
    %dma_start3A_20 = arith.constant 0 : i32
    %dma_start3A_21 = tpu.memref_slice %arg5[%add3A_19] : memref<320000xf32, #tpu.memory_space<hbm>> -> memref<80xf32, #tpu.memory_space<hbm>>
    %dma_start3A_22 = tpu.memref_slice %arg20[%dma_start3A_20] : memref<3x!tpu.dma_semaphore, #tpu.memory_space<semaphore_mem>> -> memref<1x!tpu.dma_semaphore, #tpu.memory_space<semaphore_mem>>
    %dma_start3A_23 = tpu.memref_squeeze %dma_start3A_22 : memref<1x!tpu.dma_semaphore, #tpu.memory_space<semaphore_mem>> -> memref<!tpu.dma_semaphore, #tpu.memory_space<semaphore_mem>>
    %dma_start3A_24 = tpu.memref_slice %arg5[%add3A_19] : memref<320000xf32, #tpu.memory_space<hbm>> -> memref<80xf32, #tpu.memory_space<hbm>>
    tpu.enqueue_dma source(%dma_start3A_24 : memref<80xf32, #tpu.memory_space<hbm>>) target(%arg8 : memref<80xf32, #tpu.memory_space<vmem>>) target_semaphore(%dma_start3A_23 : memref<!tpu.dma_semaphore, #tpu.memory_space<semaphore_mem>>)
    %dma_start3A_25 = arith.constant 0 : i32
    %dma_start3A_26 = arith.constant 0 : i32
    %dma_start3A_27 = tpu.memref_slice %arg7[%dma_start3A_26] : memref<10000xi32, #tpu.memory_space<vmem>> -> memref<80xi32, #tpu.memory_space<vmem>>
    %dma_start3A_28 = arith.constant 0 : i32
    %dma_start3A_29 = arith.constant 0 : i32
    %dma_start3A_30 = tpu.memref_slice %arg2[%dma_start3A_28, %dma_start3A_29] : memref<10000x128xf32, #tpu.memory_space<hbm>> -> memref<10000x128xf32, #tpu.memory_space<hbm>>
    %dma_start3A_31 = tpu.memref_slice %arg18[%dma_start3A_25] : memref<3x!tpu.dma_semaphore, #tpu.memory_space<semaphore_mem>> -> memref<1x!tpu.dma_semaphore, #tpu.memory_space<semaphore_mem>>
    %dma_start3A_32 = tpu.memref_squeeze %dma_start3A_31 : memref<1x!tpu.dma_semaphore, #tpu.memory_space<semaphore_mem>> -> memref<!tpu.dma_semaphore, #tpu.memory_space<semaphore_mem>>
    tpu.enqueue_indirect_dma source(%dma_start3A_30 : memref<10000x128xf32, #tpu.memory_space<hbm>>) target(%arg14 : memref<80x128xf32, #tpu.memory_space<vmem>>) offsets(%dma_start3A_27 : memref<80xi32, #tpu.memory_space<vmem>>) semaphore(%dma_start3A_32 : memref<!tpu.dma_semaphore, #tpu.memory_space<semaphore_mem>>)
    %add3A_33 = arith.constant 80 : i32
    %add3A_34 = arith.addi %add3A, %add3A_33 : i32
    %dma_start3A_35 = arith.constant 1 : i32
    %dma_start3A_36 = tpu.memref_slice %arg4[%add3A_34] : memref<320000xi32, #tpu.memory_space<hbm>> -> memref<80xi32, #tpu.memory_space<hbm>>
    %dma_start3A_37 = tpu.memref_slice %arg19[%dma_start3A_35] : memref<3x!tpu.dma_semaphore, #tpu.memory_space<semaphore_mem>> -> memref<1x!tpu.dma_semaphore, #tpu.memory_space<semaphore_mem>>
    %dma_start3A_38 = tpu.memref_squeeze %dma_start3A_37 : memref<1x!tpu.dma_semaphore, #tpu.memory_space<semaphore_mem>> -> memref<!tpu.dma_semaphore, #tpu.memory_space<semaphore_mem>>
    %dma_start3A_39 = tpu.memref_slice %arg4[%add3A_34] : memref<320000xi32, #tpu.memory_space<hbm>> -> memref<80xi32, #tpu.memory_space<hbm>>
    tpu.enqueue_dma source(%dma_start3A_39 : memref<80xi32, #tpu.memory_space<hbm>>) target(%arg12 : memref<80xi32, #tpu.memory_space<vmem>>) target_semaphore(%dma_start3A_38 : memref<!tpu.dma_semaphore, #tpu.memory_space<semaphore_mem>>)
    %add3A_40 = arith.constant 80 : i32
    %add3A_41 = arith.addi %add3A, %add3A_40 : i32
    %dma_start3A_42 = arith.constant 1 : i32
    %dma_start3A_43 = tpu.memref_slice %arg5[%add3A_41] : memref<320000xf32, #tpu.memory_space<hbm>> -> memref<80xf32, #tpu.memory_space<hbm>>
    %dma_start3A_44 = tpu.memref_slice %arg20[%dma_start3A_42] : memref<3x!tpu.dma_semaphore, #tpu.memory_space<semaphore_mem>> -> memref<1x!tpu.dma_semaphore, #tpu.memory_space<semaphore_mem>>
    %dma_start3A_45 = tpu.memref_squeeze %dma_start3A_44 : memref<1x!tpu.dma_semaphore, #tpu.memory_space<semaphore_mem>> -> memref<!tpu.dma_semaphore, #tpu.memory_space<semaphore_mem>>
    %dma_start3A_46 = tpu.memref_slice %arg5[%add3A_41] : memref<320000xf32, #tpu.memory_space<hbm>> -> memref<80xf32, #tpu.memory_space<hbm>>
    tpu.enqueue_dma source(%dma_start3A_46 : memref<80xf32, #tpu.memory_space<hbm>>) target(%arg9 : memref<80xf32, #tpu.memory_space<vmem>>) target_semaphore(%dma_start3A_45 : memref<!tpu.dma_semaphore, #tpu.memory_space<semaphore_mem>>)
    %dma_start3A_47 = arith.constant 1 : i32
    %dma_start3A_48 = arith.constant 80 : i32
    %dma_start3A_49 = tpu.memref_slice %arg7[%dma_start3A_48] : memref<10000xi32, #tpu.memory_space<vmem>> -> memref<80xi32, #tpu.memory_space<vmem>>
    %dma_start3A_50 = arith.constant 0 : i32
    %dma_start3A_51 = arith.constant 0 : i32
    %dma_start3A_52 = tpu.memref_slice %arg2[%dma_start3A_50, %dma_start3A_51] : memref<10000x128xf32, #tpu.memory_space<hbm>> -> memref<10000x128xf32, #tpu.memory_space<hbm>>
    %dma_start3A_53 = tpu.memref_slice %arg18[%dma_start3A_47] : memref<3x!tpu.dma_semaphore, #tpu.memory_space<semaphore_mem>> -> memref<1x!tpu.dma_semaphore, #tpu.memory_space<semaphore_mem>>
    %dma_start3A_54 = tpu.memref_squeeze %dma_start3A_53 : memref<1x!tpu.dma_semaphore, #tpu.memory_space<semaphore_mem>> -> memref<!tpu.dma_semaphore, #tpu.memory_space<semaphore_mem>>
    tpu.enqueue_indirect_dma source(%dma_start3A_52 : memref<10000x128xf32, #tpu.memory_space<hbm>>) target(%arg15 : memref<80x128xf32, #tpu.memory_space<vmem>>) offsets(%dma_start3A_49 : memref<80xi32, #tpu.memory_space<vmem>>) semaphore(%dma_start3A_54 : memref<!tpu.dma_semaphore, #tpu.memory_space<semaphore_mem>>)
    %mul3A_55 = arith.constant 640 : i32
    %mul3A_56 = arith.muli %arg1, %mul3A_55 : i32
    %add3A_57 = arith.constant 0 : i32
    %add3A_58 = arith.addi %mul3A_56, %add3A_57 : i32
    "tpu.region"() ({
      %run_scoped3A = tpu.sem_alloc : memref<!tpu.dma_semaphore, #tpu.memory_space<semaphore_mem>>
      %dma_start3A_157 = arith.constant 0 : i32
      %dma_start3A_158 = tpu.memref_slice %arg17[%add3A_58, %dma_start3A_157] : memref<10240x128xf32, #tpu.memory_space<vmem_shared>> -> memref<80x128xf32, #tpu.memory_space<vmem_shared>>
      %dma_start3A_159 = arith.constant 0 : i32
      %dma_start3A_160 = tpu.memref_slice %arg17[%add3A_58, %dma_start3A_159] : memref<10240x128xf32, #tpu.memory_space<vmem_shared>> -> memref<80x128xf32, #tpu.memory_space<vmem_shared>>
      tpu.enqueue_dma source(%arg16 : memref<80x128xf32, #tpu.memory_space<vmem>>) target(%dma_start3A_160 : memref<80x128xf32, #tpu.memory_space<vmem_shared>>) target_semaphore(%run_scoped3A : memref<!tpu.dma_semaphore, #tpu.memory_space<semaphore_mem>>)
      %dma_wait3A_161 = arith.constant 0 : i32
      %dma_wait3A_162 = tpu.memref_slice %arg17[%add3A_58, %dma_wait3A_161] : memref<10240x128xf32, #tpu.memory_space<vmem_shared>> -> memref<80x128xf32, #tpu.memory_space<vmem_shared>>
      %dma_wait3A_163 = arith.constant 0 : i32
      %dma_wait3A_164 = tpu.memref_slice %arg17[%add3A_58, %dma_wait3A_163] : memref<10240x128xf32, #tpu.memory_space<vmem_shared>> -> memref<80x128xf32, #tpu.memory_space<vmem_shared>>
      tpu.wait_dma2 semaphore(%run_scoped3A : memref<!tpu.dma_semaphore, #tpu.memory_space<semaphore_mem>>) src(%arg16 : memref<80x128xf32, #tpu.memory_space<vmem>>) dst(%dma_wait3A_164 : memref<80x128xf32, #tpu.memory_space<vmem_shared>>)
      tpu.yield
    }) : () -> ()
    %mul3A_59 = arith.constant 640 : i32
    %mul3A_60 = arith.muli %arg1, %mul3A_59 : i32
    %add3A_61 = arith.constant 80 : i32
    %add3A_62 = arith.addi %mul3A_60, %add3A_61 : i32
    "tpu.region"() ({
      %run_scoped3A = tpu.sem_alloc : memref<!tpu.dma_semaphore, #tpu.memory_space<semaphore_mem>>
      %dma_start3A_157 = arith.constant 0 : i32
      %dma_start3A_158 = tpu.memref_slice %arg17[%add3A_62, %dma_start3A_157] : memref<10240x128xf32, #tpu.memory_space<vmem_shared>> -> memref<80x128xf32, #tpu.memory_space<vmem_shared>>
      %dma_start3A_159 = arith.constant 0 : i32
      %dma_start3A_160 = tpu.memref_slice %arg17[%add3A_62, %dma_start3A_159] : memref<10240x128xf32, #tpu.memory_space<vmem_shared>> -> memref<80x128xf32, #tpu.memory_space<vmem_shared>>
      tpu.enqueue_dma source(%arg16 : memref<80x128xf32, #tpu.memory_space<vmem>>) target(%dma_start3A_160 : memref<80x128xf32, #tpu.memory_space<vmem_shared>>) target_semaphore(%run_scoped3A : memref<!tpu.dma_semaphore, #tpu.memory_space<semaphore_mem>>)
      %dma_wait3A_161 = arith.constant 0 : i32
      %dma_wait3A_162 = tpu.memref_slice %arg17[%add3A_62, %dma_wait3A_161] : memref<10240x128xf32, #tpu.memory_space<vmem_shared>> -> memref<80x128xf32, #tpu.memory_space<vmem_shared>>
      %dma_wait3A_163 = arith.constant 0 : i32
      %dma_wait3A_164 = tpu.memref_slice %arg17[%add3A_62, %dma_wait3A_163] : memref<10240x128xf32, #tpu.memory_space<vmem_shared>> -> memref<80x128xf32, #tpu.memory_space<vmem_shared>>
      tpu.wait_dma2 semaphore(%run_scoped3A : memref<!tpu.dma_semaphore, #tpu.memory_space<semaphore_mem>>) src(%arg16 : memref<80x128xf32, #tpu.memory_space<vmem>>) dst(%dma_wait3A_164 : memref<80x128xf32, #tpu.memory_space<vmem_shared>>)
      tpu.yield
    }) : () -> ()
    %mul3A_63 = arith.constant 640 : i32
    %mul3A_64 = arith.muli %arg1, %mul3A_63 : i32
    %add3A_65 = arith.constant 160 : i32
    %add3A_66 = arith.addi %mul3A_64, %add3A_65 : i32
    "tpu.region"() ({
      %run_scoped3A = tpu.sem_alloc : memref<!tpu.dma_semaphore, #tpu.memory_space<semaphore_mem>>
      %dma_start3A_157 = arith.constant 0 : i32
      %dma_start3A_158 = tpu.memref_slice %arg17[%add3A_66, %dma_start3A_157] : memref<10240x128xf32, #tpu.memory_space<vmem_shared>> -> memref<80x128xf32, #tpu.memory_space<vmem_shared>>
      %dma_start3A_159 = arith.constant 0 : i32
      %dma_start3A_160 = tpu.memref_slice %arg17[%add3A_66, %dma_start3A_159] : memref<10240x128xf32, #tpu.memory_space<vmem_shared>> -> memref<80x128xf32, #tpu.memory_space<vmem_shared>>
      tpu.enqueue_dma source(%arg16 : memref<80x128xf32, #tpu.memory_space<vmem>>) target(%dma_start3A_160 : memref<80x128xf32, #tpu.memory_space<vmem_shared>>) target_semaphore(%run_scoped3A : memref<!tpu.dma_semaphore, #tpu.memory_space<semaphore_mem>>)
      %dma_wait3A_161 = arith.constant 0 : i32
      %dma_wait3A_162 = tpu.memref_slice %arg17[%add3A_66, %dma_wait3A_161] : memref<10240x128xf32, #tpu.memory_space<vmem_shared>> -> memref<80x128xf32, #tpu.memory_space<vmem_shared>>
      %dma_wait3A_163 = arith.constant 0 : i32
      %dma_wait3A_164 = tpu.memref_slice %arg17[%add3A_66, %dma_wait3A_163] : memref<10240x128xf32, #tpu.memory_space<vmem_shared>> -> memref<80x128xf32, #tpu.memory_space<vmem_shared>>
      tpu.wait_dma2 semaphore(%run_scoped3A : memref<!tpu.dma_semaphore, #tpu.memory_space<semaphore_mem>>) src(%arg16 : memref<80x128xf32, #tpu.memory_space<vmem>>) dst(%dma_wait3A_164 : memref<80x128xf32, #tpu.memory_space<vmem_shared>>)
      tpu.yield
    }) : () -> ()
    %mul3A_67 = arith.constant 640 : i32
    %mul3A_68 = arith.muli %arg1, %mul3A_67 : i32
    %add3A_69 = arith.constant 240 : i32
    %add3A_70 = arith.addi %mul3A_68, %add3A_69 : i32
    "tpu.region"() ({
      %run_scoped3A = tpu.sem_alloc : memref<!tpu.dma_semaphore, #tpu.memory_space<semaphore_mem>>
      %dma_start3A_157 = arith.constant 0 : i32
      %dma_start3A_158 = tpu.memref_slice %arg17[%add3A_70, %dma_start3A_157] : memref<10240x128xf32, #tpu.memory_space<vmem_shared>> -> memref<80x128xf32, #tpu.memory_space<vmem_shared>>
      %dma_start3A_159 = arith.constant 0 : i32
      %dma_start3A_160 = tpu.memref_slice %arg17[%add3A_70, %dma_start3A_159] : memref<10240x128xf32, #tpu.memory_space<vmem_shared>> -> memref<80x128xf32, #tpu.memory_space<vmem_shared>>
      tpu.enqueue_dma source(%arg16 : memref<80x128xf32, #tpu.memory_space<vmem>>) target(%dma_start3A_160 : memref<80x128xf32, #tpu.memory_space<vmem_shared>>) target_semaphore(%run_scoped3A : memref<!tpu.dma_semaphore, #tpu.memory_space<semaphore_mem>>)
      %dma_wait3A_161 = arith.constant 0 : i32
      %dma_wait3A_162 = tpu.memref_slice %arg17[%add3A_70, %dma_wait3A_161] : memref<10240x128xf32, #tpu.memory_space<vmem_shared>> -> memref<80x128xf32, #tpu.memory_space<vmem_shared>>
      %dma_wait3A_163 = arith.constant 0 : i32
      %dma_wait3A_164 = tpu.memref_slice %arg17[%add3A_70, %dma_wait3A_163] : memref<10240x128xf32, #tpu.memory_space<vmem_shared>> -> memref<80x128xf32, #tpu.memory_space<vmem_shared>>
      tpu.wait_dma2 semaphore(%run_scoped3A : memref<!tpu.dma_semaphore, #tpu.memory_space<semaphore_mem>>) src(%arg16 : memref<80x128xf32, #tpu.memory_space<vmem>>) dst(%dma_wait3A_164 : memref<80x128xf32, #tpu.memory_space<vmem_shared>>)
      tpu.yield
    }) : () -> ()
    %mul3A_71 = arith.constant 640 : i32
    %mul3A_72 = arith.muli %arg1, %mul3A_71 : i32
    %add3A_73 = arith.constant 320 : i32
    %add3A_74 = arith.addi %mul3A_72, %add3A_73 : i32
    "tpu.region"() ({
      %run_scoped3A = tpu.sem_alloc : memref<!tpu.dma_semaphore, #tpu.memory_space<semaphore_mem>>
      %dma_start3A_157 = arith.constant 0 : i32
      %dma_start3A_158 = tpu.memref_slice %arg17[%add3A_74, %dma_start3A_157] : memref<10240x128xf32, #tpu.memory_space<vmem_shared>> -> memref<80x128xf32, #tpu.memory_space<vmem_shared>>
      %dma_start3A_159 = arith.constant 0 : i32
      %dma_start3A_160 = tpu.memref_slice %arg17[%add3A_74, %dma_start3A_159] : memref<10240x128xf32, #tpu.memory_space<vmem_shared>> -> memref<80x128xf32, #tpu.memory_space<vmem_shared>>
      tpu.enqueue_dma source(%arg16 : memref<80x128xf32, #tpu.memory_space<vmem>>) target(%dma_start3A_160 : memref<80x128xf32, #tpu.memory_space<vmem_shared>>) target_semaphore(%run_scoped3A : memref<!tpu.dma_semaphore, #tpu.memory_space<semaphore_mem>>)
      %dma_wait3A_161 = arith.constant 0 : i32
      %dma_wait3A_162 = tpu.memref_slice %arg17[%add3A_74, %dma_wait3A_161] : memref<10240x128xf32, #tpu.memory_space<vmem_shared>> -> memref<80x128xf32, #tpu.memory_space<vmem_shared>>
      %dma_wait3A_163 = arith.constant 0 : i32
      %dma_wait3A_164 = tpu.memref_slice %arg17[%add3A_74, %dma_wait3A_163] : memref<10240x128xf32, #tpu.memory_space<vmem_shared>> -> memref<80x128xf32, #tpu.memory_space<vmem_shared>>
      tpu.wait_dma2 semaphore(%run_scoped3A : memref<!tpu.dma_semaphore, #tpu.memory_space<semaphore_mem>>) src(%arg16 : memref<80x128xf32, #tpu.memory_space<vmem>>) dst(%dma_wait3A_164 : memref<80x128xf32, #tpu.memory_space<vmem_shared>>)
      tpu.yield
    }) : () -> ()
    %mul3A_75 = arith.constant 640 : i32
    %mul3A_76 = arith.muli %arg1, %mul3A_75 : i32
    %add3A_77 = arith.constant 400 : i32
    %add3A_78 = arith.addi %mul3A_76, %add3A_77 : i32
    "tpu.region"() ({
      %run_scoped3A = tpu.sem_alloc : memref<!tpu.dma_semaphore, #tpu.memory_space<semaphore_mem>>
      %dma_start3A_157 = arith.constant 0 : i32
      %dma_start3A_158 = tpu.memref_slice %arg17[%add3A_78, %dma_start3A_157] : memref<10240x128xf32, #tpu.memory_space<vmem_shared>> -> memref<80x128xf32, #tpu.memory_space<vmem_shared>>
      %dma_start3A_159 = arith.constant 0 : i32
      %dma_start3A_160 = tpu.memref_slice %arg17[%add3A_78, %dma_start3A_159] : memref<10240x128xf32, #tpu.memory_space<vmem_shared>> -> memref<80x128xf32, #tpu.memory_space<vmem_shared>>
      tpu.enqueue_dma source(%arg16 : memref<80x128xf32, #tpu.memory_space<vmem>>) target(%dma_start3A_160 : memref<80x128xf32, #tpu.memory_space<vmem_shared>>) target_semaphore(%run_scoped3A : memref<!tpu.dma_semaphore, #tpu.memory_space<semaphore_mem>>)
      %dma_wait3A_161 = arith.constant 0 : i32
      %dma_wait3A_162 = tpu.memref_slice %arg17[%add3A_78, %dma_wait3A_161] : memref<10240x128xf32, #tpu.memory_space<vmem_shared>> -> memref<80x128xf32, #tpu.memory_space<vmem_shared>>
      %dma_wait3A_163 = arith.constant 0 : i32
      %dma_wait3A_164 = tpu.memref_slice %arg17[%add3A_78, %dma_wait3A_163] : memref<10240x128xf32, #tpu.memory_space<vmem_shared>> -> memref<80x128xf32, #tpu.memory_space<vmem_shared>>
      tpu.wait_dma2 semaphore(%run_scoped3A : memref<!tpu.dma_semaphore, #tpu.memory_space<semaphore_mem>>) src(%arg16 : memref<80x128xf32, #tpu.memory_space<vmem>>) dst(%dma_wait3A_164 : memref<80x128xf32, #tpu.memory_space<vmem_shared>>)
      tpu.yield
    }) : () -> ()
    %mul3A_79 = arith.constant 640 : i32
    %mul3A_80 = arith.muli %arg1, %mul3A_79 : i32
    %add3A_81 = arith.constant 480 : i32
    %add3A_82 = arith.addi %mul3A_80, %add3A_81 : i32
    "tpu.region"() ({
      %run_scoped3A = tpu.sem_alloc : memref<!tpu.dma_semaphore, #tpu.memory_space<semaphore_mem>>
      %dma_start3A_157 = arith.constant 0 : i32
      %dma_start3A_158 = tpu.memref_slice %arg17[%add3A_82, %dma_start3A_157] : memref<10240x128xf32, #tpu.memory_space<vmem_shared>> -> memref<80x128xf32, #tpu.memory_space<vmem_shared>>
      %dma_start3A_159 = arith.constant 0 : i32
      %dma_start3A_160 = tpu.memref_slice %arg17[%add3A_82, %dma_start3A_159] : memref<10240x128xf32, #tpu.memory_space<vmem_shared>> -> memref<80x128xf32, #tpu.memory_space<vmem_shared>>
      tpu.enqueue_dma source(%arg16 : memref<80x128xf32, #tpu.memory_space<vmem>>) target(%dma_start3A_160 : memref<80x128xf32, #tpu.memory_space<vmem_shared>>) target_semaphore(%run_scoped3A : memref<!tpu.dma_semaphore, #tpu.memory_space<semaphore_mem>>)
      %dma_wait3A_161 = arith.constant 0 : i32
      %dma_wait3A_162 = tpu.memref_slice %arg17[%add3A_82, %dma_wait3A_161] : memref<10240x128xf32, #tpu.memory_space<vmem_shared>> -> memref<80x128xf32, #tpu.memory_space<vmem_shared>>
      %dma_wait3A_163 = arith.constant 0 : i32
      %dma_wait3A_164 = tpu.memref_slice %arg17[%add3A_82, %dma_wait3A_163] : memref<10240x128xf32, #tpu.memory_space<vmem_shared>> -> memref<80x128xf32, #tpu.memory_space<vmem_shared>>
      tpu.wait_dma2 semaphore(%run_scoped3A : memref<!tpu.dma_semaphore, #tpu.memory_space<semaphore_mem>>) src(%arg16 : memref<80x128xf32, #tpu.memory_space<vmem>>) dst(%dma_wait3A_164 : memref<80x128xf32, #tpu.memory_space<vmem_shared>>)
      tpu.yield
    }) : () -> ()
    %mul3A_83 = arith.constant 640 : i32
    %mul3A_84 = arith.muli %arg1, %mul3A_83 : i32
    %add3A_85 = arith.constant 560 : i32
    %add3A_86 = arith.addi %mul3A_84, %add3A_85 : i32
    "tpu.region"() ({
      %run_scoped3A = tpu.sem_alloc : memref<!tpu.dma_semaphore, #tpu.memory_space<semaphore_mem>>
      %dma_start3A_157 = arith.constant 0 : i32
      %dma_start3A_158 = tpu.memref_slice %arg17[%add3A_86, %dma_start3A_157] : memref<10240x128xf32, #tpu.memory_space<vmem_shared>> -> memref<80x128xf32, #tpu.memory_space<vmem_shared>>
      %dma_start3A_159 = arith.constant 0 : i32
      %dma_start3A_160 = tpu.memref_slice %arg17[%add3A_86, %dma_start3A_159] : memref<10240x128xf32, #tpu.memory_space<vmem_shared>> -> memref<80x128xf32, #tpu.memory_space<vmem_shared>>
      tpu.enqueue_dma source(%arg16 : memref<80x128xf32, #tpu.memory_space<vmem>>) target(%dma_start3A_160 : memref<80x128xf32, #tpu.memory_space<vmem_shared>>) target_semaphore(%run_scoped3A : memref<!tpu.dma_semaphore, #tpu.memory_space<semaphore_mem>>)
      %dma_wait3A_161 = arith.constant 0 : i32
      %dma_wait3A_162 = tpu.memref_slice %arg17[%add3A_86, %dma_wait3A_161] : memref<10240x128xf32, #tpu.memory_space<vmem_shared>> -> memref<80x128xf32, #tpu.memory_space<vmem_shared>>
      %dma_wait3A_163 = arith.constant 0 : i32
      %dma_wait3A_164 = tpu.memref_slice %arg17[%add3A_86, %dma_wait3A_163] : memref<10240x128xf32, #tpu.memory_space<vmem_shared>> -> memref<80x128xf32, #tpu.memory_space<vmem_shared>>
      tpu.wait_dma2 semaphore(%run_scoped3A : memref<!tpu.dma_semaphore, #tpu.memory_space<semaphore_mem>>) src(%arg16 : memref<80x128xf32, #tpu.memory_space<vmem>>) dst(%dma_wait3A_164 : memref<80x128xf32, #tpu.memory_space<vmem_shared>>)
      tpu.yield
    }) : () -> ()
    %barrier3A = arith.constant 0 : index
    tpu.barrier barrier_id(%barrier3A)
    %scan3A_87 = arith.constant 0 : i32
    %scan3A_88 = arith.constant 0 : i32
    %scan3A_89 = arith.constant 41 : i32
    %scan3A_90 = arith.addi %scan3A_88, %scan3A_89 : i32
    %scan3A_91 = arith.constant 1 : i32
    %scan3A_92 = scf.for %scan3A_157 = %scan3A_88 to %scan3A_90 step %scan3A_91 iter_args(%scan3A_158 = %scan3A_87) -> (i32)  : i32 {
      %mul3A_159 = arith.constant 3 : i32
      %mul3A_160 = arith.muli %scan3A_157, %mul3A_159 : i32
      %add3A_161 = arith.constant 0 : i32
      %add3A_162 = arith.addi %mul3A_160, %add3A_161 : i32
      %mul3A_163 = arith.constant 80 : i32
      %mul3A_164 = arith.muli %add3A_162, %mul3A_163 : i32
      %dma_wait3A_165 = arith.constant 0 : i32
      %dma_wait3A_166 = tpu.memref_slice %arg7[%mul3A_164] : memref<10000xi32, #tpu.memory_space<vmem>> -> memref<80xi32, #tpu.memory_space<vmem>>
      %dma_wait3A_167 = arith.constant 0 : i32
      %dma_wait3A_168 = arith.constant 0 : i32
      %dma_wait3A_169 = tpu.memref_slice %arg2[%dma_wait3A_167, %dma_wait3A_168] : memref<10000x128xf32, #tpu.memory_space<hbm>> -> memref<10000x128xf32, #tpu.memory_space<hbm>>
      %dma_wait3A_170 = tpu.memref_slice %arg18[%dma_wait3A_165] : memref<3x!tpu.dma_semaphore, #tpu.memory_space<semaphore_mem>> -> memref<1x!tpu.dma_semaphore, #tpu.memory_space<semaphore_mem>>
      %dma_wait3A_171 = tpu.memref_squeeze %dma_wait3A_170 : memref<1x!tpu.dma_semaphore, #tpu.memory_space<semaphore_mem>> -> memref<!tpu.dma_semaphore, #tpu.memory_space<semaphore_mem>>
      tpu.wait_indirect_dma semaphore(%dma_wait3A_171 : memref<!tpu.dma_semaphore, #tpu.memory_space<semaphore_mem>>) src(%dma_wait3A_169 : memref<10000x128xf32, #tpu.memory_space<hbm>>) dst(%arg14 : memref<80x128xf32, #tpu.memory_space<vmem>>)
      %mul3A_172 = arith.constant 80 : i32
      %mul3A_173 = arith.muli %add3A_162, %mul3A_172 : i32
      %add3A_174 = arith.addi %add3A, %mul3A_173 : i32
      %dma_wait3A_175 = arith.constant 0 : i32
      %dma_wait3A_176 = tpu.memref_slice %arg5[%add3A_174] : memref<320000xf32, #tpu.memory_space<hbm>> -> memref<80xf32, #tpu.memory_space<hbm>>
      %dma_wait3A_177 = tpu.memref_slice %arg20[%dma_wait3A_175] : memref<3x!tpu.dma_semaphore, #tpu.memory_space<semaphore_mem>> -> memref<1x!tpu.dma_semaphore, #tpu.memory_space<semaphore_mem>>
      %dma_wait3A_178 = tpu.memref_squeeze %dma_wait3A_177 : memref<1x!tpu.dma_semaphore, #tpu.memory_space<semaphore_mem>> -> memref<!tpu.dma_semaphore, #tpu.memory_space<semaphore_mem>>
      %dma_wait3A_179 = tpu.memref_slice %arg5[%add3A_174] : memref<320000xf32, #tpu.memory_space<hbm>> -> memref<80xf32, #tpu.memory_space<hbm>>
      tpu.wait_dma2 semaphore(%dma_wait3A_178 : memref<!tpu.dma_semaphore, #tpu.memory_space<semaphore_mem>>) src(%dma_wait3A_179 : memref<80xf32, #tpu.memory_space<hbm>>) dst(%arg8 : memref<80xf32, #tpu.memory_space<vmem>>)
      %scan3A_180 = arith.constant 0 : i32
      %scan3A_181 = arith.constant 0 : i32
      %scan3A_182 = arith.constant 80 : i32
      %scan3A_183 = arith.addi %scan3A_181, %scan3A_182 : i32
      %scan3A_184 = arith.constant 1 : i32
      %scan3A_185 = scf.for %scan3A_287 = %scan3A_181 to %scan3A_183 step %scan3A_184 iter_args(%scan3A_288 = %scan3A_180) -> (i32)  : i32 {
        %broadcast_in_dim3A = vector.broadcast %scan3A_287 : i32 to vector<16xi32>
        %gather3A = tpu.vector_load_idx %arg8[%broadcast_in_dim3A] : memref<80xf32, #tpu.memory_space<vmem>>[vector<16xi32>], vector<16xf32>,
        %get3A = arith.index_cast %scan3A_287 : i32 to index
        %get3A_289 = arith.constant 0 : index
        %get3A_290 = tpu.vector_load %arg14[%get3A, %get3A_289] {strides = array<i32>} : memref<80x128xf32, #tpu.memory_space<vmem>>, vector<16xf32>,
        %mul3A_291 = arith.mulf %get3A_290, %gather3A : vector<16xf32>
        %swap3A = arith.index_cast %scan3A_287 : i32 to index
        %swap3A_292 = arith.constant 0 : index
        %swap3A_293 = tpu.vector_load %arg14[%swap3A, %swap3A_292] {strides = array<i32>} : memref<80x128xf32, #tpu.memory_space<vmem>>, vector<16xf32>,
        tpu.vector_store %arg14[%swap3A, %swap3A_292], %mul3A_291 {strides = array<i32>} : memref<80x128xf32, #tpu.memory_space<vmem>>, vector<16xf32>,
        %get3A_294 = arith.index_cast %scan3A_287 : i32 to index
        %get3A_295 = arith.constant 16 : index
        %get3A_296 = tpu.vector_load %arg14[%get3A_294, %get3A_295] {strides = array<i32>} : memref<80x128xf32, #tpu.memory_space<vmem>>, vector<16xf32>,
        %mul3A_297 = arith.mulf %get3A_296, %gather3A : vector<16xf32>
        %swap3A_298 = arith.index_cast %scan3A_287 : i32 to index
        %swap3A_299 = arith.constant 16 : index
        %swap3A_300 = tpu.vector_load %arg14[%swap3A_298, %swap3A_299] {strides = array<i32>} : memref<80x128xf32, #tpu.memory_space<vmem>>, vector<16xf32>,
        tpu.vector_store %arg14[%swap3A_298, %swap3A_299], %mul3A_297 {strides = array<i32>} : memref<80x128xf32, #tpu.memory_space<vmem>>, vector<16xf32>,
        %get3A_301 = arith.index_cast %scan3A_287 : i32 to index
        %get3A_302 = arith.constant 32 : index
        %get3A_303 = tpu.vector_load %arg14[%get3A_301, %get3A_302] {strides = array<i32>} : memref<80x128xf32, #tpu.memory_space<vmem>>, vector<16xf32>,
        %mul3A_304 = arith.mulf %get3A_303, %gather3A : vector<16xf32>
        %swap3A_305 = arith.index_cast %scan3A_287 : i32 to index
        %swap3A_306 = arith.constant 32 : index
        %swap3A_307 = tpu.vector_load %arg14[%swap3A_305, %swap3A_306] {strides = array<i32>} : memref<80x128xf32, #tpu.memory_space<vmem>>, vector<16xf32>,
        tpu.vector_store %arg14[%swap3A_305, %swap3A_306], %mul3A_304 {strides = array<i32>} : memref<80x128xf32, #tpu.memory_space<vmem>>, vector<16xf32>,
        %get3A_308 = arith.index_cast %scan3A_287 : i32 to index
        %get3A_309 = arith.constant 48 : index
        %get3A_310 = tpu.vector_load %arg14[%get3A_308, %get3A_309] {strides = array<i32>} : memref<80x128xf32, #tpu.memory_space<vmem>>, vector<16xf32>,
        %mul3A_311 = arith.mulf %get3A_310, %gather3A : vector<16xf32>
        %swap3A_312 = arith.index_cast %scan3A_287 : i32 to index
        %swap3A_313 = arith.constant 48 : index
        %swap3A_314 = tpu.vector_load %arg14[%swap3A_312, %swap3A_313] {strides = array<i32>} : memref<80x128xf32, #tpu.memory_space<vmem>>, vector<16xf32>,
        tpu.vector_store %arg14[%swap3A_312, %swap3A_313], %mul3A_311 {strides = array<i32>} : memref<80x128xf32, #tpu.memory_space<vmem>>, vector<16xf32>,
        %get3A_315 = arith.index_cast %scan3A_287 : i32 to index
        %get3A_316 = arith.constant 64 : index
        %get3A_317 = tpu.vector_load %arg14[%get3A_315, %get3A_316] {strides = array<i32>} : memref<80x128xf32, #tpu.memory_space<vmem>>, vector<16xf32>,
        %mul3A_318 = arith.mulf %get3A_317, %gather3A : vector<16xf32>
        %swap3A_319 = arith.index_cast %scan3A_287 : i32 to index
        %swap3A_320 = arith.constant 64 : index
        %swap3A_321 = tpu.vector_load %arg14[%swap3A_319, %swap3A_320] {strides = array<i32>} : memref<80x128xf32, #tpu.memory_space<vmem>>, vector<16xf32>,
        tpu.vector_store %arg14[%swap3A_319, %swap3A_320], %mul3A_318 {strides = array<i32>} : memref<80x128xf32, #tpu.memory_space<vmem>>, vector<16xf32>,
        %get3A_322 = arith.index_cast %scan3A_287 : i32 to index
        %get3A_323 = arith.constant 80 : index
        %get3A_324 = tpu.vector_load %arg14[%get3A_322, %get3A_323] {strides = array<i32>} : memref<80x128xf32, #tpu.memory_space<vmem>>, vector<16xf32>,
        %mul3A_325 = arith.mulf %get3A_324, %gather3A : vector<16xf32>
        %swap3A_326 = arith.index_cast %scan3A_287 : i32 to index
        %swap3A_327 = arith.constant 80 : index
        %swap3A_328 = tpu.vector_load %arg14[%swap3A_326, %swap3A_327] {strides = array<i32>} : memref<80x128xf32, #tpu.memory_space<vmem>>, vector<16xf32>,
        tpu.vector_store %arg14[%swap3A_326, %swap3A_327], %mul3A_325 {strides = array<i32>} : memref<80x128xf32, #tpu.memory_space<vmem>>, vector<16xf32>,
        %get3A_329 = arith.index_cast %scan3A_287 : i32 to index
        %get3A_330 = arith.constant 96 : index
        %get3A_331 = tpu.vector_load %arg14[%get3A_329, %get3A_330] {strides = array<i32>} : memref<80x128xf32, #tpu.memory_space<vmem>>, vector<16xf32>,
        %mul3A_332 = arith.mulf %get3A_331, %gather3A : vector<16xf32>
        %swap3A_333 = arith.index_cast %scan3A_287 : i32 to index
        %swap3A_334 = arith.constant 96 : index
        %swap3A_335 = tpu.vector_load %arg14[%swap3A_333, %swap3A_334] {strides = array<i32>} : memref<80x128xf32, #tpu.memory_space<vmem>>, vector<16xf32>,
        tpu.vector_store %arg14[%swap3A_333, %swap3A_334], %mul3A_332 {strides = array<i32>} : memref<80x128xf32, #tpu.memory_space<vmem>>, vector<16xf32>,
        %get3A_336 = arith.index_cast %scan3A_287 : i32 to index
        %get3A_337 = arith.constant 112 : index
        %get3A_338 = tpu.vector_load %arg14[%get3A_336, %get3A_337] {strides = array<i32>} : memref<80x128xf32, #tpu.memory_space<vmem>>, vector<16xf32>,
        %mul3A_339 = arith.mulf %get3A_338, %gather3A : vector<16xf32>
        %swap3A_340 = arith.index_cast %scan3A_287 : i32 to index
        %swap3A_341 = arith.constant 112 : index
        %swap3A_342 = tpu.vector_load %arg14[%swap3A_340, %swap3A_341] {strides = array<i32>} : memref<80x128xf32, #tpu.memory_space<vmem>>, vector<16xf32>,
        tpu.vector_store %arg14[%swap3A_340, %swap3A_341], %mul3A_339 {strides = array<i32>} : memref<80x128xf32, #tpu.memory_space<vmem>>, vector<16xf32>,
        %scan3A_343 = arith.constant 0 : i32
        scf.yield %scan3A_343 : i32
      }
      %scan3A_186 = arith.constant 80 : i32
      %mul3A_187 = arith.constant 80 : i32
      %mul3A_188 = arith.muli %add3A_162, %mul3A_187 : i32
      %add3A_189 = arith.addi %add3A, %mul3A_188 : i32
      %dma_wait3A_190 = arith.constant 0 : i32
      %dma_wait3A_191 = tpu.memref_slice %arg4[%add3A_189] : memref<320000xi32, #tpu.memory_space<hbm>> -> memref<80xi32, #tpu.memory_space<hbm>>
      %dma_wait3A_192 = tpu.memref_slice %arg19[%dma_wait3A_190] : memref<3x!tpu.dma_semaphore, #tpu.memory_space<semaphore_mem>> -> memref<1x!tpu.dma_semaphore, #tpu.memory_space<semaphore_mem>>
      %dma_wait3A_193 = tpu.memref_squeeze %dma_wait3A_192 : memref<1x!tpu.dma_semaphore, #tpu.memory_space<semaphore_mem>> -> memref<!tpu.dma_semaphore, #tpu.memory_space<semaphore_mem>>
      %dma_wait3A_194 = tpu.memref_slice %arg4[%add3A_189] : memref<320000xi32, #tpu.memory_space<hbm>> -> memref<80xi32, #tpu.memory_space<hbm>>
      tpu.wait_dma2 semaphore(%dma_wait3A_193 : memref<!tpu.dma_semaphore, #tpu.memory_space<semaphore_mem>>) src(%dma_wait3A_194 : memref<80xi32, #tpu.memory_space<hbm>>) dst(%arg11 : memref<80xi32, #tpu.memory_space<vmem>>)
      "tpu.region"() ({
        %run_scoped3A = tpu.sem_alloc : memref<!tpu.dma_semaphore, #tpu.memory_space<semaphore_mem>>
        %dma_start3A_287 = arith.constant 0 : i32
        %dma_start3A_288 = arith.constant 0 : i32
        %dma_start3A_289 = tpu.memref_slice %arg17[%dma_start3A_287, %dma_start3A_288] : memref<10240x128xf32, #tpu.memory_space<vmem_shared>> -> memref<10240x128xf32, #tpu.memory_space<vmem_shared>>
        tpu.enqueue_indirect_dma source(%arg14 : memref<80x128xf32, #tpu.memory_space<vmem>>) target(%dma_start3A_289 : memref<10240x128xf32, #tpu.memory_space<vmem_shared>>) offsets(%arg11 : memref<80xi32, #tpu.memory_space<vmem>>) semaphore(%run_scoped3A : memref<!tpu.dma_semaphore, #tpu.memory_space<semaphore_mem>>) {add = true}
        %dma_wait3A_290 = arith.constant 0 : i32
        %dma_wait3A_291 = arith.constant 0 : i32
        %dma_wait3A_292 = tpu.memref_slice %arg17[%dma_wait3A_290, %dma_wait3A_291] : memref<10240x128xf32, #tpu.memory_space<vmem_shared>> -> memref<10240x128xf32, #tpu.memory_space<vmem_shared>>
        tpu.wait_indirect_dma semaphore(%run_scoped3A : memref<!tpu.dma_semaphore, #tpu.memory_space<semaphore_mem>>) src(%arg14 : memref<80x128xf32, #tpu.memory_space<vmem>>) dst(%dma_wait3A_292 : memref<10240x128xf32, #tpu.memory_space<vmem_shared>>)
        tpu.yield
      }) : () -> ()
      %add3A_195 = arith.constant 3 : i32
      %add3A_196 = arith.addi %add3A_162, %add3A_195 : i32
      %sub3A = arith.constant 1 : i32
      %sub3A_197 = arith.subi %add3A_196, %sub3A : i32
      %lt3A = arith.constant 125 : i32
      %lt3A_198 = arith.cmpi slt, %sub3A_197, %lt3A : i32
      %convert_element_type3A = arith.extui %lt3A_198 : i1 to i32
      %cond3A = arith.constant 0 : i32
      %cond3A_199 = arith.cmpi ne, %convert_element_type3A, %cond3A : i32
      scf.if %cond3A_199 {
        %mul3A_287 = arith.constant 80 : i32
        %mul3A_288 = arith.muli %sub3A_197, %mul3A_287 : i32
        %add3A_289 = arith.addi %add3A, %mul3A_288 : i32
        %dma_start3A_290 = arith.constant 2 : i32
        %dma_start3A_291 = tpu.memref_slice %arg4[%add3A_289] : memref<320000xi32, #tpu.memory_space<hbm>> -> memref<80xi32, #tpu.memory_space<hbm>>
        %dma_start3A_292 = tpu.memref_slice %arg19[%dma_start3A_290] : memref<3x!tpu.dma_semaphore, #tpu.memory_space<semaphore_mem>> -> memref<1x!tpu.dma_semaphore, #tpu.memory_space<semaphore_mem>>
        %dma_start3A_293 = tpu.memref_squeeze %dma_start3A_292 : memref<1x!tpu.dma_semaphore, #tpu.memory_space<semaphore_mem>> -> memref<!tpu.dma_semaphore, #tpu.memory_space<semaphore_mem>>
        %dma_start3A_294 = tpu.memref_slice %arg4[%add3A_289] : memref<320000xi32, #tpu.memory_space<hbm>> -> memref<80xi32, #tpu.memory_space<hbm>>
        tpu.enqueue_dma source(%dma_start3A_294 : memref<80xi32, #tpu.memory_space<hbm>>) target(%arg13 : memref<80xi32, #tpu.memory_space<vmem>>) target_semaphore(%dma_start3A_293 : memref<!tpu.dma_semaphore, #tpu.memory_space<semaphore_mem>>)
        %mul3A_295 = arith.constant 80 : i32
        %mul3A_296 = arith.muli %sub3A_197, %mul3A_295 : i32
        %add3A_297 = arith.addi %add3A, %mul3A_296 : i32
        %dma_start3A_298 = arith.constant 2 : i32
        %dma_start3A_299 = tpu.memref_slice %arg5[%add3A_297] : memref<320000xf32, #tpu.memory_space<hbm>> -> memref<80xf32, #tpu.memory_space<hbm>>
        %dma_start3A_300 = tpu.memref_slice %arg20[%dma_start3A_298] : memref<3x!tpu.dma_semaphore, #tpu.memory_space<semaphore_mem>> -> memref<1x!tpu.dma_semaphore, #tpu.memory_space<semaphore_mem>>
        %dma_start3A_301 = tpu.memref_squeeze %dma_start3A_300 : memref<1x!tpu.dma_semaphore, #tpu.memory_space<semaphore_mem>> -> memref<!tpu.dma_semaphore, #tpu.memory_space<semaphore_mem>>
        %dma_start3A_302 = tpu.memref_slice %arg5[%add3A_297] : memref<320000xf32, #tpu.memory_space<hbm>> -> memref<80xf32, #tpu.memory_space<hbm>>
        tpu.enqueue_dma source(%dma_start3A_302 : memref<80xf32, #tpu.memory_space<hbm>>) target(%arg10 : memref<80xf32, #tpu.memory_space<vmem>>) target_semaphore(%dma_start3A_301 : memref<!tpu.dma_semaphore, #tpu.memory_space<semaphore_mem>>)
        %mul3A_303 = arith.constant 80 : i32
        %mul3A_304 = arith.muli %sub3A_197, %mul3A_303 : i32
        %dma_start3A_305 = arith.constant 2 : i32
        %dma_start3A_306 = tpu.memref_slice %arg7[%mul3A_304] : memref<10000xi32, #tpu.memory_space<vmem>> -> memref<80xi32, #tpu.memory_space<vmem>>
        %dma_start3A_307 = arith.constant 0 : i32
        %dma_start3A_308 = arith.constant 0 : i32
        %dma_start3A_309 = tpu.memref_slice %arg2[%dma_start3A_307, %dma_start3A_308] : memref<10000x128xf32, #tpu.memory_space<hbm>> -> memref<10000x128xf32, #tpu.memory_space<hbm>>
        %dma_start3A_310 = tpu.memref_slice %arg18[%dma_start3A_305] : memref<3x!tpu.dma_semaphore, #tpu.memory_space<semaphore_mem>> -> memref<1x!tpu.dma_semaphore, #tpu.memory_space<semaphore_mem>>
        %dma_start3A_311 = tpu.memref_squeeze %dma_start3A_310 : memref<1x!tpu.dma_semaphore, #tpu.memory_space<semaphore_mem>> -> memref<!tpu.dma_semaphore, #tpu.memory_space<semaphore_mem>>
        tpu.enqueue_indirect_dma source(%dma_start3A_309 : memref<10000x128xf32, #tpu.memory_space<hbm>>) target(%arg16 : memref<80x128xf32, #tpu.memory_space<vmem>>) offsets(%dma_start3A_306 : memref<80xi32, #tpu.memory_space<vmem>>) semaphore(%dma_start3A_311 : memref<!tpu.dma_semaphore, #tpu.memory_space<semaphore_mem>>)
      } else {
      }
      %add3A_200 = arith.constant 1 : i32
      %add3A_201 = arith.addi %mul3A_160, %add3A_200 : i32
      %mul3A_202 = arith.constant 80 : i32
      %mul3A_203 = arith.muli %add3A_201, %mul3A_202 : i32
      %dma_wait3A_204 = arith.constant 1 : i32
      %dma_wait3A_205 = tpu.memref_slice %arg7[%mul3A_203] : memref<10000xi32, #tpu.memory_space<vmem>> -> memref<80xi32, #tpu.memory_space<vmem>>
      %dma_wait3A_206 = arith.constant 0 : i32
      %dma_wait3A_207 = arith.constant 0 : i32
      %dma_wait3A_208 = tpu.memref_slice %arg2[%dma_wait3A_206, %dma_wait3A_207] : memref<10000x128xf32, #tpu.memory_space<hbm>> -> memref<10000x128xf32, #tpu.memory_space<hbm>>
      %dma_wait3A_209 = tpu.memref_slice %arg18[%dma_wait3A_204] : memref<3x!tpu.dma_semaphore, #tpu.memory_space<semaphore_mem>> -> memref<1x!tpu.dma_semaphore, #tpu.memory_space<semaphore_mem>>
      %dma_wait3A_210 = tpu.memref_squeeze %dma_wait3A_209 : memref<1x!tpu.dma_semaphore, #tpu.memory_space<semaphore_mem>> -> memref<!tpu.dma_semaphore, #tpu.memory_space<semaphore_mem>>
      tpu.wait_indirect_dma semaphore(%dma_wait3A_210 : memref<!tpu.dma_semaphore, #tpu.memory_space<semaphore_mem>>) src(%dma_wait3A_208 : memref<10000x128xf32, #tpu.memory_space<hbm>>) dst(%arg15 : memref<80x128xf32, #tpu.memory_space<vmem>>)
      %mul3A_211 = arith.constant 80 : i32
      %mul3A_212 = arith.muli %add3A_201, %mul3A_211 : i32
      %add3A_213 = arith.addi %add3A, %mul3A_212 : i32
      %dma_wait3A_214 = arith.constant 1 : i32
      %dma_wait3A_215 = tpu.memref_slice %arg5[%add3A_213] : memref<320000xf32, #tpu.memory_space<hbm>> -> memref<80xf32, #tpu.memory_space<hbm>>
      %dma_wait3A_216 = tpu.memref_slice %arg20[%dma_wait3A_214] : memref<3x!tpu.dma_semaphore, #tpu.memory_space<semaphore_mem>> -> memref<1x!tpu.dma_semaphore, #tpu.memory_space<semaphore_mem>>
      %dma_wait3A_217 = tpu.memref_squeeze %dma_wait3A_216 : memref<1x!tpu.dma_semaphore, #tpu.memory_space<semaphore_mem>> -> memref<!tpu.dma_semaphore, #tpu.memory_space<semaphore_mem>>
      %dma_wait3A_218 = tpu.memref_slice %arg5[%add3A_213] : memref<320000xf32, #tpu.memory_space<hbm>> -> memref<80xf32, #tpu.memory_space<hbm>>
      tpu.wait_dma2 semaphore(%dma_wait3A_217 : memref<!tpu.dma_semaphore, #tpu.memory_space<semaphore_mem>>) src(%dma_wait3A_218 : memref<80xf32, #tpu.memory_space<hbm>>) dst(%arg9 : memref<80xf32, #tpu.memory_space<vmem>>)
      %scan3A_219 = arith.constant 0 : i32
      %scan3A_220 = arith.constant 0 : i32
      %scan3A_221 = arith.constant 80 : i32
      %scan3A_222 = arith.addi %scan3A_220, %scan3A_221 : i32
      %scan3A_223 = arith.constant 1 : i32
      %scan3A_224 = scf.for %scan3A_287 = %scan3A_220 to %scan3A_222 step %scan3A_223 iter_args(%scan3A_288 = %scan3A_219) -> (i32)  : i32 {
        %broadcast_in_dim3A = vector.broadcast %scan3A_287 : i32 to vector<16xi32>
        %gather3A = tpu.vector_load_idx %arg9[%broadcast_in_dim3A] : memref<80xf32, #tpu.memory_space<vmem>>[vector<16xi32>], vector<16xf32>,
        %get3A = arith.index_cast %scan3A_287 : i32 to index
        %get3A_289 = arith.constant 0 : index
        %get3A_290 = tpu.vector_load %arg15[%get3A, %get3A_289] {strides = array<i32>} : memref<80x128xf32, #tpu.memory_space<vmem>>, vector<16xf32>,
        %mul3A_291 = arith.mulf %get3A_290, %gather3A : vector<16xf32>
        %swap3A = arith.index_cast %scan3A_287 : i32 to index
        %swap3A_292 = arith.constant 0 : index
        %swap3A_293 = tpu.vector_load %arg15[%swap3A, %swap3A_292] {strides = array<i32>} : memref<80x128xf32, #tpu.memory_space<vmem>>, vector<16xf32>,
        tpu.vector_store %arg15[%swap3A, %swap3A_292], %mul3A_291 {strides = array<i32>} : memref<80x128xf32, #tpu.memory_space<vmem>>, vector<16xf32>,
        %get3A_294 = arith.index_cast %scan3A_287 : i32 to index
        %get3A_295 = arith.constant 16 : index
        %get3A_296 = tpu.vector_load %arg15[%get3A_294, %get3A_295] {strides = array<i32>} : memref<80x128xf32, #tpu.memory_space<vmem>>, vector<16xf32>,
        %mul3A_297 = arith.mulf %get3A_296, %gather3A : vector<16xf32>
        %swap3A_298 = arith.index_cast %scan3A_287 : i32 to index
        %swap3A_299 = arith.constant 16 : index
        %swap3A_300 = tpu.vector_load %arg15[%swap3A_298, %swap3A_299] {strides = array<i32>} : memref<80x128xf32, #tpu.memory_space<vmem>>, vector<16xf32>,
        tpu.vector_store %arg15[%swap3A_298, %swap3A_299], %mul3A_297 {strides = array<i32>} : memref<80x128xf32, #tpu.memory_space<vmem>>, vector<16xf32>,
        %get3A_301 = arith.index_cast %scan3A_287 : i32 to index
        %get3A_302 = arith.constant 32 : index
        %get3A_303 = tpu.vector_load %arg15[%get3A_301, %get3A_302] {strides = array<i32>} : memref<80x128xf32, #tpu.memory_space<vmem>>, vector<16xf32>,
        %mul3A_304 = arith.mulf %get3A_303, %gather3A : vector<16xf32>
        %swap3A_305 = arith.index_cast %scan3A_287 : i32 to index
        %swap3A_306 = arith.constant 32 : index
        %swap3A_307 = tpu.vector_load %arg15[%swap3A_305, %swap3A_306] {strides = array<i32>} : memref<80x128xf32, #tpu.memory_space<vmem>>, vector<16xf32>,
        tpu.vector_store %arg15[%swap3A_305, %swap3A_306], %mul3A_304 {strides = array<i32>} : memref<80x128xf32, #tpu.memory_space<vmem>>, vector<16xf32>,
        %get3A_308 = arith.index_cast %scan3A_287 : i32 to index
        %get3A_309 = arith.constant 48 : index
        %get3A_310 = tpu.vector_load %arg15[%get3A_308, %get3A_309] {strides = array<i32>} : memref<80x128xf32, #tpu.memory_space<vmem>>, vector<16xf32>,
        %mul3A_311 = arith.mulf %get3A_310, %gather3A : vector<16xf32>
        %swap3A_312 = arith.index_cast %scan3A_287 : i32 to index
        %swap3A_313 = arith.constant 48 : index
        %swap3A_314 = tpu.vector_load %arg15[%swap3A_312, %swap3A_313] {strides = array<i32>} : memref<80x128xf32, #tpu.memory_space<vmem>>, vector<16xf32>,
        tpu.vector_store %arg15[%swap3A_312, %swap3A_313], %mul3A_311 {strides = array<i32>} : memref<80x128xf32, #tpu.memory_space<vmem>>, vector<16xf32>,
        %get3A_315 = arith.index_cast %scan3A_287 : i32 to index
        %get3A_316 = arith.constant 64 : index
        %get3A_317 = tpu.vector_load %arg15[%get3A_315, %get3A_316] {strides = array<i32>} : memref<80x128xf32, #tpu.memory_space<vmem>>, vector<16xf32>,
        %mul3A_318 = arith.mulf %get3A_317, %gather3A : vector<16xf32>
        %swap3A_319 = arith.index_cast %scan3A_287 : i32 to index
        %swap3A_320 = arith.constant 64 : index
        %swap3A_321 = tpu.vector_load %arg15[%swap3A_319, %swap3A_320] {strides = array<i32>} : memref<80x128xf32, #tpu.memory_space<vmem>>, vector<16xf32>,
        tpu.vector_store %arg15[%swap3A_319, %swap3A_320], %mul3A_318 {strides = array<i32>} : memref<80x128xf32, #tpu.memory_space<vmem>>, vector<16xf32>,
        %get3A_322 = arith.index_cast %scan3A_287 : i32 to index
        %get3A_323 = arith.constant 80 : index
        %get3A_324 = tpu.vector_load %arg15[%get3A_322, %get3A_323] {strides = array<i32>} : memref<80x128xf32, #tpu.memory_space<vmem>>, vector<16xf32>,
        %mul3A_325 = arith.mulf %get3A_324, %gather3A : vector<16xf32>
        %swap3A_326 = arith.index_cast %scan3A_287 : i32 to index
        %swap3A_327 = arith.constant 80 : index
        %swap3A_328 = tpu.vector_load %arg15[%swap3A_326, %swap3A_327] {strides = array<i32>} : memref<80x128xf32, #tpu.memory_space<vmem>>, vector<16xf32>,
        tpu.vector_store %arg15[%swap3A_326, %swap3A_327], %mul3A_325 {strides = array<i32>} : memref<80x128xf32, #tpu.memory_space<vmem>>, vector<16xf32>,
        %get3A_329 = arith.index_cast %scan3A_287 : i32 to index
        %get3A_330 = arith.constant 96 : index
        %get3A_331 = tpu.vector_load %arg15[%get3A_329, %get3A_330] {strides = array<i32>} : memref<80x128xf32, #tpu.memory_space<vmem>>, vector<16xf32>,
        %mul3A_332 = arith.mulf %get3A_331, %gather3A : vector<16xf32>
        %swap3A_333 = arith.index_cast %scan3A_287 : i32 to index
        %swap3A_334 = arith.constant 96 : index
        %swap3A_335 = tpu.vector_load %arg15[%swap3A_333, %swap3A_334] {strides = array<i32>} : memref<80x128xf32, #tpu.memory_space<vmem>>, vector<16xf32>,
        tpu.vector_store %arg15[%swap3A_333, %swap3A_334], %mul3A_332 {strides = array<i32>} : memref<80x128xf32, #tpu.memory_space<vmem>>, vector<16xf32>,
        %get3A_336 = arith.index_cast %scan3A_287 : i32 to index
        %get3A_337 = arith.constant 112 : index
        %get3A_338 = tpu.vector_load %arg15[%get3A_336, %get3A_337] {strides = array<i32>} : memref<80x128xf32, #tpu.memory_space<vmem>>, vector<16xf32>,
        %mul3A_339 = arith.mulf %get3A_338, %gather3A : vector<16xf32>
        %swap3A_340 = arith.index_cast %scan3A_287 : i32 to index
        %swap3A_341 = arith.constant 112 : index
        %swap3A_342 = tpu.vector_load %arg15[%swap3A_340, %swap3A_341] {strides = array<i32>} : memref<80x128xf32, #tpu.memory_space<vmem>>, vector<16xf32>,
        tpu.vector_store %arg15[%swap3A_340, %swap3A_341], %mul3A_339 {strides = array<i32>} : memref<80x128xf32, #tpu.memory_space<vmem>>, vector<16xf32>,
        %scan3A_343 = arith.constant 0 : i32
        scf.yield %scan3A_343 : i32
      }
      %scan3A_225 = arith.constant 80 : i32
      %mul3A_226 = arith.constant 80 : i32
      %mul3A_227 = arith.muli %add3A_201, %mul3A_226 : i32
      %add3A_228 = arith.addi %add3A, %mul3A_227 : i32
      %dma_wait3A_229 = arith.constant 1 : i32
      %dma_wait3A_230 = tpu.memref_slice %arg4[%add3A_228] : memref<320000xi32, #tpu.memory_space<hbm>> -> memref<80xi32, #tpu.memory_space<hbm>>
      %dma_wait3A_231 = tpu.memref_slice %arg19[%dma_wait3A_229] : memref<3x!tpu.dma_semaphore, #tpu.memory_space<semaphore_mem>> -> memref<1x!tpu.dma_semaphore, #tpu.memory_space<semaphore_mem>>
      %dma_wait3A_232 = tpu.memref_squeeze %dma_wait3A_231 : memref<1x!tpu.dma_semaphore, #tpu.memory_space<semaphore_mem>> -> memref<!tpu.dma_semaphore, #tpu.memory_space<semaphore_mem>>
      %dma_wait3A_233 = tpu.memref_slice %arg4[%add3A_228] : memref<320000xi32, #tpu.memory_space<hbm>> -> memref<80xi32, #tpu.memory_space<hbm>>
      tpu.wait_dma2 semaphore(%dma_wait3A_232 : memref<!tpu.dma_semaphore, #tpu.memory_space<semaphore_mem>>) src(%dma_wait3A_233 : memref<80xi32, #tpu.memory_space<hbm>>) dst(%arg12 : memref<80xi32, #tpu.memory_space<vmem>>)
      "tpu.region"() ({
        %run_scoped3A = tpu.sem_alloc : memref<!tpu.dma_semaphore, #tpu.memory_space<semaphore_mem>>
        %dma_start3A_287 = arith.constant 0 : i32
        %dma_start3A_288 = arith.constant 0 : i32
        %dma_start3A_289 = tpu.memref_slice %arg17[%dma_start3A_287, %dma_start3A_288] : memref<10240x128xf32, #tpu.memory_space<vmem_shared>> -> memref<10240x128xf32, #tpu.memory_space<vmem_shared>>
        tpu.enqueue_indirect_dma source(%arg15 : memref<80x128xf32, #tpu.memory_space<vmem>>) target(%dma_start3A_289 : memref<10240x128xf32, #tpu.memory_space<vmem_shared>>) offsets(%arg12 : memref<80xi32, #tpu.memory_space<vmem>>) semaphore(%run_scoped3A : memref<!tpu.dma_semaphore, #tpu.memory_space<semaphore_mem>>) {add = true}
        %dma_wait3A_290 = arith.constant 0 : i32
        %dma_wait3A_291 = arith.constant 0 : i32
        %dma_wait3A_292 = tpu.memref_slice %arg17[%dma_wait3A_290, %dma_wait3A_291] : memref<10240x128xf32, #tpu.memory_space<vmem_shared>> -> memref<10240x128xf32, #tpu.memory_space<vmem_shared>>
        tpu.wait_indirect_dma semaphore(%run_scoped3A : memref<!tpu.dma_semaphore, #tpu.memory_space<semaphore_mem>>) src(%arg15 : memref<80x128xf32, #tpu.memory_space<vmem>>) dst(%dma_wait3A_292 : memref<10240x128xf32, #tpu.memory_space<vmem_shared>>)
        tpu.yield
      }) : () -> ()
      %add3A_234 = arith.constant 3 : i32
      %add3A_235 = arith.addi %add3A_201, %add3A_234 : i32
      %sub3A_236 = arith.constant 1 : i32
      %sub3A_237 = arith.subi %add3A_235, %sub3A_236 : i32
      %lt3A_238 = arith.constant 125 : i32
      %lt3A_239 = arith.cmpi slt, %sub3A_237, %lt3A_238 : i32
      %convert_element_type3A_240 = arith.extui %lt3A_239 : i1 to i32
      %cond3A_241 = arith.constant 0 : i32
      %cond3A_242 = arith.cmpi ne, %convert_element_type3A_240, %cond3A_241 : i32
      scf.if %cond3A_242 {
        %mul3A_287 = arith.constant 80 : i32
        %mul3A_288 = arith.muli %sub3A_237, %mul3A_287 : i32
        %add3A_289 = arith.addi %add3A, %mul3A_288 : i32
        %dma_start3A_290 = arith.constant 0 : i32
        %dma_start3A_291 = tpu.memref_slice %arg4[%add3A_289] : memref<320000xi32, #tpu.memory_space<hbm>> -> memref<80xi32, #tpu.memory_space<hbm>>
        %dma_start3A_292 = tpu.memref_slice %arg19[%dma_start3A_290] : memref<3x!tpu.dma_semaphore, #tpu.memory_space<semaphore_mem>> -> memref<1x!tpu.dma_semaphore, #tpu.memory_space<semaphore_mem>>
        %dma_start3A_293 = tpu.memref_squeeze %dma_start3A_292 : memref<1x!tpu.dma_semaphore, #tpu.memory_space<semaphore_mem>> -> memref<!tpu.dma_semaphore, #tpu.memory_space<semaphore_mem>>
        %dma_start3A_294 = tpu.memref_slice %arg4[%add3A_289] : memref<320000xi32, #tpu.memory_space<hbm>> -> memref<80xi32, #tpu.memory_space<hbm>>
        tpu.enqueue_dma source(%dma_start3A_294 : memref<80xi32, #tpu.memory_space<hbm>>) target(%arg11 : memref<80xi32, #tpu.memory_space<vmem>>) target_semaphore(%dma_start3A_293 : memref<!tpu.dma_semaphore, #tpu.memory_space<semaphore_mem>>)
        %mul3A_295 = arith.constant 80 : i32
        %mul3A_296 = arith.muli %sub3A_237, %mul3A_295 : i32
        %add3A_297 = arith.addi %add3A, %mul3A_296 : i32
        %dma_start3A_298 = arith.constant 0 : i32
        %dma_start3A_299 = tpu.memref_slice %arg5[%add3A_297] : memref<320000xf32, #tpu.memory_space<hbm>> -> memref<80xf32, #tpu.memory_space<hbm>>
        %dma_start3A_300 = tpu.memref_slice %arg20[%dma_start3A_298] : memref<3x!tpu.dma_semaphore, #tpu.memory_space<semaphore_mem>> -> memref<1x!tpu.dma_semaphore, #tpu.memory_space<semaphore_mem>>
        %dma_start3A_301 = tpu.memref_squeeze %dma_start3A_300 : memref<1x!tpu.dma_semaphore, #tpu.memory_space<semaphore_mem>> -> memref<!tpu.dma_semaphore, #tpu.memory_space<semaphore_mem>>
        %dma_start3A_302 = tpu.memref_slice %arg5[%add3A_297] : memref<320000xf32, #tpu.memory_space<hbm>> -> memref<80xf32, #tpu.memory_space<hbm>>
        tpu.enqueue_dma source(%dma_start3A_302 : memref<80xf32, #tpu.memory_space<hbm>>) target(%arg8 : memref<80xf32, #tpu.memory_space<vmem>>) target_semaphore(%dma_start3A_301 : memref<!tpu.dma_semaphore, #tpu.memory_space<semaphore_mem>>)
        %mul3A_303 = arith.constant 80 : i32
        %mul3A_304 = arith.muli %sub3A_237, %mul3A_303 : i32
        %dma_start3A_305 = arith.constant 0 : i32
        %dma_start3A_306 = tpu.memref_slice %arg7[%mul3A_304] : memref<10000xi32, #tpu.memory_space<vmem>> -> memref<80xi32, #tpu.memory_space<vmem>>
        %dma_start3A_307 = arith.constant 0 : i32
        %dma_start3A_308 = arith.constant 0 : i32
        %dma_start3A_309 = tpu.memref_slice %arg2[%dma_start3A_307, %dma_start3A_308] : memref<10000x128xf32, #tpu.memory_space<hbm>> -> memref<10000x128xf32, #tpu.memory_space<hbm>>
        %dma_start3A_310 = tpu.memref_slice %arg18[%dma_start3A_305] : memref<3x!tpu.dma_semaphore, #tpu.memory_space<semaphore_mem>> -> memref<1x!tpu.dma_semaphore, #tpu.memory_space<semaphore_mem>>
        %dma_start3A_311 = tpu.memref_squeeze %dma_start3A_310 : memref<1x!tpu.dma_semaphore, #tpu.memory_space<semaphore_mem>> -> memref<!tpu.dma_semaphore, #tpu.memory_space<semaphore_mem>>
        tpu.enqueue_indirect_dma source(%dma_start3A_309 : memref<10000x128xf32, #tpu.memory_space<hbm>>) target(%arg14 : memref<80x128xf32, #tpu.memory_space<vmem>>) offsets(%dma_start3A_306 : memref<80xi32, #tpu.memory_space<vmem>>) semaphore(%dma_start3A_311 : memref<!tpu.dma_semaphore, #tpu.memory_space<semaphore_mem>>)
      } else {
      }
      %add3A_243 = arith.constant 2 : i32
      %add3A_244 = arith.addi %mul3A_160, %add3A_243 : i32
      %mul3A_245 = arith.constant 80 : i32
      %mul3A_246 = arith.muli %add3A_244, %mul3A_245 : i32
      %dma_wait3A_247 = arith.constant 2 : i32
      %dma_wait3A_248 = tpu.memref_slice %arg7[%mul3A_246] : memref<10000xi32, #tpu.memory_space<vmem>> -> memref<80xi32, #tpu.memory_space<vmem>>
      %dma_wait3A_249 = arith.constant 0 : i32
      %dma_wait3A_250 = arith.constant 0 : i32
      %dma_wait3A_251 = tpu.memref_slice %arg2[%dma_wait3A_249, %dma_wait3A_250] : memref<10000x128xf32, #tpu.memory_space<hbm>> -> memref<10000x128xf32, #tpu.memory_space<hbm>>
      %dma_wait3A_252 = tpu.memref_slice %arg18[%dma_wait3A_247] : memref<3x!tpu.dma_semaphore, #tpu.memory_space<semaphore_mem>> -> memref<1x!tpu.dma_semaphore, #tpu.memory_space<semaphore_mem>>
      %dma_wait3A_253 = tpu.memref_squeeze %dma_wait3A_252 : memref<1x!tpu.dma_semaphore, #tpu.memory_space<semaphore_mem>> -> memref<!tpu.dma_semaphore, #tpu.memory_space<semaphore_mem>>
      tpu.wait_indirect_dma semaphore(%dma_wait3A_253 : memref<!tpu.dma_semaphore, #tpu.memory_space<semaphore_mem>>) src(%dma_wait3A_251 : memref<10000x128xf32, #tpu.memory_space<hbm>>) dst(%arg16 : memref<80x128xf32, #tpu.memory_space<vmem>>)
      %mul3A_254 = arith.constant 80 : i32
      %mul3A_255 = arith.muli %add3A_244, %mul3A_254 : i32
      %add3A_256 = arith.addi %add3A, %mul3A_255 : i32
      %dma_wait3A_257 = arith.constant 2 : i32
      %dma_wait3A_258 = tpu.memref_slice %arg5[%add3A_256] : memref<320000xf32, #tpu.memory_space<hbm>> -> memref<80xf32, #tpu.memory_space<hbm>>
      %dma_wait3A_259 = tpu.memref_slice %arg20[%dma_wait3A_257] : memref<3x!tpu.dma_semaphore, #tpu.memory_space<semaphore_mem>> -> memref<1x!tpu.dma_semaphore, #tpu.memory_space<semaphore_mem>>
      %dma_wait3A_260 = tpu.memref_squeeze %dma_wait3A_259 : memref<1x!tpu.dma_semaphore, #tpu.memory_space<semaphore_mem>> -> memref<!tpu.dma_semaphore, #tpu.memory_space<semaphore_mem>>
      %dma_wait3A_261 = tpu.memref_slice %arg5[%add3A_256] : memref<320000xf32, #tpu.memory_space<hbm>> -> memref<80xf32, #tpu.memory_space<hbm>>
      tpu.wait_dma2 semaphore(%dma_wait3A_260 : memref<!tpu.dma_semaphore, #tpu.memory_space<semaphore_mem>>) src(%dma_wait3A_261 : memref<80xf32, #tpu.memory_space<hbm>>) dst(%arg10 : memref<80xf32, #tpu.memory_space<vmem>>)
      %scan3A_262 = arith.constant 0 : i32
      %scan3A_263 = arith.constant 0 : i32
      %scan3A_264 = arith.constant 80 : i32
      %scan3A_265 = arith.addi %scan3A_263, %scan3A_264 : i32
      %scan3A_266 = arith.constant 1 : i32
      %scan3A_267 = scf.for %scan3A_287 = %scan3A_263 to %scan3A_265 step %scan3A_266 iter_args(%scan3A_288 = %scan3A_262) -> (i32)  : i32 {
        %broadcast_in_dim3A = vector.broadcast %scan3A_287 : i32 to vector<16xi32>
        %gather3A = tpu.vector_load_idx %arg10[%broadcast_in_dim3A] : memref<80xf32, #tpu.memory_space<vmem>>[vector<16xi32>], vector<16xf32>,
        %get3A = arith.index_cast %scan3A_287 : i32 to index
        %get3A_289 = arith.constant 0 : index
        %get3A_290 = tpu.vector_load %arg16[%get3A, %get3A_289] {strides = array<i32>} : memref<80x128xf32, #tpu.memory_space<vmem>>, vector<16xf32>,
        %mul3A_291 = arith.mulf %get3A_290, %gather3A : vector<16xf32>
        %swap3A = arith.index_cast %scan3A_287 : i32 to index
        %swap3A_292 = arith.constant 0 : index
        %swap3A_293 = tpu.vector_load %arg16[%swap3A, %swap3A_292] {strides = array<i32>} : memref<80x128xf32, #tpu.memory_space<vmem>>, vector<16xf32>,
        tpu.vector_store %arg16[%swap3A, %swap3A_292], %mul3A_291 {strides = array<i32>} : memref<80x128xf32, #tpu.memory_space<vmem>>, vector<16xf32>,
        %get3A_294 = arith.index_cast %scan3A_287 : i32 to index
        %get3A_295 = arith.constant 16 : index
        %get3A_296 = tpu.vector_load %arg16[%get3A_294, %get3A_295] {strides = array<i32>} : memref<80x128xf32, #tpu.memory_space<vmem>>, vector<16xf32>,
        %mul3A_297 = arith.mulf %get3A_296, %gather3A : vector<16xf32>
        %swap3A_298 = arith.index_cast %scan3A_287 : i32 to index
        %swap3A_299 = arith.constant 16 : index
        %swap3A_300 = tpu.vector_load %arg16[%swap3A_298, %swap3A_299] {strides = array<i32>} : memref<80x128xf32, #tpu.memory_space<vmem>>, vector<16xf32>,
        tpu.vector_store %arg16[%swap3A_298, %swap3A_299], %mul3A_297 {strides = array<i32>} : memref<80x128xf32, #tpu.memory_space<vmem>>, vector<16xf32>,
        %get3A_301 = arith.index_cast %scan3A_287 : i32 to index
        %get3A_302 = arith.constant 32 : index
        %get3A_303 = tpu.vector_load %arg16[%get3A_301, %get3A_302] {strides = array<i32>} : memref<80x128xf32, #tpu.memory_space<vmem>>, vector<16xf32>,
        %mul3A_304 = arith.mulf %get3A_303, %gather3A : vector<16xf32>
        %swap3A_305 = arith.index_cast %scan3A_287 : i32 to index
        %swap3A_306 = arith.constant 32 : index
        %swap3A_307 = tpu.vector_load %arg16[%swap3A_305, %swap3A_306] {strides = array<i32>} : memref<80x128xf32, #tpu.memory_space<vmem>>, vector<16xf32>,
        tpu.vector_store %arg16[%swap3A_305, %swap3A_306], %mul3A_304 {strides = array<i32>} : memref<80x128xf32, #tpu.memory_space<vmem>>, vector<16xf32>,
        %get3A_308 = arith.index_cast %scan3A_287 : i32 to index
        %get3A_309 = arith.constant 48 : index
        %get3A_310 = tpu.vector_load %arg16[%get3A_308, %get3A_309] {strides = array<i32>} : memref<80x128xf32, #tpu.memory_space<vmem>>, vector<16xf32>,
        %mul3A_311 = arith.mulf %get3A_310, %gather3A : vector<16xf32>
        %swap3A_312 = arith.index_cast %scan3A_287 : i32 to index
        %swap3A_313 = arith.constant 48 : index
        %swap3A_314 = tpu.vector_load %arg16[%swap3A_312, %swap3A_313] {strides = array<i32>} : memref<80x128xf32, #tpu.memory_space<vmem>>, vector<16xf32>,
        tpu.vector_store %arg16[%swap3A_312, %swap3A_313], %mul3A_311 {strides = array<i32>} : memref<80x128xf32, #tpu.memory_space<vmem>>, vector<16xf32>,
        %get3A_315 = arith.index_cast %scan3A_287 : i32 to index
        %get3A_316 = arith.constant 64 : index
        %get3A_317 = tpu.vector_load %arg16[%get3A_315, %get3A_316] {strides = array<i32>} : memref<80x128xf32, #tpu.memory_space<vmem>>, vector<16xf32>,
        %mul3A_318 = arith.mulf %get3A_317, %gather3A : vector<16xf32>
        %swap3A_319 = arith.index_cast %scan3A_287 : i32 to index
        %swap3A_320 = arith.constant 64 : index
        %swap3A_321 = tpu.vector_load %arg16[%swap3A_319, %swap3A_320] {strides = array<i32>} : memref<80x128xf32, #tpu.memory_space<vmem>>, vector<16xf32>,
        tpu.vector_store %arg16[%swap3A_319, %swap3A_320], %mul3A_318 {strides = array<i32>} : memref<80x128xf32, #tpu.memory_space<vmem>>, vector<16xf32>,
        %get3A_322 = arith.index_cast %scan3A_287 : i32 to index
        %get3A_323 = arith.constant 80 : index
        %get3A_324 = tpu.vector_load %arg16[%get3A_322, %get3A_323] {strides = array<i32>} : memref<80x128xf32, #tpu.memory_space<vmem>>, vector<16xf32>,
        %mul3A_325 = arith.mulf %get3A_324, %gather3A : vector<16xf32>
        %swap3A_326 = arith.index_cast %scan3A_287 : i32 to index
        %swap3A_327 = arith.constant 80 : index
        %swap3A_328 = tpu.vector_load %arg16[%swap3A_326, %swap3A_327] {strides = array<i32>} : memref<80x128xf32, #tpu.memory_space<vmem>>, vector<16xf32>,
        tpu.vector_store %arg16[%swap3A_326, %swap3A_327], %mul3A_325 {strides = array<i32>} : memref<80x128xf32, #tpu.memory_space<vmem>>, vector<16xf32>,
        %get3A_329 = arith.index_cast %scan3A_287 : i32 to index
        %get3A_330 = arith.constant 96 : index
        %get3A_331 = tpu.vector_load %arg16[%get3A_329, %get3A_330] {strides = array<i32>} : memref<80x128xf32, #tpu.memory_space<vmem>>, vector<16xf32>,
        %mul3A_332 = arith.mulf %get3A_331, %gather3A : vector<16xf32>
        %swap3A_333 = arith.index_cast %scan3A_287 : i32 to index
        %swap3A_334 = arith.constant 96 : index
        %swap3A_335 = tpu.vector_load %arg16[%swap3A_333, %swap3A_334] {strides = array<i32>} : memref<80x128xf32, #tpu.memory_space<vmem>>, vector<16xf32>,
        tpu.vector_store %arg16[%swap3A_333, %swap3A_334], %mul3A_332 {strides = array<i32>} : memref<80x128xf32, #tpu.memory_space<vmem>>, vector<16xf32>,
        %get3A_336 = arith.index_cast %scan3A_287 : i32 to index
        %get3A_337 = arith.constant 112 : index
        %get3A_338 = tpu.vector_load %arg16[%get3A_336, %get3A_337] {strides = array<i32>} : memref<80x128xf32, #tpu.memory_space<vmem>>, vector<16xf32>,
        %mul3A_339 = arith.mulf %get3A_338, %gather3A : vector<16xf32>
        %swap3A_340 = arith.index_cast %scan3A_287 : i32 to index
        %swap3A_341 = arith.constant 112 : index
        %swap3A_342 = tpu.vector_load %arg16[%swap3A_340, %swap3A_341] {strides = array<i32>} : memref<80x128xf32, #tpu.memory_space<vmem>>, vector<16xf32>,
        tpu.vector_store %arg16[%swap3A_340, %swap3A_341], %mul3A_339 {strides = array<i32>} : memref<80x128xf32, #tpu.memory_space<vmem>>, vector<16xf32>,
        %scan3A_343 = arith.constant 0 : i32
        scf.yield %scan3A_343 : i32
      }
      %scan3A_268 = arith.constant 80 : i32
      %mul3A_269 = arith.constant 80 : i32
      %mul3A_270 = arith.muli %add3A_244, %mul3A_269 : i32
      %add3A_271 = arith.addi %add3A, %mul3A_270 : i32
      %dma_wait3A_272 = arith.constant 2 : i32
      %dma_wait3A_273 = tpu.memref_slice %arg4[%add3A_271] : memref<320000xi32, #tpu.memory_space<hbm>> -> memref<80xi32, #tpu.memory_space<hbm>>
      %dma_wait3A_274 = tpu.memref_slice %arg19[%dma_wait3A_272] : memref<3x!tpu.dma_semaphore, #tpu.memory_space<semaphore_mem>> -> memref<1x!tpu.dma_semaphore, #tpu.memory_space<semaphore_mem>>
      %dma_wait3A_275 = tpu.memref_squeeze %dma_wait3A_274 : memref<1x!tpu.dma_semaphore, #tpu.memory_space<semaphore_mem>> -> memref<!tpu.dma_semaphore, #tpu.memory_space<semaphore_mem>>
      %dma_wait3A_276 = tpu.memref_slice %arg4[%add3A_271] : memref<320000xi32, #tpu.memory_space<hbm>> -> memref<80xi32, #tpu.memory_space<hbm>>
      tpu.wait_dma2 semaphore(%dma_wait3A_275 : memref<!tpu.dma_semaphore, #tpu.memory_space<semaphore_mem>>) src(%dma_wait3A_276 : memref<80xi32, #tpu.memory_space<hbm>>) dst(%arg13 : memref<80xi32, #tpu.memory_space<vmem>>)
      "tpu.region"() ({
        %run_scoped3A = tpu.sem_alloc : memref<!tpu.dma_semaphore, #tpu.memory_space<semaphore_mem>>
        %dma_start3A_287 = arith.constant 0 : i32
        %dma_start3A_288 = arith.constant 0 : i32
        %dma_start3A_289 = tpu.memref_slice %arg17[%dma_start3A_287, %dma_start3A_288] : memref<10240x128xf32, #tpu.memory_space<vmem_shared>> -> memref<10240x128xf32, #tpu.memory_space<vmem_shared>>
        tpu.enqueue_indirect_dma source(%arg16 : memref<80x128xf32, #tpu.memory_space<vmem>>) target(%dma_start3A_289 : memref<10240x128xf32, #tpu.memory_space<vmem_shared>>) offsets(%arg13 : memref<80xi32, #tpu.memory_space<vmem>>) semaphore(%run_scoped3A : memref<!tpu.dma_semaphore, #tpu.memory_space<semaphore_mem>>) {add = true}
        %dma_wait3A_290 = arith.constant 0 : i32
        %dma_wait3A_291 = arith.constant 0 : i32
        %dma_wait3A_292 = tpu.memref_slice %arg17[%dma_wait3A_290, %dma_wait3A_291] : memref<10240x128xf32, #tpu.memory_space<vmem_shared>> -> memref<10240x128xf32, #tpu.memory_space<vmem_shared>>
        tpu.wait_indirect_dma semaphore(%run_scoped3A : memref<!tpu.dma_semaphore, #tpu.memory_space<semaphore_mem>>) src(%arg16 : memref<80x128xf32, #tpu.memory_space<vmem>>) dst(%dma_wait3A_292 : memref<10240x128xf32, #tpu.memory_space<vmem_shared>>)
        tpu.yield
      }) : () -> ()
      %add3A_277 = arith.constant 3 : i32
      %add3A_278 = arith.addi %add3A_244, %add3A_277 : i32
      %sub3A_279 = arith.constant 1 : i32
      %sub3A_280 = arith.subi %add3A_278, %sub3A_279 : i32
      %lt3A_281 = arith.constant 125 : i32
      %lt3A_282 = arith.cmpi slt, %sub3A_280, %lt3A_281 : i32
      %convert_element_type3A_283 = arith.extui %lt3A_282 : i1 to i32
      %cond3A_284 = arith.constant 0 : i32
      %cond3A_285 = arith.cmpi ne, %convert_element_type3A_283, %cond3A_284 : i32
      scf.if %cond3A_285 {
        %mul3A_287 = arith.constant 80 : i32
        %mul3A_288 = arith.muli %sub3A_280, %mul3A_287 : i32
        %add3A_289 = arith.addi %add3A, %mul3A_288 : i32
        %dma_start3A_290 = arith.constant 1 : i32
        %dma_start3A_291 = tpu.memref_slice %arg4[%add3A_289] : memref<320000xi32, #tpu.memory_space<hbm>> -> memref<80xi32, #tpu.memory_space<hbm>>
        %dma_start3A_292 = tpu.memref_slice %arg19[%dma_start3A_290] : memref<3x!tpu.dma_semaphore, #tpu.memory_space<semaphore_mem>> -> memref<1x!tpu.dma_semaphore, #tpu.memory_space<semaphore_mem>>
        %dma_start3A_293 = tpu.memref_squeeze %dma_start3A_292 : memref<1x!tpu.dma_semaphore, #tpu.memory_space<semaphore_mem>> -> memref<!tpu.dma_semaphore, #tpu.memory_space<semaphore_mem>>
        %dma_start3A_294 = tpu.memref_slice %arg4[%add3A_289] : memref<320000xi32, #tpu.memory_space<hbm>> -> memref<80xi32, #tpu.memory_space<hbm>>
        tpu.enqueue_dma source(%dma_start3A_294 : memref<80xi32, #tpu.memory_space<hbm>>) target(%arg12 : memref<80xi32, #tpu.memory_space<vmem>>) target_semaphore(%dma_start3A_293 : memref<!tpu.dma_semaphore, #tpu.memory_space<semaphore_mem>>)
        %mul3A_295 = arith.constant 80 : i32
        %mul3A_296 = arith.muli %sub3A_280, %mul3A_295 : i32
        %add3A_297 = arith.addi %add3A, %mul3A_296 : i32
        %dma_start3A_298 = arith.constant 1 : i32
        %dma_start3A_299 = tpu.memref_slice %arg5[%add3A_297] : memref<320000xf32, #tpu.memory_space<hbm>> -> memref<80xf32, #tpu.memory_space<hbm>>
        %dma_start3A_300 = tpu.memref_slice %arg20[%dma_start3A_298] : memref<3x!tpu.dma_semaphore, #tpu.memory_space<semaphore_mem>> -> memref<1x!tpu.dma_semaphore, #tpu.memory_space<semaphore_mem>>
        %dma_start3A_301 = tpu.memref_squeeze %dma_start3A_300 : memref<1x!tpu.dma_semaphore, #tpu.memory_space<semaphore_mem>> -> memref<!tpu.dma_semaphore, #tpu.memory_space<semaphore_mem>>
        %dma_start3A_302 = tpu.memref_slice %arg5[%add3A_297] : memref<320000xf32, #tpu.memory_space<hbm>> -> memref<80xf32, #tpu.memory_space<hbm>>
        tpu.enqueue_dma source(%dma_start3A_302 : memref<80xf32, #tpu.memory_space<hbm>>) target(%arg9 : memref<80xf32, #tpu.memory_space<vmem>>) target_semaphore(%dma_start3A_301 : memref<!tpu.dma_semaphore, #tpu.memory_space<semaphore_mem>>)
        %mul3A_303 = arith.constant 80 : i32
        %mul3A_304 = arith.muli %sub3A_280, %mul3A_303 : i32
        %dma_start3A_305 = arith.constant 1 : i32
        %dma_start3A_306 = tpu.memref_slice %arg7[%mul3A_304] : memref<10000xi32, #tpu.memory_space<vmem>> -> memref<80xi32, #tpu.memory_space<vmem>>
        %dma_start3A_307 = arith.constant 0 : i32
        %dma_start3A_308 = arith.constant 0 : i32
        %dma_start3A_309 = tpu.memref_slice %arg2[%dma_start3A_307, %dma_start3A_308] : memref<10000x128xf32, #tpu.memory_space<hbm>> -> memref<10000x128xf32, #tpu.memory_space<hbm>>
        %dma_start3A_310 = tpu.memref_slice %arg18[%dma_start3A_305] : memref<3x!tpu.dma_semaphore, #tpu.memory_space<semaphore_mem>> -> memref<1x!tpu.dma_semaphore, #tpu.memory_space<semaphore_mem>>
        %dma_start3A_311 = tpu.memref_squeeze %dma_start3A_310 : memref<1x!tpu.dma_semaphore, #tpu.memory_space<semaphore_mem>> -> memref<!tpu.dma_semaphore, #tpu.memory_space<semaphore_mem>>
        tpu.enqueue_indirect_dma source(%dma_start3A_309 : memref<10000x128xf32, #tpu.memory_space<hbm>>) target(%arg15 : memref<80x128xf32, #tpu.memory_space<vmem>>) offsets(%dma_start3A_306 : memref<80xi32, #tpu.memory_space<vmem>>) semaphore(%dma_start3A_311 : memref<!tpu.dma_semaphore, #tpu.memory_space<semaphore_mem>>)
      } else {
      }
      %scan3A_286 = arith.constant 0 : i32
      scf.yield %scan3A_286 : i32
    }
    %scan3A_93 = arith.constant 41 : i32
    %dma_wait3A_94 = arith.constant 0 : i32
    %dma_wait3A_95 = arith.constant 9840 : i32
    %dma_wait3A_96 = tpu.memref_slice %arg7[%dma_wait3A_95] : memref<10000xi32, #tpu.memory_space<vmem>> -> memref<80xi32, #tpu.memory_space<vmem>>
    %dma_wait3A_97 = arith.constant 0 : i32
    %dma_wait3A_98 = arith.constant 0 : i32
    %dma_wait3A_99 = tpu.memref_slice %arg2[%dma_wait3A_97, %dma_wait3A_98] : memref<10000x128xf32, #tpu.memory_space<hbm>> -> memref<10000x128xf32, #tpu.memory_space<hbm>>
    %dma_wait3A_100 = tpu.memref_slice %arg18[%dma_wait3A_94] : memref<3x!tpu.dma_semaphore, #tpu.memory_space<semaphore_mem>> -> memref<1x!tpu.dma_semaphore, #tpu.memory_space<semaphore_mem>>
    %dma_wait3A_101 = tpu.memref_squeeze %dma_wait3A_100 : memref<1x!tpu.dma_semaphore, #tpu.memory_space<semaphore_mem>> -> memref<!tpu.dma_semaphore, #tpu.memory_space<semaphore_mem>>
    tpu.wait_indirect_dma semaphore(%dma_wait3A_101 : memref<!tpu.dma_semaphore, #tpu.memory_space<semaphore_mem>>) src(%dma_wait3A_99 : memref<10000x128xf32, #tpu.memory_space<hbm>>) dst(%arg14 : memref<80x128xf32, #tpu.memory_space<vmem>>)
    %add3A_102 = arith.constant 9840 : i32
    %add3A_103 = arith.addi %add3A, %add3A_102 : i32
    %dma_wait3A_104 = arith.constant 0 : i32
    %dma_wait3A_105 = tpu.memref_slice %arg5[%add3A_103] : memref<320000xf32, #tpu.memory_space<hbm>> -> memref<80xf32, #tpu.memory_space<hbm>>
    %dma_wait3A_106 = tpu.memref_slice %arg20[%dma_wait3A_104] : memref<3x!tpu.dma_semaphore, #tpu.memory_space<semaphore_mem>> -> memref<1x!tpu.dma_semaphore, #tpu.memory_space<semaphore_mem>>
    %dma_wait3A_107 = tpu.memref_squeeze %dma_wait3A_106 : memref<1x!tpu.dma_semaphore, #tpu.memory_space<semaphore_mem>> -> memref<!tpu.dma_semaphore, #tpu.memory_space<semaphore_mem>>
    %dma_wait3A_108 = tpu.memref_slice %arg5[%add3A_103] : memref<320000xf32, #tpu.memory_space<hbm>> -> memref<80xf32, #tpu.memory_space<hbm>>
    tpu.wait_dma2 semaphore(%dma_wait3A_107 : memref<!tpu.dma_semaphore, #tpu.memory_space<semaphore_mem>>) src(%dma_wait3A_108 : memref<80xf32, #tpu.memory_space<hbm>>) dst(%arg8 : memref<80xf32, #tpu.memory_space<vmem>>)
    %scan3A_109 = arith.constant 0 : i32
    %scan3A_110 = arith.constant 0 : i32
    %scan3A_111 = arith.constant 80 : i32
    %scan3A_112 = arith.addi %scan3A_110, %scan3A_111 : i32
    %scan3A_113 = arith.constant 1 : i32
    %scan3A_114 = scf.for %scan3A_157 = %scan3A_110 to %scan3A_112 step %scan3A_113 iter_args(%scan3A_158 = %scan3A_109) -> (i32)  : i32 {
      %broadcast_in_dim3A = vector.broadcast %scan3A_157 : i32 to vector<16xi32>
      %gather3A = tpu.vector_load_idx %arg8[%broadcast_in_dim3A] : memref<80xf32, #tpu.memory_space<vmem>>[vector<16xi32>], vector<16xf32>,
      %get3A = arith.index_cast %scan3A_157 : i32 to index
      %get3A_159 = arith.constant 0 : index
      %get3A_160 = tpu.vector_load %arg14[%get3A, %get3A_159] {strides = array<i32>} : memref<80x128xf32, #tpu.memory_space<vmem>>, vector<16xf32>,
      %mul3A_161 = arith.mulf %get3A_160, %gather3A : vector<16xf32>
      %swap3A = arith.index_cast %scan3A_157 : i32 to index
      %swap3A_162 = arith.constant 0 : index
      %swap3A_163 = tpu.vector_load %arg14[%swap3A, %swap3A_162] {strides = array<i32>} : memref<80x128xf32, #tpu.memory_space<vmem>>, vector<16xf32>,
      tpu.vector_store %arg14[%swap3A, %swap3A_162], %mul3A_161 {strides = array<i32>} : memref<80x128xf32, #tpu.memory_space<vmem>>, vector<16xf32>,
      %get3A_164 = arith.index_cast %scan3A_157 : i32 to index
      %get3A_165 = arith.constant 16 : index
      %get3A_166 = tpu.vector_load %arg14[%get3A_164, %get3A_165] {strides = array<i32>} : memref<80x128xf32, #tpu.memory_space<vmem>>, vector<16xf32>,
      %mul3A_167 = arith.mulf %get3A_166, %gather3A : vector<16xf32>
      %swap3A_168 = arith.index_cast %scan3A_157 : i32 to index
      %swap3A_169 = arith.constant 16 : index
      %swap3A_170 = tpu.vector_load %arg14[%swap3A_168, %swap3A_169] {strides = array<i32>} : memref<80x128xf32, #tpu.memory_space<vmem>>, vector<16xf32>,
      tpu.vector_store %arg14[%swap3A_168, %swap3A_169], %mul3A_167 {strides = array<i32>} : memref<80x128xf32, #tpu.memory_space<vmem>>, vector<16xf32>,
      %get3A_171 = arith.index_cast %scan3A_157 : i32 to index
      %get3A_172 = arith.constant 32 : index
      %get3A_173 = tpu.vector_load %arg14[%get3A_171, %get3A_172] {strides = array<i32>} : memref<80x128xf32, #tpu.memory_space<vmem>>, vector<16xf32>,
      %mul3A_174 = arith.mulf %get3A_173, %gather3A : vector<16xf32>
      %swap3A_175 = arith.index_cast %scan3A_157 : i32 to index
      %swap3A_176 = arith.constant 32 : index
      %swap3A_177 = tpu.vector_load %arg14[%swap3A_175, %swap3A_176] {strides = array<i32>} : memref<80x128xf32, #tpu.memory_space<vmem>>, vector<16xf32>,
      tpu.vector_store %arg14[%swap3A_175, %swap3A_176], %mul3A_174 {strides = array<i32>} : memref<80x128xf32, #tpu.memory_space<vmem>>, vector<16xf32>,
      %get3A_178 = arith.index_cast %scan3A_157 : i32 to index
      %get3A_179 = arith.constant 48 : index
      %get3A_180 = tpu.vector_load %arg14[%get3A_178, %get3A_179] {strides = array<i32>} : memref<80x128xf32, #tpu.memory_space<vmem>>, vector<16xf32>,
      %mul3A_181 = arith.mulf %get3A_180, %gather3A : vector<16xf32>
      %swap3A_182 = arith.index_cast %scan3A_157 : i32 to index
      %swap3A_183 = arith.constant 48 : index
      %swap3A_184 = tpu.vector_load %arg14[%swap3A_182, %swap3A_183] {strides = array<i32>} : memref<80x128xf32, #tpu.memory_space<vmem>>, vector<16xf32>,
      tpu.vector_store %arg14[%swap3A_182, %swap3A_183], %mul3A_181 {strides = array<i32>} : memref<80x128xf32, #tpu.memory_space<vmem>>, vector<16xf32>,
      %get3A_185 = arith.index_cast %scan3A_157 : i32 to index
      %get3A_186 = arith.constant 64 : index
      %get3A_187 = tpu.vector_load %arg14[%get3A_185, %get3A_186] {strides = array<i32>} : memref<80x128xf32, #tpu.memory_space<vmem>>, vector<16xf32>,
      %mul3A_188 = arith.mulf %get3A_187, %gather3A : vector<16xf32>
      %swap3A_189 = arith.index_cast %scan3A_157 : i32 to index
      %swap3A_190 = arith.constant 64 : index
      %swap3A_191 = tpu.vector_load %arg14[%swap3A_189, %swap3A_190] {strides = array<i32>} : memref<80x128xf32, #tpu.memory_space<vmem>>, vector<16xf32>,
      tpu.vector_store %arg14[%swap3A_189, %swap3A_190], %mul3A_188 {strides = array<i32>} : memref<80x128xf32, #tpu.memory_space<vmem>>, vector<16xf32>,
      %get3A_192 = arith.index_cast %scan3A_157 : i32 to index
      %get3A_193 = arith.constant 80 : index
      %get3A_194 = tpu.vector_load %arg14[%get3A_192, %get3A_193] {strides = array<i32>} : memref<80x128xf32, #tpu.memory_space<vmem>>, vector<16xf32>,
      %mul3A_195 = arith.mulf %get3A_194, %gather3A : vector<16xf32>
      %swap3A_196 = arith.index_cast %scan3A_157 : i32 to index
      %swap3A_197 = arith.constant 80 : index
      %swap3A_198 = tpu.vector_load %arg14[%swap3A_196, %swap3A_197] {strides = array<i32>} : memref<80x128xf32, #tpu.memory_space<vmem>>, vector<16xf32>,
      tpu.vector_store %arg14[%swap3A_196, %swap3A_197], %mul3A_195 {strides = array<i32>} : memref<80x128xf32, #tpu.memory_space<vmem>>, vector<16xf32>,
      %get3A_199 = arith.index_cast %scan3A_157 : i32 to index
      %get3A_200 = arith.constant 96 : index
      %get3A_201 = tpu.vector_load %arg14[%get3A_199, %get3A_200] {strides = array<i32>} : memref<80x128xf32, #tpu.memory_space<vmem>>, vector<16xf32>,
      %mul3A_202 = arith.mulf %get3A_201, %gather3A : vector<16xf32>
      %swap3A_203 = arith.index_cast %scan3A_157 : i32 to index
      %swap3A_204 = arith.constant 96 : index
      %swap3A_205 = tpu.vector_load %arg14[%swap3A_203, %swap3A_204] {strides = array<i32>} : memref<80x128xf32, #tpu.memory_space<vmem>>, vector<16xf32>,
      tpu.vector_store %arg14[%swap3A_203, %swap3A_204], %mul3A_202 {strides = array<i32>} : memref<80x128xf32, #tpu.memory_space<vmem>>, vector<16xf32>,
      %get3A_206 = arith.index_cast %scan3A_157 : i32 to index
      %get3A_207 = arith.constant 112 : index
      %get3A_208 = tpu.vector_load %arg14[%get3A_206, %get3A_207] {strides = array<i32>} : memref<80x128xf32, #tpu.memory_space<vmem>>, vector<16xf32>,
      %mul3A_209 = arith.mulf %get3A_208, %gather3A : vector<16xf32>
      %swap3A_210 = arith.index_cast %scan3A_157 : i32 to index
      %swap3A_211 = arith.constant 112 : index
      %swap3A_212 = tpu.vector_load %arg14[%swap3A_210, %swap3A_211] {strides = array<i32>} : memref<80x128xf32, #tpu.memory_space<vmem>>, vector<16xf32>,
      tpu.vector_store %arg14[%swap3A_210, %swap3A_211], %mul3A_209 {strides = array<i32>} : memref<80x128xf32, #tpu.memory_space<vmem>>, vector<16xf32>,
      %scan3A_213 = arith.constant 0 : i32
      scf.yield %scan3A_213 : i32
    }
    %scan3A_115 = arith.constant 80 : i32
    %add3A_116 = arith.constant 9840 : i32
    %add3A_117 = arith.addi %add3A, %add3A_116 : i32
    %dma_wait3A_118 = arith.constant 0 : i32
    %dma_wait3A_119 = tpu.memref_slice %arg4[%add3A_117] : memref<320000xi32, #tpu.memory_space<hbm>> -> memref<80xi32, #tpu.memory_space<hbm>>
    %dma_wait3A_120 = tpu.memref_slice %arg19[%dma_wait3A_118] : memref<3x!tpu.dma_semaphore, #tpu.memory_space<semaphore_mem>> -> memref<1x!tpu.dma_semaphore, #tpu.memory_space<semaphore_mem>>
    %dma_wait3A_121 = tpu.memref_squeeze %dma_wait3A_120 : memref<1x!tpu.dma_semaphore, #tpu.memory_space<semaphore_mem>> -> memref<!tpu.dma_semaphore, #tpu.memory_space<semaphore_mem>>
    %dma_wait3A_122 = tpu.memref_slice %arg4[%add3A_117] : memref<320000xi32, #tpu.memory_space<hbm>> -> memref<80xi32, #tpu.memory_space<hbm>>
    tpu.wait_dma2 semaphore(%dma_wait3A_121 : memref<!tpu.dma_semaphore, #tpu.memory_space<semaphore_mem>>) src(%dma_wait3A_122 : memref<80xi32, #tpu.memory_space<hbm>>) dst(%arg11 : memref<80xi32, #tpu.memory_space<vmem>>)
    "tpu.region"() ({
      %run_scoped3A = tpu.sem_alloc : memref<!tpu.dma_semaphore, #tpu.memory_space<semaphore_mem>>
      %dma_start3A_157 = arith.constant 0 : i32
      %dma_start3A_158 = arith.constant 0 : i32
      %dma_start3A_159 = tpu.memref_slice %arg17[%dma_start3A_157, %dma_start3A_158] : memref<10240x128xf32, #tpu.memory_space<vmem_shared>> -> memref<10240x128xf32, #tpu.memory_space<vmem_shared>>
      tpu.enqueue_indirect_dma source(%arg14 : memref<80x128xf32, #tpu.memory_space<vmem>>) target(%dma_start3A_159 : memref<10240x128xf32, #tpu.memory_space<vmem_shared>>) offsets(%arg11 : memref<80xi32, #tpu.memory_space<vmem>>) semaphore(%run_scoped3A : memref<!tpu.dma_semaphore, #tpu.memory_space<semaphore_mem>>) {add = true}
      %dma_wait3A_160 = arith.constant 0 : i32
      %dma_wait3A_161 = arith.constant 0 : i32
      %dma_wait3A_162 = tpu.memref_slice %arg17[%dma_wait3A_160, %dma_wait3A_161] : memref<10240x128xf32, #tpu.memory_space<vmem_shared>> -> memref<10240x128xf32, #tpu.memory_space<vmem_shared>>
      tpu.wait_indirect_dma semaphore(%run_scoped3A : memref<!tpu.dma_semaphore, #tpu.memory_space<semaphore_mem>>) src(%arg14 : memref<80x128xf32, #tpu.memory_space<vmem>>) dst(%dma_wait3A_162 : memref<10240x128xf32, #tpu.memory_space<vmem_shared>>)
      tpu.yield
    }) : () -> ()
    %dma_wait3A_123 = arith.constant 1 : i32
    %dma_wait3A_124 = arith.constant 9920 : i32
    %dma_wait3A_125 = tpu.memref_slice %arg7[%dma_wait3A_124] : memref<10000xi32, #tpu.memory_space<vmem>> -> memref<80xi32, #tpu.memory_space<vmem>>
    %dma_wait3A_126 = arith.constant 0 : i32
    %dma_wait3A_127 = arith.constant 0 : i32
    %dma_wait3A_128 = tpu.memref_slice %arg2[%dma_wait3A_126, %dma_wait3A_127] : memref<10000x128xf32, #tpu.memory_space<hbm>> -> memref<10000x128xf32, #tpu.memory_space<hbm>>
    %dma_wait3A_129 = tpu.memref_slice %arg18[%dma_wait3A_123] : memref<3x!tpu.dma_semaphore, #tpu.memory_space<semaphore_mem>> -> memref<1x!tpu.dma_semaphore, #tpu.memory_space<semaphore_mem>>
    %dma_wait3A_130 = tpu.memref_squeeze %dma_wait3A_129 : memref<1x!tpu.dma_semaphore, #tpu.memory_space<semaphore_mem>> -> memref<!tpu.dma_semaphore, #tpu.memory_space<semaphore_mem>>
    tpu.wait_indirect_dma semaphore(%dma_wait3A_130 : memref<!tpu.dma_semaphore, #tpu.memory_space<semaphore_mem>>) src(%dma_wait3A_128 : memref<10000x128xf32, #tpu.memory_space<hbm>>) dst(%arg15 : memref<80x128xf32, #tpu.memory_space<vmem>>)
    %add3A_131 = arith.constant 9920 : i32
    %add3A_132 = arith.addi %add3A, %add3A_131 : i32
    %dma_wait3A_133 = arith.constant 1 : i32
    %dma_wait3A_134 = tpu.memref_slice %arg5[%add3A_132] : memref<320000xf32, #tpu.memory_space<hbm>> -> memref<80xf32, #tpu.memory_space<hbm>>
    %dma_wait3A_135 = tpu.memref_slice %arg20[%dma_wait3A_133] : memref<3x!tpu.dma_semaphore, #tpu.memory_space<semaphore_mem>> -> memref<1x!tpu.dma_semaphore, #tpu.memory_space<semaphore_mem>>
    %dma_wait3A_136 = tpu.memref_squeeze %dma_wait3A_135 : memref<1x!tpu.dma_semaphore, #tpu.memory_space<semaphore_mem>> -> memref<!tpu.dma_semaphore, #tpu.memory_space<semaphore_mem>>
    %dma_wait3A_137 = tpu.memref_slice %arg5[%add3A_132] : memref<320000xf32, #tpu.memory_space<hbm>> -> memref<80xf32, #tpu.memory_space<hbm>>
    tpu.wait_dma2 semaphore(%dma_wait3A_136 : memref<!tpu.dma_semaphore, #tpu.memory_space<semaphore_mem>>) src(%dma_wait3A_137 : memref<80xf32, #tpu.memory_space<hbm>>) dst(%arg9 : memref<80xf32, #tpu.memory_space<vmem>>)
    %scan3A_138 = arith.constant 0 : i32
    %scan3A_139 = arith.constant 0 : i32
    %scan3A_140 = arith.constant 80 : i32
    %scan3A_141 = arith.addi %scan3A_139, %scan3A_140 : i32
    %scan3A_142 = arith.constant 1 : i32
    %scan3A_143 = scf.for %scan3A_157 = %scan3A_139 to %scan3A_141 step %scan3A_142 iter_args(%scan3A_158 = %scan3A_138) -> (i32)  : i32 {
      %broadcast_in_dim3A = vector.broadcast %scan3A_157 : i32 to vector<16xi32>
      %gather3A = tpu.vector_load_idx %arg9[%broadcast_in_dim3A] : memref<80xf32, #tpu.memory_space<vmem>>[vector<16xi32>], vector<16xf32>,
      %get3A = arith.index_cast %scan3A_157 : i32 to index
      %get3A_159 = arith.constant 0 : index
      %get3A_160 = tpu.vector_load %arg15[%get3A, %get3A_159] {strides = array<i32>} : memref<80x128xf32, #tpu.memory_space<vmem>>, vector<16xf32>,
      %mul3A_161 = arith.mulf %get3A_160, %gather3A : vector<16xf32>
      %swap3A = arith.index_cast %scan3A_157 : i32 to index
      %swap3A_162 = arith.constant 0 : index
      %swap3A_163 = tpu.vector_load %arg15[%swap3A, %swap3A_162] {strides = array<i32>} : memref<80x128xf32, #tpu.memory_space<vmem>>, vector<16xf32>,
      tpu.vector_store %arg15[%swap3A, %swap3A_162], %mul3A_161 {strides = array<i32>} : memref<80x128xf32, #tpu.memory_space<vmem>>, vector<16xf32>,
      %get3A_164 = arith.index_cast %scan3A_157 : i32 to index
      %get3A_165 = arith.constant 16 : index
      %get3A_166 = tpu.vector_load %arg15[%get3A_164, %get3A_165] {strides = array<i32>} : memref<80x128xf32, #tpu.memory_space<vmem>>, vector<16xf32>,
      %mul3A_167 = arith.mulf %get3A_166, %gather3A : vector<16xf32>
      %swap3A_168 = arith.index_cast %scan3A_157 : i32 to index
      %swap3A_169 = arith.constant 16 : index
      %swap3A_170 = tpu.vector_load %arg15[%swap3A_168, %swap3A_169] {strides = array<i32>} : memref<80x128xf32, #tpu.memory_space<vmem>>, vector<16xf32>,
      tpu.vector_store %arg15[%swap3A_168, %swap3A_169], %mul3A_167 {strides = array<i32>} : memref<80x128xf32, #tpu.memory_space<vmem>>, vector<16xf32>,
      %get3A_171 = arith.index_cast %scan3A_157 : i32 to index
      %get3A_172 = arith.constant 32 : index
      %get3A_173 = tpu.vector_load %arg15[%get3A_171, %get3A_172] {strides = array<i32>} : memref<80x128xf32, #tpu.memory_space<vmem>>, vector<16xf32>,
      %mul3A_174 = arith.mulf %get3A_173, %gather3A : vector<16xf32>
      %swap3A_175 = arith.index_cast %scan3A_157 : i32 to index
      %swap3A_176 = arith.constant 32 : index
      %swap3A_177 = tpu.vector_load %arg15[%swap3A_175, %swap3A_176] {strides = array<i32>} : memref<80x128xf32, #tpu.memory_space<vmem>>, vector<16xf32>,
      tpu.vector_store %arg15[%swap3A_175, %swap3A_176], %mul3A_174 {strides = array<i32>} : memref<80x128xf32, #tpu.memory_space<vmem>>, vector<16xf32>,
      %get3A_178 = arith.index_cast %scan3A_157 : i32 to index
      %get3A_179 = arith.constant 48 : index
      %get3A_180 = tpu.vector_load %arg15[%get3A_178, %get3A_179] {strides = array<i32>} : memref<80x128xf32, #tpu.memory_space<vmem>>, vector<16xf32>,
      %mul3A_181 = arith.mulf %get3A_180, %gather3A : vector<16xf32>
      %swap3A_182 = arith.index_cast %scan3A_157 : i32 to index
      %swap3A_183 = arith.constant 48 : index
      %swap3A_184 = tpu.vector_load %arg15[%swap3A_182, %swap3A_183] {strides = array<i32>} : memref<80x128xf32, #tpu.memory_space<vmem>>, vector<16xf32>,
      tpu.vector_store %arg15[%swap3A_182, %swap3A_183], %mul3A_181 {strides = array<i32>} : memref<80x128xf32, #tpu.memory_space<vmem>>, vector<16xf32>,
      %get3A_185 = arith.index_cast %scan3A_157 : i32 to index
      %get3A_186 = arith.constant 64 : index
      %get3A_187 = tpu.vector_load %arg15[%get3A_185, %get3A_186] {strides = array<i32>} : memref<80x128xf32, #tpu.memory_space<vmem>>, vector<16xf32>,
      %mul3A_188 = arith.mulf %get3A_187, %gather3A : vector<16xf32>
      %swap3A_189 = arith.index_cast %scan3A_157 : i32 to index
      %swap3A_190 = arith.constant 64 : index
      %swap3A_191 = tpu.vector_load %arg15[%swap3A_189, %swap3A_190] {strides = array<i32>} : memref<80x128xf32, #tpu.memory_space<vmem>>, vector<16xf32>,
      tpu.vector_store %arg15[%swap3A_189, %swap3A_190], %mul3A_188 {strides = array<i32>} : memref<80x128xf32, #tpu.memory_space<vmem>>, vector<16xf32>,
      %get3A_192 = arith.index_cast %scan3A_157 : i32 to index
      %get3A_193 = arith.constant 80 : index
      %get3A_194 = tpu.vector_load %arg15[%get3A_192, %get3A_193] {strides = array<i32>} : memref<80x128xf32, #tpu.memory_space<vmem>>, vector<16xf32>,
      %mul3A_195 = arith.mulf %get3A_194, %gather3A : vector<16xf32>
      %swap3A_196 = arith.index_cast %scan3A_157 : i32 to index
      %swap3A_197 = arith.constant 80 : index
      %swap3A_198 = tpu.vector_load %arg15[%swap3A_196, %swap3A_197] {strides = array<i32>} : memref<80x128xf32, #tpu.memory_space<vmem>>, vector<16xf32>,
      tpu.vector_store %arg15[%swap3A_196, %swap3A_197], %mul3A_195 {strides = array<i32>} : memref<80x128xf32, #tpu.memory_space<vmem>>, vector<16xf32>,
      %get3A_199 = arith.index_cast %scan3A_157 : i32 to index
      %get3A_200 = arith.constant 96 : index
      %get3A_201 = tpu.vector_load %arg15[%get3A_199, %get3A_200] {strides = array<i32>} : memref<80x128xf32, #tpu.memory_space<vmem>>, vector<16xf32>,
      %mul3A_202 = arith.mulf %get3A_201, %gather3A : vector<16xf32>
      %swap3A_203 = arith.index_cast %scan3A_157 : i32 to index
      %swap3A_204 = arith.constant 96 : index
      %swap3A_205 = tpu.vector_load %arg15[%swap3A_203, %swap3A_204] {strides = array<i32>} : memref<80x128xf32, #tpu.memory_space<vmem>>, vector<16xf32>,
      tpu.vector_store %arg15[%swap3A_203, %swap3A_204], %mul3A_202 {strides = array<i32>} : memref<80x128xf32, #tpu.memory_space<vmem>>, vector<16xf32>,
      %get3A_206 = arith.index_cast %scan3A_157 : i32 to index
      %get3A_207 = arith.constant 112 : index
      %get3A_208 = tpu.vector_load %arg15[%get3A_206, %get3A_207] {strides = array<i32>} : memref<80x128xf32, #tpu.memory_space<vmem>>, vector<16xf32>,
      %mul3A_209 = arith.mulf %get3A_208, %gather3A : vector<16xf32>
      %swap3A_210 = arith.index_cast %scan3A_157 : i32 to index
      %swap3A_211 = arith.constant 112 : index
      %swap3A_212 = tpu.vector_load %arg15[%swap3A_210, %swap3A_211] {strides = array<i32>} : memref<80x128xf32, #tpu.memory_space<vmem>>, vector<16xf32>,
      tpu.vector_store %arg15[%swap3A_210, %swap3A_211], %mul3A_209 {strides = array<i32>} : memref<80x128xf32, #tpu.memory_space<vmem>>, vector<16xf32>,
      %scan3A_213 = arith.constant 0 : i32
      scf.yield %scan3A_213 : i32
    }
    %scan3A_144 = arith.constant 80 : i32
    %add3A_145 = arith.constant 9920 : i32
    %add3A_146 = arith.addi %add3A, %add3A_145 : i32
    %dma_wait3A_147 = arith.constant 1 : i32
    %dma_wait3A_148 = tpu.memref_slice %arg4[%add3A_146] : memref<320000xi32, #tpu.memory_space<hbm>> -> memref<80xi32, #tpu.memory_space<hbm>>
    %dma_wait3A_149 = tpu.memref_slice %arg19[%dma_wait3A_147] : memref<3x!tpu.dma_semaphore, #tpu.memory_space<semaphore_mem>> -> memref<1x!tpu.dma_semaphore, #tpu.memory_space<semaphore_mem>>
    %dma_wait3A_150 = tpu.memref_squeeze %dma_wait3A_149 : memref<1x!tpu.dma_semaphore, #tpu.memory_space<semaphore_mem>> -> memref<!tpu.dma_semaphore, #tpu.memory_space<semaphore_mem>>
    %dma_wait3A_151 = tpu.memref_slice %arg4[%add3A_146] : memref<320000xi32, #tpu.memory_space<hbm>> -> memref<80xi32, #tpu.memory_space<hbm>>
    tpu.wait_dma2 semaphore(%dma_wait3A_150 : memref<!tpu.dma_semaphore, #tpu.memory_space<semaphore_mem>>) src(%dma_wait3A_151 : memref<80xi32, #tpu.memory_space<hbm>>) dst(%arg12 : memref<80xi32, #tpu.memory_space<vmem>>)
    "tpu.region"() ({
      %run_scoped3A = tpu.sem_alloc : memref<!tpu.dma_semaphore, #tpu.memory_space<semaphore_mem>>
      %dma_start3A_157 = arith.constant 0 : i32
      %dma_start3A_158 = arith.constant 0 : i32
      %dma_start3A_159 = tpu.memref_slice %arg17[%dma_start3A_157, %dma_start3A_158] : memref<10240x128xf32, #tpu.memory_space<vmem_shared>> -> memref<10240x128xf32, #tpu.memory_space<vmem_shared>>
      tpu.enqueue_indirect_dma source(%arg15 : memref<80x128xf32, #tpu.memory_space<vmem>>) target(%dma_start3A_159 : memref<10240x128xf32, #tpu.memory_space<vmem_shared>>) offsets(%arg12 : memref<80xi32, #tpu.memory_space<vmem>>) semaphore(%run_scoped3A : memref<!tpu.dma_semaphore, #tpu.memory_space<semaphore_mem>>) {add = true}
      %dma_wait3A_160 = arith.constant 0 : i32
      %dma_wait3A_161 = arith.constant 0 : i32
      %dma_wait3A_162 = tpu.memref_slice %arg17[%dma_wait3A_160, %dma_wait3A_161] : memref<10240x128xf32, #tpu.memory_space<vmem_shared>> -> memref<10240x128xf32, #tpu.memory_space<vmem_shared>>
      tpu.wait_indirect_dma semaphore(%run_scoped3A : memref<!tpu.dma_semaphore, #tpu.memory_space<semaphore_mem>>) src(%arg15 : memref<80x128xf32, #tpu.memory_space<vmem>>) dst(%dma_wait3A_162 : memref<10240x128xf32, #tpu.memory_space<vmem_shared>>)
      tpu.yield
    }) : () -> ()
    %barrier3A_152 = arith.constant 0 : index
    tpu.barrier barrier_id(%barrier3A_152)
    %mul3A_153 = arith.constant 640 : i32
    %mul3A_154 = arith.muli %arg1, %mul3A_153 : i32
    %mul3A_155 = arith.constant 640 : i32
    %mul3A_156 = arith.muli %arg1, %mul3A_155 : i32
    "tpu.region"() ({
      %run_scoped3A = tpu.sem_alloc : memref<!tpu.dma_semaphore, #tpu.memory_space<semaphore_mem>>
      %dma_start3A_157 = arith.constant 0 : i32
      %dma_start3A_158 = tpu.memref_slice %arg6[%arg0, %mul3A_156, %dma_start3A_157] : memref<2x10240x128xf32, #tpu.memory_space<hbm>> -> memref<1x640x128xf32, #tpu.memory_space<hbm>>
      %dma_start3A_159 = tpu.memref_squeeze %dma_start3A_158 : memref<1x640x128xf32, #tpu.memory_space<hbm>> -> memref<640x128xf32, #tpu.memory_space<hbm>>
      %dma_start3A_160 = arith.constant 0 : i32
      %dma_start3A_161 = tpu.memref_slice %arg17[%mul3A_154, %dma_start3A_160] : memref<10240x128xf32, #tpu.memory_space<vmem_shared>> -> memref<640x128xf32, #tpu.memory_space<vmem_shared>>
      tpu.enqueue_dma source(%dma_start3A_161 : memref<640x128xf32, #tpu.memory_space<vmem_shared>>) target(%dma_start3A_159 : memref<640x128xf32, #tpu.memory_space<hbm>>) target_semaphore(%run_scoped3A : memref<!tpu.dma_semaphore, #tpu.memory_space<semaphore_mem>>)
      %dma_wait3A_162 = arith.constant 0 : i32
      %dma_wait3A_163 = tpu.memref_slice %arg6[%arg0, %mul3A_156, %dma_wait3A_162] : memref<2x10240x128xf32, #tpu.memory_space<hbm>> -> memref<1x640x128xf32, #tpu.memory_space<hbm>>
      %dma_wait3A_164 = tpu.memref_squeeze %dma_wait3A_163 : memref<1x640x128xf32, #tpu.memory_space<hbm>> -> memref<640x128xf32, #tpu.memory_space<hbm>>
      %dma_wait3A_165 = arith.constant 0 : i32
      %dma_wait3A_166 = tpu.memref_slice %arg17[%mul3A_154, %dma_wait3A_165] : memref<10240x128xf32, #tpu.memory_space<vmem_shared>> -> memref<640x128xf32, #tpu.memory_space<vmem_shared>>
      tpu.wait_dma2 semaphore(%run_scoped3A : memref<!tpu.dma_semaphore, #tpu.memory_space<semaphore_mem>>) src(%dma_wait3A_166 : memref<640x128xf32, #tpu.memory_space<vmem_shared>>) dst(%dma_wait3A_164 : memref<640x128xf32, #tpu.memory_space<hbm>>)
      tpu.yield
    }) : () -> ()
    return
  }
}

module attributes {stable_mosaic.version = 14 : i64} {
  func.func @_lin_body(%arg0: i32, %arg1: memref<1000x128xf32, #tpu.memory_space<vmem>>, %arg2: memref<1000x128xf32, #tpu.memory_space<vmem>>, %arg3: memref<128x128xf32, #tpu.memory_space<vmem>>, %arg4: memref<128x128xf32, #tpu.memory_space<vmem>>, %arg5: memref<1x128xf32, #tpu.memory_space<vmem>>, %arg6: memref<1x128xf32, #tpu.memory_space<vmem>>, %arg7: memref<1000x1xf32, #tpu.memory_space<vmem>>, %arg8: memref<1000x128xf32, #tpu.memory_space<vmem>>) attributes {dimension_semantics = [#tpu.dimension_semantics<arbitrary>], iteration_bounds = array<i64: 10>, scalar_prefetch = 0 : i64, scratch_operands = 0 : i64, tpu.core_type = #tpu.core_type<tc>, window_params = [{transform_indices = @transform_0, window_bounds = array<i64: 1000, 128>}, {transform_indices = @transform_1, window_bounds = array<i64: 1000, 128>}, {pipeline_mode = #tpu.pipeline_mode<synchronous>, transform_indices = @transform_2, window_bounds = array<i64: 128, 128>}, {pipeline_mode = #tpu.pipeline_mode<synchronous>, transform_indices = @transform_3, window_bounds = array<i64: 128, 128>}, {pipeline_mode = #tpu.pipeline_mode<synchronous>, transform_indices = @transform_4, window_bounds = array<i64: 1, 128>}, {pipeline_mode = #tpu.pipeline_mode<synchronous>, transform_indices = @transform_5, window_bounds = array<i64: 1, 128>}, {transform_indices = @transform_6, window_bounds = array<i64: 1000, 1>}, {transform_indices = @transform_7, window_bounds = array<i64: 1000, 128>}]} {
    %lt3A = arith.constant 5 : i32
    %lt3A_0 = arith.cmpi slt, %arg0, %lt3A : i32
    %get3A = arith.constant 0 : index
    %get3A_1 = arith.constant 0 : index
    %get3A_2 = vector.load %arg1[%get3A, %get3A_1] : memref<1000x128xf32, #tpu.memory_space<vmem>>, vector<1000x128xf32>
    %get3A_3 = arith.constant 0 : index
    %get3A_4 = arith.constant 0 : index
    %get3A_5 = vector.load %arg2[%get3A_3, %get3A_4] : memref<1000x128xf32, #tpu.memory_space<vmem>>, vector<1000x128xf32>
    %select_n3A = arith.select %lt3A_0, %get3A_2, %get3A_5 : vector<1000x128xf32>
    %lt3A_6 = arith.constant 5 : i32
    %lt3A_7 = arith.cmpi slt, %arg0, %lt3A_6 : i32
    %get3A_8 = arith.constant 0 : index
    %get3A_9 = arith.constant 0 : index
    %get3A_10 = vector.load %arg3[%get3A_8, %get3A_9] : memref<128x128xf32, #tpu.memory_space<vmem>>, vector<128x128xf32>
    %get3A_11 = arith.constant 0 : index
    %get3A_12 = arith.constant 0 : index
    %get3A_13 = vector.load %arg4[%get3A_11, %get3A_12] : memref<128x128xf32, #tpu.memory_space<vmem>>, vector<128x128xf32>
    %select_n3A_14 = arith.select %lt3A_7, %get3A_10, %get3A_13 : vector<128x128xf32>
    %lt3A_15 = arith.constant 5 : i32
    %lt3A_16 = arith.cmpi slt, %arg0, %lt3A_15 : i32
    %get3A_17 = arith.constant 0 : index
    %get3A_18 = arith.constant 0 : index
    %get3A_19 = vector.load %arg5[%get3A_17, %get3A_18] : memref<1x128xf32, #tpu.memory_space<vmem>>, vector<1x128xf32>
    %get3A_20 = arith.constant 0 : index
    %get3A_21 = arith.constant 0 : index
    %get3A_22 = vector.load %arg6[%get3A_20, %get3A_21] : memref<1x128xf32, #tpu.memory_space<vmem>>, vector<1x128xf32>
    %select_n3A_23 = arith.select %lt3A_16, %get3A_19, %get3A_22 : vector<1x128xf32>
    %dot_general3A = arith.constant dense<0.000000e+00> : vector<1000x128xf32>
    %dot_general3A_24 = tpu.matmul %select_n3A, %select_n3A_14, %dot_general3A {dimension_numbers = #tpu.dot_dimension_numbers<[1], [0], [0], [1], [0, 0, 1, 1], [], []>, transpose_lhs_hint = false} : vector<1000x128xf32>, vector<128x128xf32>, vector<1000x128xf32> -> vector<1000x128xf32>
    %add3A = vector.broadcast %select_n3A_23 : vector<1x128xf32> to vector<1000x128xf32>
    %add3A_25 = arith.addf %dot_general3A_24, %add3A : vector<1000x128xf32>
    %get3A_26 = arith.constant 0 : index
    %get3A_27 = arith.constant 0 : index
    %get3A_28 = vector.load %arg7[%get3A_26, %get3A_27] : memref<1000x1xf32, #tpu.memory_space<vmem>>, vector<1000x1xf32>
    %mul3A = vector.broadcast %get3A_28 : vector<1000x1xf32> to vector<1000x128xf32>
    %mul3A_29 = arith.mulf %add3A_25, %mul3A : vector<1000x128xf32>
    %swap3A = arith.constant 0 : index
    %swap3A_30 = arith.constant 0 : index
    %swap3A_31 = vector.load %arg8[%swap3A, %swap3A_30] : memref<1000x128xf32, #tpu.memory_space<vmem>>, vector<1000x128xf32>
    tpu.vector_store %arg8[%swap3A, %swap3A_30], %mul3A_29 {strides = array<i32>} : memref<1000x128xf32, #tpu.memory_space<vmem>>, vector<1000x128xf32>,
    return
  }
  func.func @transform_0(%arg0: i32) -> (i32, i32) {
    %min3A = arith.constant 4 : i32
    %min3A_0 = arith.minsi %arg0, %min3A : i32
    %c0_i32 = arith.constant 0 : i32
    %c0_i32_1 = arith.constant 0 : i32
    return %min3A_0, %c0_i32 : i32, i32
  }
  func.func @transform_1(%arg0: i32) -> (i32, i32) {
    %sub3A = arith.constant 5 : i32
    %sub3A_0 = arith.subi %arg0, %sub3A : i32
    %max3A = arith.constant 0 : i32
    %max3A_1 = arith.maxsi %sub3A_0, %max3A : i32
    %c0_i32 = arith.constant 0 : i32
    %c0_i32_2 = arith.constant 0 : i32
    return %max3A_1, %c0_i32 : i32, i32
  }
  func.func @transform_2(%arg0: i32) -> (i32, i32) {
    %c0_i32 = arith.constant 0 : i32
    %c0_i32_0 = arith.constant 0 : i32
    %c0_i32_1 = arith.constant 0 : i32
    return %c0_i32, %c0_i32_0 : i32, i32
  }
  func.func @transform_3(%arg0: i32) -> (i32, i32) {
    %c0_i32 = arith.constant 0 : i32
    %c0_i32_0 = arith.constant 0 : i32
    %c0_i32_1 = arith.constant 0 : i32
    return %c0_i32, %c0_i32_0 : i32, i32
  }
  func.func @transform_4(%arg0: i32) -> (i32, i32) {
    %c0_i32 = arith.constant 0 : i32
    %c0_i32_0 = arith.constant 0 : i32
    %c0_i32_1 = arith.constant 0 : i32
    return %c0_i32, %c0_i32_0 : i32, i32
  }
  func.func @transform_5(%arg0: i32) -> (i32, i32) {
    %c0_i32 = arith.constant 0 : i32
    %c0_i32_0 = arith.constant 0 : i32
    %c0_i32_1 = arith.constant 0 : i32
    return %c0_i32, %c0_i32_0 : i32, i32
  }
  func.func @transform_6(%arg0: i32) -> (i32, i32) {
    %c0_i32 = arith.constant 0 : i32
    %c0_i32_0 = arith.constant 0 : i32
    return %arg0, %c0_i32 : i32, i32
  }
  func.func @transform_7(%arg0: i32) -> (i32, i32) {
    %c0_i32 = arith.constant 0 : i32
    %c0_i32_0 = arith.constant 0 : i32
    return %arg0, %c0_i32 : i32, i32
  }
}

module attributes {stable_mosaic.version = 14 : i64} {
  func.func @_fin_body(%arg0: i32, %arg1: memref<1x1000x128xf32, #tpu.memory_space<vmem>>, %arg2: memref<1x1000x128xf32, #tpu.memory_space<vmem>>, %arg3: memref<1000x1xf32, #tpu.memory_space<vmem>>, %arg4: memref<1000x128xf32, #tpu.memory_space<vmem>>) attributes {dimension_semantics = [#tpu.dimension_semantics<arbitrary>], iteration_bounds = array<i64: 10>, scalar_prefetch = 0 : i64, scratch_operands = 0 : i64, tpu.core_type = #tpu.core_type<tc>, window_params = [{transform_indices = @transform_0, window_bounds = array<i64: 1, 1000, 128>}, {transform_indices = @transform_1, window_bounds = array<i64: 1, 1000, 128>}, {transform_indices = @transform_2, window_bounds = array<i64: 1000, 1>}, {transform_indices = @transform_3, window_bounds = array<i64: 1000, 128>}]} {
    %get3A = arith.constant 0 : index
    %get3A_0 = arith.constant 0 : index
    %get3A_1 = arith.constant 0 : index
    %get3A_2 = vector.load %arg1[%get3A, %get3A_0, %get3A_1] : memref<1x1000x128xf32, #tpu.memory_space<vmem>>, vector<1x1000x128xf32>
    %get3A_3 = vector.shape_cast %get3A_2 : vector<1x1000x128xf32> to vector<1000x128xf32>
    %get3A_4 = arith.constant 0 : index
    %get3A_5 = arith.constant 0 : index
    %get3A_6 = arith.constant 0 : index
    %get3A_7 = vector.load %arg2[%get3A_4, %get3A_5, %get3A_6] : memref<1x1000x128xf32, #tpu.memory_space<vmem>>, vector<1x1000x128xf32>
    %get3A_8 = vector.shape_cast %get3A_7 : vector<1x1000x128xf32> to vector<1000x128xf32>
    %add3A = arith.addf %get3A_3, %get3A_8 : vector<1000x128xf32>
    %get3A_9 = arith.constant 0 : index
    %get3A_10 = arith.constant 0 : index
    %get3A_11 = vector.load %arg3[%get3A_9, %get3A_10] : memref<1000x1xf32, #tpu.memory_space<vmem>>, vector<1000x1xf32>
    %mul3A = vector.broadcast %get3A_11 : vector<1000x1xf32> to vector<1000x128xf32>
    %mul3A_12 = arith.mulf %add3A, %mul3A : vector<1000x128xf32>
    %swap3A = arith.constant 0 : index
    %swap3A_13 = arith.constant 0 : index
    %swap3A_14 = vector.load %arg4[%swap3A, %swap3A_13] : memref<1000x128xf32, #tpu.memory_space<vmem>>, vector<1000x128xf32>
    tpu.vector_store %arg4[%swap3A, %swap3A_13], %mul3A_12 {strides = array<i32>} : memref<1000x128xf32, #tpu.memory_space<vmem>>, vector<1000x128xf32>,
    return
  }
  func.func @transform_0(%arg0: i32) -> (i32, i32, i32) {
    %c0_i32 = arith.constant 0 : i32
    %c0_i32_0 = arith.constant 0 : i32
    %c0_i32_1 = arith.constant 0 : i32
    return %c0_i32, %arg0, %c0_i32_0 : i32, i32, i32
  }
  func.func @transform_1(%arg0: i32) -> (i32, i32, i32) {
    %c1_i32 = arith.constant 1 : i32
    %c0_i32 = arith.constant 0 : i32
    %c0_i32_0 = arith.constant 0 : i32
    return %c1_i32, %arg0, %c0_i32 : i32, i32, i32
  }
  func.func @transform_2(%arg0: i32) -> (i32, i32) {
    %c0_i32 = arith.constant 0 : i32
    %c0_i32_0 = arith.constant 0 : i32
    return %arg0, %c0_i32 : i32, i32
  }
  func.func @transform_3(%arg0: i32) -> (i32, i32) {
    %c0_i32 = arith.constant 0 : i32
    %c0_i32_0 = arith.constant 0 : i32
    return %arg0, %c0_i32 : i32, i32
  }
}

</mosaic_0001>

<sc_bundles>
// kernel: kernel.6.cloned.1.call-start
scs
__scs_entry_jumppad:
0x0: {  	(pc) =	sbr.rel $0x88, $3  }
0x1: {  	(tag) =	ssettag $0x0;
	lr =	simm.s32 $0x1  }
0x2: {  	[smem:$0x3F99] =	sst lr;
	_ =	strace $0xD0000000  }
0x3: {  	_ = 	snop  }
0x4: {  	_ = 	snop  }
0x5: {  	_ = 	snop  }
0x6: {  	_ = 	snop  }
0x7: {  	_ = 	snop  }
__scs_overlays_trampoline_lowered:
0x8: {  	[smem:$0x3FA8] =	sst s0  }
0x9: {  	[smem:$0x3FA9] =	sst s1  }
0xa: {  	[smem:$0x3FAA] =	sst s2  }
0xb: {  	[smem:$0x3FAB] =	sst s3  }
0xc: {  	[smem:$0x3FAC] =	sst s4  }
0xd: {  	[smem:$0x3FAD] =	sst s5  }
0xe: {  	[smem:$0x3FAE] =	sst s6  }
0xf: {  	[smem:$0x3FAF] =	sst s7  }
0x10: {  	[smem:$0x3FB0] =	sst s8  }
0x11: {  	[smem:$0x3FB1] =	sst s9;
	s0 =	simm.s32 @!p0 $0x0  }
0x12: {  	s1 =	sld [smem:$0x3F97];
	s0 =	simm.s32 @p0 $0x1  }
0x13: {  	[smem:$0x3FB2] =	sst s0;
	s0 =	simm.s32 @!p1 $0x0  }
0x14: {  	s2 =	sld [smem:$0x3F96];
	s0 =	simm.s32 @p1 $0x1  }
0x15: {  	[smem:$0x3FB3] =	sst s0;
	s0 =	simm.s32 @!p2 $0x0  }
0x16: {  	s3 =	sld [smem:$0x3FDB];
	s0 =	simm.s32 @p2 $0x1  }
0x17: {  	s4 =	simm.s32 $0x1BF5;
	[smem:$0x3FB5] =	sst s0  }
0x18: {  	s0 =	sld [smem:$0x3F98];
	_ =	swait.ge [sflag:s4], $0x0  }
0x19: {  	s7 =	sld [smem:$0x3F99]  }
0x1a: {  	s8 =	sadd.s32 $0xFFFFE003, lr  }
0x1b: {  	s9 =	sadd.s32 $0xFFFFFEF7, lr;
	s5 =	simm.s32 $0xFFFFFFFF;
	p2 =	slt.u32 s8, $0xFFFFF086  }
0x1c: {  	p1 =	slt.u32 s9, $0xF7A;
	s5 =	simm.s32 @!p2 $0x0  }
0x1d: {  	s5 =	simm.s32 @p1 $0x1;
	p0 =	seq.s32 s7, s2  }
0x1e: {  	s7 =	smul.u32 @!p0 $0xF7A, s2;
	p2 =	seq.s32 @!p0 s5, $0x0  }
0x1f: {  	s9 =	smul.u32 $0xF7A, s1;
	s8 =	simm.s32 @!p0 $0x1BF5;
	p2 =	por !p2, p0  }
0x20: {  	[sflag:s8] =	ssyncset.s32 @!p0 $0xFFFFF086;
	s6 =	sadd.s32 @!p0 s3, s7;
	s7 =	simm.s32 @!p0 $0x108  }
0x21: {  	s3 =	sadd.s32 s3, s9;
	s6 =	sadd.s32 @!p0 $0x88, s6;
	s7 =	simm.s32 @p2 $0x1082  }
0x22: {  	[simem:s7], [sflag:s8] =	dma.local @!p0 [hbm:s6], $0xF7A  }
0x23: {  	s9 =	sor.u32 $0xD0000000, s2;
	s6 =	simm.s32 $0x108;
	_ =	swait.ge @!p0 [sflag:s8], $0x0  }
0x24: {  	s3 =	sadd.s32 $0x88, s3;
	s6 =	simm.s32 @!p1 $0x1082;
	[sflag:s4] =	ssyncset.s32 $0xFFFFF086  }
0x25: {  	[simem:s6], [sflag:s4] =	dma.local [hbm:s3], $0xF7A  }
0x26: {  	[smem:$0x3F99] =	sst s1;
	(tag) =	ssettag s2;
	_ =	strace s9  }
0x27: {  	s1 =	sld [smem:$0x3FA9]  }
0x28: {  	s2 =	sld [smem:$0x3FAA]  }
0x29: {  	s4 =	sld [smem:$0x3FAC]  }
0x2a: {  	p0 =	seq.s32 s5, $0x0;
	s5 =	sld [smem:$0x3FAD]  }
0x2b: {  	s6 =	sld [smem:$0x3FAE]  }
0x2c: {  	s7 =	sld [smem:$0x3FAF]  }
0x2d: {  	s3 =	simm.s32 $0x108;
	s8 =	sld [smem:$0x3FB0]  }
0x2e: {  	s3 =	simm.s32 @!p0 $0x1082;
	s9 =	sld [smem:$0x3FB1]  }
0x2f: {  	lr =	sadd.s32 s0, s3;
	s0 =	sld [smem:$0x3FA8]  }
0x30: {  	s3 =	sld [smem:$0x3FAB]  }
0x31: {  	[smem:$0x3FB4] =	sst s10  }
0x32: {  	s10 =	sld [smem:$0x3FB2];
	_ =	sdelay $0x3  }
0x33: {  	p0 =	seq.s32 s10, $0x1;
	s10 =	sld [smem:$0x3FB4];
	_ =	sdelay $0x3  }
0x34: {  	[smem:$0x3FB4] =	sst s10  }
0x35: {  	s10 =	sld [smem:$0x3FB3];
	_ =	sdelay $0x3  }
0x36: {  	p1 =	seq.s32 s10, $0x1;
	s10 =	sld [smem:$0x3FB4];
	_ =	sdelay $0x3  }
0x37: {  	[smem:$0x3FB4] =	sst s10  }
0x38: {  	s10 =	sld [smem:$0x3FB5]  }
0x39: {  	_ = 	snop;
	(pc) =	sbr.ind lr, $3  }
0x3a: {  	_ = 	snop  }
0x3b: {  	_ = 	snop  }
0x3c: {  	p2 =	seq.s32 s10, $0x1;
	s10 =	sld [smem:$0x3FB4]  }
0x3d: {  	_ =	shalt  }
0x3e: {  	_ =	shalt  }
0x3f: {  	_ =	shalt  }
0x40: {  	_ =	shalt  }
0x41: {  	_ =	shalt  }
0x42: {  	_ =	shalt  }
0x43: {  	_ =	shalt  }
0x44: {  	_ =	shalt  }
0x45: {  	_ =	shalt  }
0x46: {  	_ =	shalt  }
0x47: {  	_ =	shalt  }
0x48: {  	_ =	shalt  }
0x49: {  	_ =	shalt  }
0x4a: {  	_ =	shalt  }
0x4b: {  	_ =	shalt  }
0x4c: {  	_ =	shalt  }
0x4d: {  	_ =	shalt  }
0x4e: {  	_ =	shalt  }
0x4f: {  	_ =	shalt  }
0x50: {  	_ =	shalt  }
0x51: {  	_ =	shalt  }
0x52: {  	_ =	shalt  }
0x53: {  	_ =	shalt  }
0x54: {  	_ =	shalt  }
0x55: {  	_ =	shalt  }
0x56: {  	_ =	shalt  }
0x57: {  	_ =	shalt  }
0x58: {  	_ =	shalt  }
0x59: {  	_ =	shalt  }
0x5a: {  	_ =	shalt  }
0x5b: {  	_ =	shalt  }
0x5c: {  	_ =	shalt  }
0x5d: {  	_ =	shalt  }
0x5e: {  	_ =	shalt  }
0x5f: {  	_ =	shalt  }
0x60: {  	_ =	shalt  }
0x61: {  	_ =	shalt  }
0x62: {  	_ =	shalt  }
0x63: {  	_ =	shalt  }
0x64: {  	_ =	shalt  }
0x65: {  	_ =	shalt  }
0x66: {  	_ =	shalt  }
0x67: {  	_ =	shalt  }
0x68: {  	_ =	shalt  }
0x69: {  	_ =	shalt  }
0x6a: {  	_ =	shalt  }
0x6b: {  	_ =	shalt  }
0x6c: {  	_ =	shalt  }
0x6d: {  	_ =	shalt  }
0x6e: {  	_ =	shalt  }
0x6f: {  	_ =	shalt  }
0x70: {  	_ =	shalt  }
0x71: {  	_ =	shalt  }
0x72: {  	_ =	shalt  }
0x73: {  	_ =	shalt  }
0x74: {  	_ =	shalt  }
0x75: {  	_ =	shalt  }
0x76: {  	_ =	shalt  }
0x77: {  	_ =	shalt  }
0x78: {  	_ =	shalt  }
0x79: {  	_ =	shalt  }
0x7a: {  	_ =	shalt  }
0x7b: {  	_ =	shalt  }
0x7c: {  	_ =	shalt  }
0x7d: {  	_ =	shalt  }
0x7e: {  	_ =	shalt  }
0x7f: {  	_ =	shalt  }
0x80: {  	_ =	shalt  }
0x81: {  	_ =	shalt  }
0x82: {  	_ =	shalt  }
0x83: {  	_ =	shalt  }
0x84: {  	_ =	shalt  }
0x85: {  	_ =	shalt  }
0x86: {  	_ =	shalt  }
0x87: {  	_ =	shalt  }
.Lfunc_end0:
.L_simem_size_0:
called_computation_lowered:
.L_overlay_start_0:
0x88: {  	s2 =	sld [smem:$0x3FD9]  }
0x89: {  	s3 =	sld [smem:$0x3FFE];
	_ =	sdelay $0x1  }
0x8a: {  	s1 =	srdreg.scid  }
0x8b: {  	s0 =	sand.u32 $0x1, s1  }
0x8c: {  	s17 =	sshll.u32 s0, $0xA;
	s2 =	sadd.s32 s3, s2  }
0x8d: {  	s2 =	sadd.s32 s2, s17  }
0x8e: {  	[smem:$0x3FC0] =	sst s2  }
0x8f: {  	_ = 	snop  }
0x90: {  	s2 =	sld [smem:$0x3FD0];
	(tm) =	ssettm $0x1  }
0x91: {  	s18 =	sld [smem:$0x3FFB];
	_ =	sdelay $0x3  }
0x92: {  	_ =	strace s18  }
0x93: {  	s3 =	sld [smem:$0x3FFC];
	_ =	sdelay $0x3  }
0x94: {  	_ =	strace s3  }
0x95: {  	s3 =	sld [smem:$0x3FFD];
	_ =	sdelay $0x3  }
0x96: {  	_ =	strace s3  }
0x97: {  	_ =	strace $0x8FFFFFFF  }
0x98: {  	s19 =	sld [smem:$0x3FDB];
	_ =	sdelay $0x1  }
0x99: {  	s4 =	simm.s32 $_scs_section_size  }
0x9a: {  	s5 =	simm.s32 $_size__tile_overlayer_lowered;
	s6 =	simm.s32 $_tile_overlayer_lowered  }
0x9b: {  	s22 =	simm.s32 $0x1BFF;
	s21 =	sshll.u32 s6, $0x1;
	s3 =	sadd.s32 s4, s19  }
0x9c: {  	s7 =	simm.s32 $0x0;
	s20 =	sshll.u32 s5, $0x1;
	s5 =	sadd.s32 s21, s3  }
0x9d: {  	[timem:s7], [sflag:s22] =	dma.local [hbm:s5], s20  }
0x9e: {  	_ =	swait.ge [sflag:s22], s20  }
0x9f: {  	s4 =	ssub.s32 $0x0, s20;
	[sflag:s22] =	ssyncset.done $0x0  }
0xa0: {  	[sflag:s22] =	ssyncadd.s32 s4;
	_ =	sdelay $0x1  }
0xa1: {  	s23 =	simm.s32 $0x1B8B  }
0xa2: {  	_ =	swait.ge [sflag:s23], $0x1  }
0xa3: {  	[sflag:s23] =	ssyncset.done $0x0  }
0xa4: {  	s25 =	simm.s32 $0x1B8E;
	s24 =	sld [smem:$0x3FFE];
	[sflag:s23] =	ssyncadd.s32 $0xFFFFFFFF  }
0xa5: {  	s26 =	simm.s32 $execute0_lowered;
	[smem:$0x3FD2] =	sst s25  }
0xa6: {  	s5 =	sshll.u32 s26, $0x1;
	_ =	strace $0x80000046;
	[dreg:$0x1] =	wrdreg $0xFFFFFFFF  }
0xa7: {  	s28 =	simm.s32 $_size_execute0_lowered;
	s3 =	sadd.s32 s3, s5;
	[dreg:$0x0] =	wrdreg $0x0  }
0xa8: {  	s5 =	sshll.u32 s28, $0x1;
	[dreg:$0x2] =	wrdreg s3  }
0xa9: {  	[dreg:$0x3] =	wrdreg s5  }
0xaa: {  	[dreg:$0x4] =	wrdreg $0xC0  }
0xab: {  	_ =	task [dreg:s7], $0x5FFFF  }
0xac: {  	[dreg:$0x1] =	wrdreg $0xFFFFFFFF  }
0xad: {  	[dreg:$0x0] =	wrdreg $0x60  }
0xae: {  	[dreg:$0x2] =	wrdreg s24  }
0xaf: {  	[dreg:$0x3] =	wrdreg s2  }
0xb0: {  	[dreg:$0x4] =	wrdreg $0xA1000  }
0xb1: {  	[dreg:$0x5] =	wrdreg $0x9  }
0xb2: {  	_ =	task.clear_ibuf [dreg:s7], $0x6FFFF;
	_ =	strace $0x90000046  }
0xb3: {  	s29 =	simm.s32 $0x9;
	_ =	strace $0x80000048  }
0xb4: {  	_ =	swait.ge [sflag:s29], $0x1  }
0xb5: {  	[sflag:s29] =	ssyncadd.s32 $0xFFFFFFFF  }
0xb6: {  	_ =	strace $0x90000048  }
0xb7: {  	_ =	sfence  }
0xb8: {  	s30 =	sld [smem:$0x0];
	_ =	sdelay $0x2  }
0xb9: {  	s31 =	sshll.u32 s1, $0xD;
	s1 =	sshrl.u32 s1, $0x2  }
0xba: {  	s3 =	sand.u32 $0x4000, s31;
	s1 =	sadd.s32 s1, s30  }
0xbb: {  	s0 =	sor.u32 s3, s0;
	s1 =	sshll.u32 s1, $0x11  }
0xbc: {  	s0 =	sor.u32 s1, s0  }
0xbd: {  	s0 =	sadd.s32 $0x8F2B, s0  }
0xbe: {  	[sflag:s0] =	ssyncadd.remote.s32 $0x1  }
0xbf: {  	_ =	sfence.sel $0xFFFF  }
0xc0: {  	[dreg:$0x0] =	wrdreg $0xFFFFFFFF;
	(pc) =	sbr.abs _section_cstart, $3  }
0xc1: {  	[dreg:$0x1] =	wrdreg $0xFFFFFFFF  }
0xc2: {  	_ =	task.clear_ibuf [dreg:s7], $0x2FFFF;
	_ =	strace $0x9FFFFFFF  }
0xc3: {  	(tm) =	ssettm $0x7FFFFFFF  }
tec
execute0_lowered:
.L_overlay_start_1:
0x0: {  	(tag) =	ssettag $0x1  }
0x1: {  	s3 =	rddreg [dreg:$0x0]  }
0x2: {  	s6 =	rddreg [dreg:$0x1]  }
0x3: {  	s5 =	rddreg [dreg:$0x2]  }
0x4: {  	s0 =	rddreg [dreg:$0x3]  }
0x5: {  	s2 =	simm.s32 $0x0;
	s4 =	srdreg.scid;
	s1 =	stileid.u32  }
0x6: {  	s12 =	simm.s32 $0x80;
	s13 =	simm.s32 $0x400;
	s14 =	simm.s32 $0x2  }
0x7: {  	s15 =	simm.s32 $0x1400;
	s16 =	simm.s32 $0x14000;
	s17 =	simm.s32 $0x7680  }
0x8: {  	s18 =	simm.s32 $0x100;
	s19 =	simm.s32 $0x9E80;
	s7 =	smul.u32 $0x9C4, s1  }
0x9: {  	[smem:$0x7FF] =	sst s2;
	s4 =	sand.u32 $0x1, s4;
	s30 =	smul.u32 $0x5000, s1  }
0xa: {  	s9 =	sshrl.u32 s1, $0x3;
	s28 =	sshll.u32 s1, $0x7;
	s11 =	smul.u32 $0xA0, s1  }
0xb: {  	s8 =	ssub.s32 $0x2, s4;
	_ =	strace $0x80000047;
	s9 =	smul.u32 $0x50000, s9  }
0xc: {  	p0 =	seq.s32 s4, $0x1;
	s31 =	sand.u32 $0x380, s28;
	s10 =	sshrl.u32 s8, $0x1  }
.Ltmp0:
0xd: {  	s7 =	sadd.s32 s7, s3;
	s6 =	sadd.s32 s6, s11;
	(pc) =	sbr.rel .LBB2_1-.Ltmp0, $4  }
0xe: {  	s11 =	simm.s32 $0x4E80;
	s10 =	ssub.s32 s8, s10;
	s29 =	sshrl.u32 s9, $0x2  }
0xf: {  	s3 =	sadd.s32 $0xB000, s7;
	s8 =	sshrl.u32 s30, $0x2;
	s7 =	sadd.s32 $0x1200, s7  }
0x10: {  	s4 =	sadd.s32 s29, s5;
	s5 =	sadd.s32 s8, s5;
	s8 =	sadd.s32 $0x10, s6  }
0x11: {  	v0 =	vimm.f32 $0.0e+00;
	v1 =	vimm.f32 $1.000000000e+00;
	s9 =	smax.u32 s10, $0x1;
	s10 =	simm.s32 $0x1;
	s4 =	sadd.s32 s31, s4  }
.LBB2_15:
0x12: {  	s21 =	sor.u32 s23, s24;
	[tilespmem:s20+$0x0] =	vst v2  }
0x13: {  	v2 =	vld [tilespmem:s21+$0x7680];
	_ =	sdelay $0x1  }
0x14: {  	v3 =	vld [tilespmem:s21+$0x7700];
	_ =	sdelay $0x1  }
0x15: {  	v4 =	vld [tilespmem:s21+$0x7780]  }
0x16: {  	v2 =	vadd.f32 $0.0e+00, v2  }
0x17: {  	v5 =	vld [tilespmem:s21+$0x7800]  }
0x18: {  	v2 =	vadd.f32 v3, v2  }
0x19: {  	v3 =	vld [tilespmem:s21+$0x7880]  }
0x1a: {  	v2 =	vadd.f32 v4, v2  }
0x1b: {  	v55 =	vld [tilespmem:s21+$0x7900]  }
0x1c: {  	v2 =	vadd.f32 v5, v2  }
0x1d: {  	v56 =	vld [tilespmem:s21+$0x7980]  }
0x1e: {  	v2 =	vadd.f32 v3, v2  }
0x1f: {  	v3 =	vld [tilespmem:s21+$0x7A00]  }
0x20: {  	v2 =	vadd.f32 v55, v2  }
0x21: {  	v57 =	vld [tilespmem:s21+$0x8A80]  }
0x22: {  	v2 =	vadd.f32 v56, v2  }
0x23: {  	v58 =	vld [tilespmem:s21+$0x8B00]  }
0x24: {  	v2 =	vadd.f32 v3, v2  }
0x25: {  	v3 =	vld [tilespmem:s21+$0x8B80]  }
0x26: {  	v2 =	vadd.f32 v57, v2  }
0x27: {  	v59 =	vld [tilespmem:s21+$0x8C00]  }
0x28: {  	v2 =	vadd.f32 v58, v2  }
0x29: {  	v60 =	vld [tilespmem:s21+$0x8C80]  }
0x2a: {  	v2 =	vadd.f32 v3, v2  }
0x2b: {  	v3 =	vld [tilespmem:s21+$0x8D00]  }
0x2c: {  	v2 =	vadd.f32 v59, v2  }
0x2d: {  	v61 =	vld [tilespmem:s21+$0x8D80]  }
0x2e: {  	v2 =	vadd.f32 v60, v2  }
0x2f: {  	v62 =	vld [tilespmem:s21+$0x8E00]  }
0x30: {  	v2 =	vadd.f32 v3, v2;
	_ =	sdelay $0x1  }
0x31: {  	v2 =	vadd.f32 v61, v2;
	_ =	sdelay $0x1  }
0x32: {  	v2 =	vadd.f32 v62, v2;
	_ =	sdelay $0x1  }
0x33: {  	v2 =	vmax.f32 v2, $1.000000000e+00  }
0x34: {  	v3 =	vshrl.u32 v2, $0x1;
	v2 =	vmul.f32 $5.000000000e-01, v2  }
0x35: {  	v3 =	vsub.s32 $0x5F3759DF, v3  }
0x36: {  	v63 =	vmul.f32 v3, v2;
	_ =	sdelay $0x1  }
0x37: {  	v4 =	vmul.f32 v3, v63;
	_ =	sdelay $0x1  }
0x38: {  	v4 =	vsub.f32 $1.500000000e+00, v4;
	_ =	sdelay $0x1  }
0x39: {  	v3 =	vmul.f32 v3, v4;
	_ =	sdelay $0x1  }
0x3a: {  	v4 =	vmul.f32 v3, v2;
	_ =	sdelay $0x1  }
0x3b: {  	v4 =	vmul.f32 v4, v3;
	_ =	sdelay $0x1  }
0x3c: {  	v4 =	vsub.f32 $1.500000000e+00, v4;
	_ =	sdelay $0x1  }
0x3d: {  	v3 =	vmul.f32 v4, v3;
	_ =	sdelay $0x1  }
0x3e: {  	v2 =	vmul.f32 v3, v2;
	_ =	sdelay $0x1  }
0x3f: {  	v2 =	vmul.f32 v2, v3;
	_ =	sdelay $0x1  }
0x40: {  	v2 =	vsub.f32 $1.500000000e+00, v2;
	_ =	sdelay $0x1  }
0x41: {  	v2 =	vmul.f32 v2, v3  }
0x42: {  	s31 =	sadd.s32 $0x10, s20  }
0x43: {  	s20 =	smov.u32 s8;
	[tilespmem:s31+$0x0] =	vst v2  }
.LBB2_16:
0x44: {  	s2 =	sadd.s32 $0x1, s2  }
0x45: {  	p1 =	sne.s32 s2, s9  }
.Ltmp1:
0x46: {  	_ = 	snop;
	(pc) =	sbr.rel @!p1 .LBB2_17-.Ltmp1, $4  }
0x47: {  	[hbm4b:s20+s12] =	stream.strided.scatter [tilespmem:s19], [sflag:$0x2], $0x280, s18, s12, $0x38;
	[tilespmem:$0xC900] =	vst v63  }
0x48: {  	_ =	swait.ge [sflag:s14], $0x280  }
0x49: {  	[sflag:s14] =	ssyncset.done $0x0  }
0x4a: {  	[sflag:s14] =	ssyncadd.s32 $0xFFFFFD80  }
.LBB2_1:
.Ltmp2:
0x4b: {  	(pc) =	sbr.rel @!p0 .LBB2_2-.Ltmp2, $2  }
0x4c: {  	_ =	sdelay $0x2  }
0x4d: {  	s20 =	simm.s32 $0x0  }
0x4e: {  	[tilespmem:s20], [sflag:$0x1] =	stream.linear.gather [hbm4b:s7+s20], $0x4E20, $0x38;
	[tilespmem:$0xC900] =	vst v63  }
0x4f: {  	s20 =	simm.s32 $0x40;
	s21 =	simm.s32 $0x0  }
.LBB2_10:
0x50: {  	p1 =	sne.s32 s20, $0x9FC0;
	[tilespmem:s21+$0x4E80] =	vst v0;
	s21 =	smov.u32 s20;
	s20 =	sadd.s32 $0x40, s20  }
.Ltmp3:
0x51: {  	(pc) =	sbr.rel @p1 .LBB2_10-.Ltmp3, $2  }
0x52: {  	_ =	sdelay $0x2  }
0x53: {  	s21 =	sshra.s32 s21, $0x2  }
0x54: {  	[tilespmem:s21+$0x4E80] =	vst v0  }
0x55: {  	_ =	swait.ge [sflag:s10], $0x4E20  }
0x56: {  	[sflag:s10] =	ssyncset.done $0x0  }
0x57: {  	s21 =	simm.s32 $0x0;
	s20 =	simm.s32 $0x40;
	[sflag:s10] =	ssyncadd.s32 $0xFFFFB1E0  }
.LBB2_12:
0x58: {  	p1 =	sne.s32 s20, $0x13840;
	v2 =	vld [tilespmem:s21+$0x0];
	_ =	sdelay $0x3  }
.Ltmp4:
0x59: {  	(pc) =	sbr.rel @p1 .LBB2_12-.Ltmp4, $2  }
0x5a: {  	_ =	sdelay $0x2  }
0x5b: {  	s21 =	sshra.s32 s20, $0x2;
	s20 =	sadd.s32 $0x40, s20;
	[tilespmem:v2+s11+$0x0] =	vst.idx.add.f32.msk $0xffff, v1  }
0x5c: {  	v2 =	vld [tilespmem:s21+$0x0];
	_ =	sdelay $0x7  }
0x5d: {  	[tilespmem:v2+s11+$0x0] =	vst.idx.add.f32.msk $0xffff, v1  }
0x5e: {  	[spmem:s4] =	stream.strided.scatter [tilespmem:s11], [sflag:$0x2], $0x2800, s13, s12, $0x38;
	[tilespmem:$0xC900] =	vst v63  }
0x5f: {  	_ =	swait.ge [sflag:s14], $0x2800  }
0x60: {  	[sflag:s14] =	ssyncset.done $0x0  }
0x61: {  	[sflag:s14] =	ssyncadd.s32 $0xFFFFD800  }
0x62: {  	[bflag:$0x0] =	sbarrier.arrive $0xFFFF  }
0x63: {  	[tilespmem:s17], [sflag:$0x2] =	stream.strided.gather [spmem:s5], $0x2800, s16, s15, $0x38;
	[tilespmem:$0xC900] =	vst v63  }
0x64: {  	s20 =	simm.s32 $0x0;
	_ =	swait.ge [sflag:s14], $0x2800  }
0x65: {  	s31 =	sand.u32 $0x70, s20;
	s20 =	sand.u32 $0x1C00, s20;
	[sflag:s14] =	ssyncset.done $0x0  }
0x66: {  	s20 =	sor.u32 s31, s20;
	[sflag:s14] =	ssyncadd.s32 $0xFFFFD800  }
0x67: {  	v2 =	vld [tilespmem:s20+$0x7680];
	_ =	sdelay $0x1  }
0x68: {  	v3 =	vld [tilespmem:s20+$0x7700];
	_ =	sdelay $0x1  }
0x69: {  	v4 =	vld [tilespmem:s20+$0x7780]  }
0x6a: {  	v2 =	vadd.f32 $0.0e+00, v2  }
0x6b: {  	v5 =	vld [tilespmem:s20+$0x7800]  }
0x6c: {  	v2 =	vadd.f32 v3, v2  }
0x6d: {  	v3 =	vld [tilespmem:s20+$0x7880]  }
0x6e: {  	v2 =	vadd.f32 v4, v2  }
0x6f: {  	v55 =	vld [tilespmem:s20+$0x7900]  }
0x70: {  	v2 =	vadd.f32 v5, v2  }
0x71: {  	v56 =	vld [tilespmem:s20+$0x7980]  }
0x72: {  	v2 =	vadd.f32 v3, v2  }
0x73: {  	v3 =	vld [tilespmem:s20+$0x7A00]  }
0x74: {  	v2 =	vadd.f32 v55, v2  }
0x75: {  	v57 =	vld [tilespmem:s20+$0x8A80]  }
0x76: {  	v2 =	vadd.f32 v56, v2  }
0x77: {  	v58 =	vld [tilespmem:s20+$0x8B00]  }
0x78: {  	v2 =	vadd.f32 v3, v2  }
0x79: {  	v3 =	vld [tilespmem:s20+$0x8B80]  }
0x7a: {  	v2 =	vadd.f32 v57, v2  }
0x7b: {  	v59 =	vld [tilespmem:s20+$0x8C00]  }
0x7c: {  	v2 =	vadd.f32 v58, v2  }
0x7d: {  	v60 =	vld [tilespmem:s20+$0x8C80]  }
0x7e: {  	v2 =	vadd.f32 v3, v2  }
0x7f: {  	v3 =	vld [tilespmem:s20+$0x8D00]  }
0x80: {  	v2 =	vadd.f32 v59, v2  }
0x81: {  	v61 =	vld [tilespmem:s20+$0x8D80]  }
0x82: {  	v2 =	vadd.f32 v60, v2  }
0x83: {  	v62 =	vld [tilespmem:s20+$0x8E00]  }
0x84: {  	v2 =	vadd.f32 v3, v2;
	_ =	sdelay $0x1  }
0x85: {  	v2 =	vadd.f32 v61, v2;
	_ =	sdelay $0x1  }
0x86: {  	v2 =	vadd.f32 v62, v2;
	_ =	sdelay $0x1  }
0x87: {  	v2 =	vmax.f32 v2, $1.000000000e+00  }
0x88: {  	v3 =	vshrl.u32 v2, $0x1;
	v2 =	vmul.f32 $5.000000000e-01, v2  }
0x89: {  	v3 =	vsub.s32 $0x5F3759DF, v3  }
0x8a: {  	v63 =	vmul.f32 v3, v2;
	_ =	sdelay $0x1  }
0x8b: {  	v4 =	vmul.f32 v3, v63;
	_ =	sdelay $0x1  }
0x8c: {  	v4 =	vsub.f32 $1.500000000e+00, v4;
	_ =	sdelay $0x1  }
0x8d: {  	v3 =	vmul.f32 v3, v4;
	_ =	sdelay $0x1  }
0x8e: {  	v4 =	vmul.f32 v3, v2;
	_ =	sdelay $0x1  }
0x8f: {  	v4 =	vmul.f32 v4, v3;
	_ =	sdelay $0x1  }
0x90: {  	v4 =	vsub.f32 $1.500000000e+00, v4;
	_ =	sdelay $0x1  }
0x91: {  	v3 =	vmul.f32 v4, v3;
	_ =	sdelay $0x1  }
0x92: {  	v2 =	vmul.f32 v3, v2;
	_ =	sdelay $0x1  }
0x93: {  	v2 =	vmul.f32 v2, v3;
	_ =	sdelay $0x1  }
0x94: {  	v2 =	vsub.f32 $1.500000000e+00, v2  }
0x95: {  	s22 =	simm.s32 $0x10  }
0x96: {  	s21 =	simm.s32 $0x80;
	s23 =	sand.u32 $0x70, s22;
	v2 =	vmul.f32 v2, v3  }
0x97: {  	s24 =	sand.u32 $0x1C00, s21;
	s22 =	simm.s32 $0x20;
	s20 =	simm.s32 $0x9E80  }
.LBB2_14:
0x98: {  	p1 =	sne.s32 s22, $0x270;
	s23 =	sor.u32 s23, s24;
	[tilespmem:s20+$0x0] =	vst v2  }
0x99: {  	v2 =	vld [tilespmem:s23+$0x7680];
	_ =	sdelay $0x1  }
0x9a: {  	v3 =	vld [tilespmem:s23+$0x7700];
	_ =	sdelay $0x1  }
0x9b: {  	v4 =	vld [tilespmem:s23+$0x7780]  }
0x9c: {  	v2 =	vadd.f32 $0.0e+00, v2  }
0x9d: {  	v5 =	vld [tilespmem:s23+$0x7800]  }
0x9e: {  	v2 =	vadd.f32 v3, v2  }
0x9f: {  	v3 =	vld [tilespmem:s23+$0x7880]  }
0xa0: {  	v2 =	vadd.f32 v4, v2  }
0xa1: {  	v4 =	vld [tilespmem:s23+$0x7900]  }
0xa2: {  	v2 =	vadd.f32 v5, v2  }
0xa3: {  	v5 =	vld [tilespmem:s23+$0x7980]  }
0xa4: {  	v2 =	vadd.f32 v3, v2  }
0xa5: {  	v3 =	vld [tilespmem:s23+$0x7A00]  }
0xa6: {  	v2 =	vadd.f32 v4, v2  }
0xa7: {  	v4 =	vld [tilespmem:s23+$0x8A80]  }
0xa8: {  	v2 =	vadd.f32 v5, v2  }
0xa9: {  	v5 =	vld [tilespmem:s23+$0x8B00]  }
0xaa: {  	v2 =	vadd.f32 v3, v2  }
0xab: {  	v3 =	vld [tilespmem:s23+$0x8B80]  }
0xac: {  	v2 =	vadd.f32 v4, v2  }
0xad: {  	v4 =	vld [tilespmem:s23+$0x8C00]  }
0xae: {  	v2 =	vadd.f32 v5, v2  }
0xaf: {  	v5 =	vld [tilespmem:s23+$0x8C80]  }
0xb0: {  	v2 =	vadd.f32 v3, v2  }
0xb1: {  	v3 =	vld [tilespmem:s23+$0x8D00]  }
0xb2: {  	v2 =	vadd.f32 v4, v2  }
0xb3: {  	v4 =	vld [tilespmem:s23+$0x8D80]  }
0xb4: {  	v2 =	vadd.f32 v5, v2  }
0xb5: {  	v5 =	vld [tilespmem:s23+$0x8E00]  }
0xb6: {  	v2 =	vadd.f32 v3, v2;
	_ =	sdelay $0x1  }
0xb7: {  	v2 =	vadd.f32 v4, v2;
	_ =	sdelay $0x1  }
0xb8: {  	v2 =	vadd.f32 v5, v2;
	_ =	sdelay $0x1  }
0xb9: {  	v2 =	vmax.f32 v2, $1.000000000e+00  }
0xba: {  	v3 =	vshrl.u32 v2, $0x1;
	v2 =	vmul.f32 $5.000000000e-01, v2  }
0xbb: {  	v3 =	vsub.s32 $0x5F3759DF, v3  }
0xbc: {  	v4 =	vmul.f32 v3, v2;
	_ =	sdelay $0x1  }
0xbd: {  	v4 =	vmul.f32 v3, v4;
	_ =	sdelay $0x1  }
0xbe: {  	v4 =	vsub.f32 $1.500000000e+00, v4;
	_ =	sdelay $0x1  }
0xbf: {  	v3 =	vmul.f32 v3, v4;
	_ =	sdelay $0x1  }
0xc0: {  	v4 =	vmul.f32 v3, v2;
	_ =	sdelay $0x1  }
0xc1: {  	v4 =	vmul.f32 v4, v3;
	_ =	sdelay $0x1  }
0xc2: {  	v4 =	vsub.f32 $1.500000000e+00, v4;
	_ =	sdelay $0x1  }
0xc3: {  	v3 =	vmul.f32 v4, v3;
	_ =	sdelay $0x1  }
0xc4: {  	v2 =	vmul.f32 v3, v2;
	_ =	sdelay $0x1  }
0xc5: {  	v2 =	vmul.f32 v2, v3  }
.Ltmp5:
0xc6: {  	(pc) =	sbr.rel @p1 .LBB2_14-.Ltmp5, $3  }
0xc7: {  	v2 =	vsub.f32 $1.500000000e+00, v2;
	_ =	sdelay $0x1  }
0xc8: {  	s21 =	sadd.s32 $0x80, s21;
	s20 =	sadd.s32 $0x10, s20;
	v2 =	vmul.f32 v2, v3  }
0xc9: {  	s24 =	sand.u32 $0x1C00, s21;
	s23 =	sand.u32 $0x70, s22;
	s22 =	sadd.s32 $0x10, s22  }
.Ltmp6:
0xca: {  	_ = 	snop;
	(pc) =	sbr.rel .LBB2_15-.Ltmp6, $1  }
0xcb: {  	_ =	sdelay $0x3  }
.LBB2_2:
0xcc: {  	[tilespmem:s20], [sflag:$0x1] =	stream.linear.gather [hbm4b:s3+s20], $0x4E20, $0x38;
	[tilespmem:$0xC900] =	vst v63  }
0xcd: {  	s20 =	simm.s32 $0x40;
	s21 =	simm.s32 $0x0  }
.LBB2_3:
0xce: {  	p1 =	sne.s32 s20, $0x9FC0;
	[tilespmem:s21+$0x4E80] =	vst v0;
	s21 =	smov.u32 s20;
	s20 =	sadd.s32 $0x40, s20  }
.Ltmp7:
0xcf: {  	(pc) =	sbr.rel @p1 .LBB2_3-.Ltmp7, $2  }
0xd0: {  	_ =	sdelay $0x2  }
0xd1: {  	s21 =	sshra.s32 s21, $0x2  }
0xd2: {  	[tilespmem:s21+$0x4E80] =	vst v0  }
0xd3: {  	_ =	swait.ge [sflag:s10], $0x4E20  }
0xd4: {  	[sflag:s10] =	ssyncset.done $0x0  }
0xd5: {  	s21 =	simm.s32 $0x0;
	s20 =	simm.s32 $0x40;
	[sflag:s10] =	ssyncadd.s32 $0xFFFFB1E0  }
.LBB2_5:
0xd6: {  	p1 =	sne.s32 s20, $0x13840;
	v2 =	vld [tilespmem:s21+$0x0];
	_ =	sdelay $0x3  }
.Ltmp8:
0xd7: {  	(pc) =	sbr.rel @p1 .LBB2_5-.Ltmp8, $2  }
0xd8: {  	_ =	sdelay $0x2  }
0xd9: {  	s21 =	sshra.s32 s20, $0x2;
	s20 =	sadd.s32 $0x40, s20;
	[tilespmem:v2+s11+$0x0] =	vst.idx.add.f32.msk $0xffff, v1  }
0xda: {  	v2 =	vld [tilespmem:s21+$0x0];
	_ =	sdelay $0x7  }
0xdb: {  	[tilespmem:v2+s11+$0x0] =	vst.idx.add.f32.msk $0xffff, v1  }
0xdc: {  	[spmem:s4] =	stream.strided.scatter [tilespmem:s11], [sflag:$0x2], $0x2800, s13, s12, $0x38;
	[tilespmem:$0xC900] =	vst v63  }
0xdd: {  	_ =	swait.ge [sflag:s14], $0x2800  }
0xde: {  	[sflag:s14] =	ssyncset.done $0x0  }
0xdf: {  	[sflag:s14] =	ssyncadd.s32 $0xFFFFD800  }
0xe0: {  	[bflag:$0x0] =	sbarrier.arrive $0xFFFF  }
0xe1: {  	[tilespmem:s17], [sflag:$0x2] =	stream.strided.gather [spmem:s5], $0x2800, s16, s15, $0x38;
	[tilespmem:$0xC900] =	vst v63  }
0xe2: {  	s20 =	simm.s32 $0x0;
	_ =	swait.ge [sflag:s14], $0x2800  }
0xe3: {  	s31 =	sand.u32 $0x70, s20;
	s20 =	sand.u32 $0x1C00, s20;
	[sflag:s14] =	ssyncset.done $0x0  }
0xe4: {  	s20 =	sor.u32 s31, s20;
	[sflag:s14] =	ssyncadd.s32 $0xFFFFD800  }
0xe5: {  	v2 =	vld [tilespmem:s20+$0x7680];
	_ =	sdelay $0x1  }
0xe6: {  	v3 =	vld [tilespmem:s20+$0x7700];
	_ =	sdelay $0x1  }
0xe7: {  	v4 =	vld [tilespmem:s20+$0x7780]  }
0xe8: {  	v2 =	vadd.f32 $0.0e+00, v2  }
0xe9: {  	v5 =	vld [tilespmem:s20+$0x7800]  }
0xea: {  	v2 =	vadd.f32 v3, v2  }
0xeb: {  	v3 =	vld [tilespmem:s20+$0x7880]  }
0xec: {  	v2 =	vadd.f32 v4, v2  }
0xed: {  	v55 =	vld [tilespmem:s20+$0x7900]  }
0xee: {  	v2 =	vadd.f32 v5, v2  }
0xef: {  	v56 =	vld [tilespmem:s20+$0x7980]  }
0xf0: {  	v2 =	vadd.f32 v3, v2  }
0xf1: {  	v3 =	vld [tilespmem:s20+$0x7A00]  }
0xf2: {  	v2 =	vadd.f32 v55, v2  }
0xf3: {  	v57 =	vld [tilespmem:s20+$0x8A80]  }
0xf4: {  	v2 =	vadd.f32 v56, v2  }
0xf5: {  	v58 =	vld [tilespmem:s20+$0x8B00]  }
0xf6: {  	v2 =	vadd.f32 v3, v2  }
0xf7: {  	v3 =	vld [tilespmem:s20+$0x8B80]  }
0xf8: {  	v2 =	vadd.f32 v57, v2  }
0xf9: {  	v59 =	vld [tilespmem:s20+$0x8C00]  }
0xfa: {  	v2 =	vadd.f32 v58, v2  }
0xfb: {  	v60 =	vld [tilespmem:s20+$0x8C80]  }
0xfc: {  	v2 =	vadd.f32 v3, v2  }
0xfd: {  	v3 =	vld [tilespmem:s20+$0x8D00]  }
0xfe: {  	v2 =	vadd.f32 v59, v2  }
0xff: {  	v61 =	vld [tilespmem:s20+$0x8D80]  }
0x100: {  	v2 =	vadd.f32 v60, v2  }
0x101: {  	v62 =	vld [tilespmem:s20+$0x8E00]  }
0x102: {  	v2 =	vadd.f32 v3, v2;
	_ =	sdelay $0x1  }
0x103: {  	v2 =	vadd.f32 v61, v2;
	_ =	sdelay $0x1  }
0x104: {  	v2 =	vadd.f32 v62, v2;
	_ =	sdelay $0x1  }
0x105: {  	v2 =	vmax.f32 v2, $1.000000000e+00  }
0x106: {  	v3 =	vshrl.u32 v2, $0x1;
	v2 =	vmul.f32 $5.000000000e-01, v2  }
0x107: {  	v3 =	vsub.s32 $0x5F3759DF, v3  }
0x108: {  	v63 =	vmul.f32 v3, v2;
	_ =	sdelay $0x1  }
0x109: {  	v4 =	vmul.f32 v3, v63;
	_ =	sdelay $0x1  }
0x10a: {  	v4 =	vsub.f32 $1.500000000e+00, v4;
	_ =	sdelay $0x1  }
0x10b: {  	v3 =	vmul.f32 v3, v4;
	_ =	sdelay $0x1  }
0x10c: {  	v4 =	vmul.f32 v3, v2;
	_ =	sdelay $0x1  }
0x10d: {  	v4 =	vmul.f32 v4, v3;
	_ =	sdelay $0x1  }
0x10e: {  	v4 =	vsub.f32 $1.500000000e+00, v4;
	_ =	sdelay $0x1  }
0x10f: {  	v3 =	vmul.f32 v4, v3;
	_ =	sdelay $0x1  }
0x110: {  	v2 =	vmul.f32 v3, v2;
	_ =	sdelay $0x1  }
0x111: {  	v2 =	vmul.f32 v2, v3;
	_ =	sdelay $0x1  }
0x112: {  	v2 =	vsub.f32 $1.500000000e+00, v2  }
0x113: {  	s22 =	simm.s32 $0x10  }
0x114: {  	s21 =	simm.s32 $0x80;
	s23 =	sand.u32 $0x70, s22;
	v2 =	vmul.f32 v2, v3  }
0x115: {  	s24 =	sand.u32 $0x1C00, s21;
	s22 =	simm.s32 $0x20;
	s20 =	simm.s32 $0x9E80  }
.LBB2_7:
0x116: {  	p1 =	seq.s32 s22, $0x270;
	s23 =	sor.u32 s23, s24;
	[tilespmem:s20+$0x0] =	vst v2  }
0x117: {  	v2 =	vld [tilespmem:s23+$0x7680];
	_ =	sdelay $0x1  }
0x118: {  	v3 =	vld [tilespmem:s23+$0x7700];
	_ =	sdelay $0x1  }
0x119: {  	v4 =	vld [tilespmem:s23+$0x7780]  }
0x11a: {  	v2 =	vadd.f32 $0.0e+00, v2  }
0x11b: {  	v5 =	vld [tilespmem:s23+$0x7800]  }
0x11c: {  	v2 =	vadd.f32 v3, v2  }
0x11d: {  	v3 =	vld [tilespmem:s23+$0x7880]  }
0x11e: {  	v2 =	vadd.f32 v4, v2  }
0x11f: {  	v4 =	vld [tilespmem:s23+$0x7900]  }
0x120: {  	v2 =	vadd.f32 v5, v2  }
0x121: {  	v5 =	vld [tilespmem:s23+$0x7980]  }
0x122: {  	v2 =	vadd.f32 v3, v2  }
0x123: {  	v3 =	vld [tilespmem:s23+$0x7A00]  }
0x124: {  	v2 =	vadd.f32 v4, v2  }
0x125: {  	v4 =	vld [tilespmem:s23+$0x8A80]  }
0x126: {  	v2 =	vadd.f32 v5, v2  }
0x127: {  	v5 =	vld [tilespmem:s23+$0x8B00]  }
0x128: {  	v2 =	vadd.f32 v3, v2  }
0x129: {  	v3 =	vld [tilespmem:s23+$0x8B80]  }
0x12a: {  	v2 =	vadd.f32 v4, v2  }
0x12b: {  	v4 =	vld [tilespmem:s23+$0x8C00]  }
0x12c: {  	v2 =	vadd.f32 v5, v2  }
0x12d: {  	v5 =	vld [tilespmem:s23+$0x8C80]  }
0x12e: {  	v2 =	vadd.f32 v3, v2  }
0x12f: {  	v3 =	vld [tilespmem:s23+$0x8D00]  }
0x130: {  	v2 =	vadd.f32 v4, v2  }
0x131: {  	v4 =	vld [tilespmem:s23+$0x8D80]  }
0x132: {  	v2 =	vadd.f32 v5, v2  }
0x133: {  	v5 =	vld [tilespmem:s23+$0x8E00]  }
0x134: {  	v2 =	vadd.f32 v3, v2;
	_ =	sdelay $0x1  }
0x135: {  	v2 =	vadd.f32 v4, v2;
	_ =	sdelay $0x1  }
0x136: {  	v2 =	vadd.f32 v5, v2;
	_ =	sdelay $0x1  }
0x137: {  	v2 =	vmax.f32 v2, $1.000000000e+00  }
0x138: {  	v3 =	vshrl.u32 v2, $0x1;
	v2 =	vmul.f32 $5.000000000e-01, v2  }
0x139: {  	v3 =	vsub.s32 $0x5F3759DF, v3  }
0x13a: {  	v4 =	vmul.f32 v3, v2;
	_ =	sdelay $0x1  }
0x13b: {  	v4 =	vmul.f32 v3, v4;
	_ =	sdelay $0x1  }
0x13c: {  	v4 =	vsub.f32 $1.500000000e+00, v4;
	_ =	sdelay $0x1  }
0x13d: {  	v3 =	vmul.f32 v3, v4;
	_ =	sdelay $0x1  }
0x13e: {  	v4 =	vmul.f32 v3, v2;
	_ =	sdelay $0x1  }
0x13f: {  	v4 =	vmul.f32 v4, v3;
	_ =	sdelay $0x1  }
0x140: {  	v4 =	vsub.f32 $1.500000000e+00, v4;
	_ =	sdelay $0x1  }
0x141: {  	v3 =	vmul.f32 v4, v3;
	_ =	sdelay $0x1  }
0x142: {  	v2 =	vmul.f32 v3, v2;
	_ =	sdelay $0x1  }
0x143: {  	v2 =	vmul.f32 v2, v3  }
.Ltmp9:
0x144: {  	(pc) =	sbr.rel @!p1 .LBB2_7-.Ltmp9, $3  }
0x145: {  	v2 =	vsub.f32 $1.500000000e+00, v2;
	_ =	sdelay $0x1  }
0x146: {  	s21 =	sadd.s32 $0x80, s21;
	s20 =	sadd.s32 $0x10, s20;
	v2 =	vmul.f32 v2, v3  }
0x147: {  	s24 =	sand.u32 $0x1C00, s21;
	s23 =	sand.u32 $0x70, s22;
	s22 =	sadd.s32 $0x10, s22  }
0x148: {  	s21 =	sor.u32 s23, s24;
	[tilespmem:s20+$0x0] =	vst v2  }
0x149: {  	v2 =	vld [tilespmem:s21+$0x7680];
	_ =	sdelay $0x1  }
0x14a: {  	v3 =	vld [tilespmem:s21+$0x7700];
	_ =	sdelay $0x1  }
0x14b: {  	v4 =	vld [tilespmem:s21+$0x7780]  }
0x14c: {  	v2 =	vadd.f32 $0.0e+00, v2  }
0x14d: {  	v5 =	vld [tilespmem:s21+$0x7800]  }
0x14e: {  	v2 =	vadd.f32 v3, v2  }
0x14f: {  	v3 =	vld [tilespmem:s21+$0x7880]  }
0x150: {  	v2 =	vadd.f32 v4, v2  }
0x151: {  	v55 =	vld [tilespmem:s21+$0x7900]  }
0x152: {  	v2 =	vadd.f32 v5, v2  }
0x153: {  	v56 =	vld [tilespmem:s21+$0x7980]  }
0x154: {  	v2 =	vadd.f32 v3, v2  }
0x155: {  	v3 =	vld [tilespmem:s21+$0x7A00]  }
0x156: {  	v2 =	vadd.f32 v55, v2  }
0x157: {  	v57 =	vld [tilespmem:s21+$0x8A80]  }
0x158: {  	v2 =	vadd.f32 v56, v2  }
0x159: {  	v58 =	vld [tilespmem:s21+$0x8B00]  }
0x15a: {  	v2 =	vadd.f32 v3, v2  }
0x15b: {  	v3 =	vld [tilespmem:s21+$0x8B80]  }
0x15c: {  	v2 =	vadd.f32 v57, v2  }
0x15d: {  	v59 =	vld [tilespmem:s21+$0x8C00]  }
0x15e: {  	v2 =	vadd.f32 v58, v2  }
0x15f: {  	v60 =	vld [tilespmem:s21+$0x8C80]  }
0x160: {  	v2 =	vadd.f32 v3, v2  }
0x161: {  	v3 =	vld [tilespmem:s21+$0x8D00]  }
0x162: {  	v2 =	vadd.f32 v59, v2  }
0x163: {  	v61 =	vld [tilespmem:s21+$0x8D80]  }
0x164: {  	v2 =	vadd.f32 v60, v2  }
0x165: {  	v62 =	vld [tilespmem:s21+$0x8E00]  }
0x166: {  	v2 =	vadd.f32 v3, v2;
	_ =	sdelay $0x1  }
0x167: {  	v2 =	vadd.f32 v61, v2;
	_ =	sdelay $0x1  }
0x168: {  	v2 =	vadd.f32 v62, v2;
	_ =	sdelay $0x1  }
0x169: {  	v2 =	vmax.f32 v2, $1.000000000e+00  }
0x16a: {  	v3 =	vshrl.u32 v2, $0x1;
	v2 =	vmul.f32 $5.000000000e-01, v2  }
0x16b: {  	v3 =	vsub.s32 $0x5F3759DF, v3  }
0x16c: {  	v63 =	vmul.f32 v3, v2;
	_ =	sdelay $0x1  }
0x16d: {  	v4 =	vmul.f32 v3, v63;
	_ =	sdelay $0x1  }
0x16e: {  	v4 =	vsub.f32 $1.500000000e+00, v4;
	_ =	sdelay $0x1  }
0x16f: {  	v3 =	vmul.f32 v3, v4;
	_ =	sdelay $0x1  }
0x170: {  	v4 =	vmul.f32 v3, v2;
	_ =	sdelay $0x1  }
0x171: {  	v4 =	vmul.f32 v4, v3;
	_ =	sdelay $0x1  }
0x172: {  	v4 =	vsub.f32 $1.500000000e+00, v4;
	_ =	sdelay $0x1  }
0x173: {  	v3 =	vmul.f32 v4, v3;
	_ =	sdelay $0x1  }
0x174: {  	v2 =	vmul.f32 v3, v2;
	_ =	sdelay $0x1  }
0x175: {  	v2 =	vmul.f32 v2, v3;
	_ =	sdelay $0x1  }
.Ltmp10:
0x176: {  	v2 =	vsub.f32 $1.500000000e+00, v2;
	(pc) =	sbr.rel .LBB2_16-.Ltmp10, $4  }
0x177: {  	_ = 	snop  }
0x178: {  	v2 =	vmul.f32 v2, v3  }
0x179: {  	s31 =	sadd.s32 $0x10, s20  }
0x17a: {  	s20 =	smov.u32 s6;
	[tilespmem:s31+$0x0] =	vst v2  }
.LBB2_17:
0x17b: {  	_ =	sfence.sel $0x180000  }
0x17c: {  	[bflag:$0x0] =	sbarrier.arrive $0xFFFF  }
0x17d: {  	p0 =	sne.s32 s1, $0x0;
	_ =	strace $0x90000047  }
0x17e: {  	s0 =	sadd.s32 @!p0 $0x100000, s0;
	[bflag:$0x2] =	sbarrier.arrive $0xFFFF  }
0x17f: {  	[sflag:s0] =	ssyncadd.tile.s32 @!p0 $0x1;
	_ =	shalt  }
.Lfunc_end2:
_tile_overlayer_lowered:
.L_overlay_start_2:
0x180: {  	(tag) =	ssettag $0x2  }
0x181: {  	s0 =	rddreg [dreg:$0x0];
	s2 =	stileid.u32  }
0x182: {  	s1 =	rddreg [dreg:$0x1];
	p0 =	sne.s32 s2, $0x0  }
0x183: {  	s3 =	rddreg [dreg:$0x2];
	[bflag:$0x3] =	sbarrier.arrive $0xFFFF;
	s2 =	simm.s32 @!p0 $0x1C02  }
0x184: {  	[timem:s3], [sflag:s2] =	dma.local @!p0 [hbm:s0], s1  }
0x185: {  	s0 =	simm.s32 @!p0 $0x2  }
0x186: {  	_ =	swait.ge @!p0 [sflag:s0], s1  }
0x187: {  	s1 =	ssub.s32 @!p0 $0x0, s1;
	[sflag:s0] =	ssyncset.done @!p0 $0x0  }
0x188: {  	[sflag:s0] =	ssyncadd.s32 @!p0 s1  }
0x189: {  	[bflag:$0x3] =	sbarrier.arrive $0xFFFF  }
0x18a: {  	_ =	shalt  }

// kernel: kernel.9.cloned.1.call-start
scs
__scs_entry_jumppad:
0x0: {  	(pc) =	sbr.rel $0x88, $3  }
0x1: {  	(tag) =	ssettag $0x0;
	lr =	simm.s32 $0x1  }
0x2: {  	[smem:$0x3F99] =	sst lr;
	_ =	strace $0xD0000000  }
0x3: {  	_ = 	snop  }
0x4: {  	_ = 	snop  }
0x5: {  	_ = 	snop  }
0x6: {  	_ = 	snop  }
0x7: {  	_ = 	snop  }
__scs_overlays_trampoline_lowered:
0x8: {  	[smem:$0x3FA8] =	sst s0  }
0x9: {  	[smem:$0x3FA9] =	sst s1  }
0xa: {  	[smem:$0x3FAA] =	sst s2  }
0xb: {  	[smem:$0x3FAB] =	sst s3  }
0xc: {  	[smem:$0x3FAC] =	sst s4  }
0xd: {  	[smem:$0x3FAD] =	sst s5  }
0xe: {  	[smem:$0x3FAE] =	sst s6  }
0xf: {  	[smem:$0x3FAF] =	sst s7  }
0x10: {  	[smem:$0x3FB0] =	sst s8  }
0x11: {  	[smem:$0x3FB1] =	sst s9;
	s0 =	simm.s32 @!p0 $0x0  }
0x12: {  	s1 =	sld [smem:$0x3F97];
	s0 =	simm.s32 @p0 $0x1  }
0x13: {  	[smem:$0x3FB2] =	sst s0;
	s0 =	simm.s32 @!p1 $0x0  }
0x14: {  	s2 =	sld [smem:$0x3F96];
	s0 =	simm.s32 @p1 $0x1  }
0x15: {  	[smem:$0x3FB3] =	sst s0;
	s0 =	simm.s32 @!p2 $0x0  }
0x16: {  	s3 =	sld [smem:$0x3FDB];
	s0 =	simm.s32 @p2 $0x1  }
0x17: {  	s4 =	simm.s32 $0x1BF5;
	[smem:$0x3FB5] =	sst s0  }
0x18: {  	s0 =	sld [smem:$0x3F98];
	_ =	swait.ge [sflag:s4], $0x0  }
0x19: {  	s7 =	sld [smem:$0x3F99]  }
0x1a: {  	s8 =	sadd.s32 $0xFFFFE003, lr  }
0x1b: {  	s9 =	sadd.s32 $0xFFFFFEF7, lr;
	s5 =	simm.s32 $0xFFFFFFFF;
	p2 =	slt.u32 s8, $0xFFFFF086  }
0x1c: {  	p1 =	slt.u32 s9, $0xF7A;
	s5 =	simm.s32 @!p2 $0x0  }
0x1d: {  	s5 =	simm.s32 @p1 $0x1;
	p0 =	seq.s32 s7, s2  }
0x1e: {  	s7 =	smul.u32 @!p0 $0xF7A, s2;
	p2 =	seq.s32 @!p0 s5, $0x0  }
0x1f: {  	s9 =	smul.u32 $0xF7A, s1;
	s8 =	simm.s32 @!p0 $0x1BF5;
	p2 =	por !p2, p0  }
0x20: {  	[sflag:s8] =	ssyncset.s32 @!p0 $0xFFFFF086;
	s6 =	sadd.s32 @!p0 s3, s7;
	s7 =	simm.s32 @!p0 $0x108  }
0x21: {  	s3 =	sadd.s32 s3, s9;
	s6 =	sadd.s32 @!p0 $0x88, s6;
	s7 =	simm.s32 @p2 $0x1082  }
0x22: {  	[simem:s7], [sflag:s8] =	dma.local @!p0 [hbm:s6], $0xF7A  }
0x23: {  	s9 =	sor.u32 $0xD0000000, s2;
	s6 =	simm.s32 $0x108;
	_ =	swait.ge @!p0 [sflag:s8], $0x0  }
0x24: {  	s3 =	sadd.s32 $0x88, s3;
	s6 =	simm.s32 @!p1 $0x1082;
	[sflag:s4] =	ssyncset.s32 $0xFFFFF086  }
0x25: {  	[simem:s6], [sflag:s4] =	dma.local [hbm:s3], $0xF7A  }
0x26: {  	[smem:$0x3F99] =	sst s1;
	(tag) =	ssettag s2;
	_ =	strace s9  }
0x27: {  	s1 =	sld [smem:$0x3FA9]  }
0x28: {  	s2 =	sld [smem:$0x3FAA]  }
0x29: {  	s4 =	sld [smem:$0x3FAC]  }
0x2a: {  	p0 =	seq.s32 s5, $0x0;
	s5 =	sld [smem:$0x3FAD]  }
0x2b: {  	s6 =	sld [smem:$0x3FAE]  }
0x2c: {  	s7 =	sld [smem:$0x3FAF]  }
0x2d: {  	s3 =	simm.s32 $0x108;
	s8 =	sld [smem:$0x3FB0]  }
0x2e: {  	s3 =	simm.s32 @!p0 $0x1082;
	s9 =	sld [smem:$0x3FB1]  }
0x2f: {  	lr =	sadd.s32 s0, s3;
	s0 =	sld [smem:$0x3FA8]  }
0x30: {  	s3 =	sld [smem:$0x3FAB]  }
0x31: {  	[smem:$0x3FB4] =	sst s10  }
0x32: {  	s10 =	sld [smem:$0x3FB2];
	_ =	sdelay $0x3  }
0x33: {  	p0 =	seq.s32 s10, $0x1;
	s10 =	sld [smem:$0x3FB4];
	_ =	sdelay $0x3  }
0x34: {  	[smem:$0x3FB4] =	sst s10  }
0x35: {  	s10 =	sld [smem:$0x3FB3];
	_ =	sdelay $0x3  }
0x36: {  	p1 =	seq.s32 s10, $0x1;
	s10 =	sld [smem:$0x3FB4];
	_ =	sdelay $0x3  }
0x37: {  	[smem:$0x3FB4] =	sst s10  }
0x38: {  	s10 =	sld [smem:$0x3FB5]  }
0x39: {  	_ = 	snop;
	(pc) =	sbr.ind lr, $3  }
0x3a: {  	_ = 	snop  }
0x3b: {  	_ = 	snop  }
0x3c: {  	p2 =	seq.s32 s10, $0x1;
	s10 =	sld [smem:$0x3FB4]  }
0x3d: {  	_ =	shalt  }
0x3e: {  	_ =	shalt  }
0x3f: {  	_ =	shalt  }
0x40: {  	_ =	shalt  }
0x41: {  	_ =	shalt  }
0x42: {  	_ =	shalt  }
0x43: {  	_ =	shalt  }
0x44: {  	_ =	shalt  }
0x45: {  	_ =	shalt  }
0x46: {  	_ =	shalt  }
0x47: {  	_ =	shalt  }
0x48: {  	_ =	shalt  }
0x49: {  	_ =	shalt  }
0x4a: {  	_ =	shalt  }
0x4b: {  	_ =	shalt  }
0x4c: {  	_ =	shalt  }
0x4d: {  	_ =	shalt  }
0x4e: {  	_ =	shalt  }
0x4f: {  	_ =	shalt  }
0x50: {  	_ =	shalt  }
0x51: {  	_ =	shalt  }
0x52: {  	_ =	shalt  }
0x53: {  	_ =	shalt  }
0x54: {  	_ =	shalt  }
0x55: {  	_ =	shalt  }
0x56: {  	_ =	shalt  }
0x57: {  	_ =	shalt  }
0x58: {  	_ =	shalt  }
0x59: {  	_ =	shalt  }
0x5a: {  	_ =	shalt  }
0x5b: {  	_ =	shalt  }
0x5c: {  	_ =	shalt  }
0x5d: {  	_ =	shalt  }
0x5e: {  	_ =	shalt  }
0x5f: {  	_ =	shalt  }
0x60: {  	_ =	shalt  }
0x61: {  	_ =	shalt  }
0x62: {  	_ =	shalt  }
0x63: {  	_ =	shalt  }
0x64: {  	_ =	shalt  }
0x65: {  	_ =	shalt  }
0x66: {  	_ =	shalt  }
0x67: {  	_ =	shalt  }
0x68: {  	_ =	shalt  }
0x69: {  	_ =	shalt  }
0x6a: {  	_ =	shalt  }
0x6b: {  	_ =	shalt  }
0x6c: {  	_ =	shalt  }
0x6d: {  	_ =	shalt  }
0x6e: {  	_ =	shalt  }
0x6f: {  	_ =	shalt  }
0x70: {  	_ =	shalt  }
0x71: {  	_ =	shalt  }
0x72: {  	_ =	shalt  }
0x73: {  	_ =	shalt  }
0x74: {  	_ =	shalt  }
0x75: {  	_ =	shalt  }
0x76: {  	_ =	shalt  }
0x77: {  	_ =	shalt  }
0x78: {  	_ =	shalt  }
0x79: {  	_ =	shalt  }
0x7a: {  	_ =	shalt  }
0x7b: {  	_ =	shalt  }
0x7c: {  	_ =	shalt  }
0x7d: {  	_ =	shalt  }
0x7e: {  	_ =	shalt  }
0x7f: {  	_ =	shalt  }
0x80: {  	_ =	shalt  }
0x81: {  	_ =	shalt  }
0x82: {  	_ =	shalt  }
0x83: {  	_ =	shalt  }
0x84: {  	_ =	shalt  }
0x85: {  	_ =	shalt  }
0x86: {  	_ =	shalt  }
0x87: {  	_ =	shalt  }
.Lfunc_end0:
.L_simem_size_0:
called_computation.1_lowered:
.L_overlay_start_0:
0x88: {  	s2 =	sld [smem:$0x3FD9]  }
0x89: {  	s3 =	sld [smem:$0x3FFE];
	_ =	sdelay $0x1  }
0x8a: {  	s1 =	srdreg.scid  }
0x8b: {  	s0 =	sand.u32 $0x1, s1  }
0x8c: {  	s17 =	sshll.u32 s0, $0xA;
	s2 =	sadd.s32 s3, s2  }
0x8d: {  	s2 =	sadd.s32 s2, s17  }
0x8e: {  	[smem:$0x3FC0] =	sst s2  }
0x8f: {  	_ = 	snop  }
0x90: {  	s2 =	sld [smem:$0x3FC6]  }
0x91: {  	s18 =	sld [smem:$0x3FD0];
	(tm) =	ssettm $0x1  }
0x92: {  	s4 =	sld [smem:$0x3FFB];
	_ =	sdelay $0x3  }
0x93: {  	_ =	strace s4  }
0x94: {  	s4 =	sld [smem:$0x3FFC];
	_ =	sdelay $0x3  }
0x95: {  	_ =	strace s4  }
0x96: {  	s4 =	sld [smem:$0x3FFD];
	_ =	sdelay $0x3  }
0x97: {  	_ =	strace s4  }
0x98: {  	_ =	strace $0x8FFFFFFF  }
0x99: {  	s19 =	sld [smem:$0x3FDB];
	_ =	sdelay $0x1  }
0x9a: {  	s5 =	simm.s32 $_scs_section_size  }
0x9b: {  	s6 =	simm.s32 $_size__tile_overlayer_lowered;
	s7 =	simm.s32 $_tile_overlayer_lowered  }
0x9c: {  	s22 =	simm.s32 $0x1BFF;
	s21 =	sshll.u32 s7, $0x1;
	s4 =	sadd.s32 s5, s19  }
0x9d: {  	s8 =	simm.s32 $0x0;
	s20 =	sshll.u32 s6, $0x1;
	s6 =	sadd.s32 s21, s4  }
0x9e: {  	[timem:s8], [sflag:s22] =	dma.local [hbm:s6], s20  }
0x9f: {  	_ =	swait.ge [sflag:s22], s20  }
0xa0: {  	s5 =	ssub.s32 $0x0, s20;
	[sflag:s22] =	ssyncset.done $0x0  }
0xa1: {  	[sflag:s22] =	ssyncadd.s32 s5;
	_ =	sdelay $0x1  }
0xa2: {  	s23 =	simm.s32 $0x1B8B  }
0xa3: {  	_ =	swait.ge [sflag:s23], $0x1  }
0xa4: {  	[sflag:s23] =	ssyncset.done $0x0  }
0xa5: {  	s25 =	simm.s32 $0x1B8E;
	s24 =	sld [smem:$0x3FFE];
	[sflag:s23] =	ssyncadd.s32 $0xFFFFFFFF  }
0xa6: {  	s26 =	simm.s32 $execute0_lowered;
	[smem:$0x3FD2] =	sst s25  }
0xa7: {  	s6 =	sshll.u32 s26, $0x1;
	_ =	strace $0x80000049;
	[dreg:$0x1] =	wrdreg $0xFFFFFFFF  }
0xa8: {  	s28 =	simm.s32 $_size_execute0_lowered;
	s4 =	sadd.s32 s4, s6;
	[dreg:$0x0] =	wrdreg $0x0  }
0xa9: {  	s6 =	sshll.u32 s28, $0x1;
	[dreg:$0x2] =	wrdreg s4  }
0xaa: {  	[dreg:$0x3] =	wrdreg s6  }
0xab: {  	[dreg:$0x4] =	wrdreg $0xC0  }
0xac: {  	_ =	task [dreg:s8], $0x5FFFF  }
0xad: {  	[dreg:$0x1] =	wrdreg $0xFFFFFFFF  }
0xae: {  	[dreg:$0x0] =	wrdreg $0x60  }
0xaf: {  	[dreg:$0x2] =	wrdreg s18  }
0xb0: {  	[dreg:$0x3] =	wrdreg s24  }
0xb1: {  	[dreg:$0x4] =	wrdreg s2  }
0xb2: {  	[dreg:$0x5] =	wrdreg $0xA2800  }
0xb3: {  	[dreg:$0x6] =	wrdreg $0x9  }
0xb4: {  	_ =	task.clear_ibuf [dreg:s8], $0x7FFFF;
	_ =	strace $0x90000049  }
0xb5: {  	s29 =	simm.s32 $0x9;
	_ =	strace $0x8000004B  }
0xb6: {  	_ =	swait.ge [sflag:s29], $0x1  }
0xb7: {  	[sflag:s29] =	ssyncadd.s32 $0xFFFFFFFF  }
0xb8: {  	_ =	strace $0x9000004B  }
0xb9: {  	_ =	sfence  }
0xba: {  	s30 =	sld [smem:$0x0];
	_ =	sdelay $0x2  }
0xbb: {  	s31 =	sshll.u32 s1, $0xD;
	s1 =	sshrl.u32 s1, $0x2  }
0xbc: {  	s3 =	sand.u32 $0x4000, s31;
	s1 =	sadd.s32 s1, s30  }
0xbd: {  	s0 =	sor.u32 s3, s0;
	s1 =	sshll.u32 s1, $0x11  }
0xbe: {  	s0 =	sor.u32 s1, s0  }
0xbf: {  	s0 =	sadd.s32 $0x8F2B, s0  }
0xc0: {  	[sflag:s0] =	ssyncadd.remote.s32 $0x1  }
0xc1: {  	_ =	sfence.sel $0xFFFF  }
0xc2: {  	[dreg:$0x0] =	wrdreg $0xFFFFFFFF;
	(pc) =	sbr.abs _section_cstart, $3  }
0xc3: {  	[dreg:$0x1] =	wrdreg $0xFFFFFFFF  }
0xc4: {  	_ =	task.clear_ibuf [dreg:s8], $0x2FFFF;
	_ =	strace $0x9FFFFFFF  }
0xc5: {  	(tm) =	ssettm $0x7FFFFFFF  }
tec
execute0_lowered:
.L_overlay_start_1:
0x0: {  	(tag) =	ssettag $0x1  }
0x1: {  	s0 =	rddreg [dreg:$0x0]  }
0x2: {  	s1 =	rddreg [dreg:$0x1];
	s2 =	srdreg.scid  }
0x3: {  	s3 =	rddreg [dreg:$0x2];
	s11 =	stileid.u32  }
0x4: {  	s4 =	rddreg [dreg:$0x3];
	s6 =	smul.u32 $0x2710, s11  }
0x5: {  	s8 =	simm.s32 $0x0;
	s23 =	simm.s32 $0x0;
	s25 =	smul.u32 $0x14000, s11  }
0x6: {  	s28 =	simm.s32 $0x2A80;
	s2 =	sand.u32 $0x1, s2;
	s11 =	smul.u32 $0x50000, s11  }
0x7: {  	s29 =	simm.s32 $0x2980;
	s30 =	simm.s32 $0x2800;
	s5 =	smul.u32 $0x27100, s2  }
0x8: {  	[smem:$0x7FF] =	sst s8;
	s7 =	smul.u32 $0x140000, s2;
	s2 =	ssub.s32 $0x2, s2  }
0x9: {  	s31 =	simm.s32 $0x5280;
	_ =	strace $0x8000004A;
	s10 =	sshrl.u32 s2, $0x1  }
0xa: {  	s13 =	sshrl.u32 s11, $0x2;
	s11 =	simm.s32 $0x0;
	s6 =	sadd.s32 s6, s5  }
0xb: {  	s5 =	sadd.s32 s25, s7;
	s7 =	sadd.s32 $0x1200, s1;
	s20 =	sadd.s32 s13, s4  }
0xc: {  	s2 =	ssub.s32 s2, s10;
	s17 =	sadd.s32 $0x2800, s20;
	[dreg:$0x8] =	wrdreg s20  }
0xd: {  	s13 =	simm.s32 $0x2880;
	s18 =	sadd.s32 $0x5000, s20;
	[dreg:$0xb] =	wrdreg s17  }
0xe: {  	s26 =	sshrl.u32 s6, $0x3;
	s19 =	sadd.s32 $0x7800, s20;
	[dreg:$0xc] =	wrdreg s18  }
0xf: {  	s5 =	sshrl.u32 s5, $0x3;
	s21 =	sadd.s32 $0xA000, s20;
	[dreg:$0xd] =	wrdreg s19  }
0x10: {  	s22 =	sadd.s32 $0xC800, s20;
	s24 =	sadd.s32 $0xF000, s20;
	[dreg:$0xe] =	wrdreg s21  }
0x11: {  	s25 =	sadd.s32 $0x11800, s20;
	s9 =	sadd.s32 s26, s1;
	[dreg:$0xf] =	wrdreg s22  }
0x12: {  	s1 =	sadd.s32 s5, s1;
	s12 =	sadd.s32 s7, s26;
	[dreg:$0x10] =	wrdreg s24  }
0x13: {  	s14 =	sadd.s32 s3, s26;
	s8 =	sadd.s32 $0xA, s26;
	[dreg:$0x11] =	wrdreg s25  }
0x14: {  	s26 =	smax.u32 s2, $0x1;
	s24 =	simm.s32 $0x2900;
	s25 =	simm.s32 $0x2780  }
0x15: {  	s2 =	simm.s32 $0x7A80;
	s17 =	simm.s32 $0x3;
	[dreg:$0x6] =	wrdreg s12  }
0x16: {  	s18 =	simm.s32 $0x9;
	s19 =	simm.s32 $0x6;
	[dreg:$0x7] =	wrdreg s14  }
0x17: {  	s10 =	sadd.s32 $0xB000, s9;
	s15 =	sadd.s32 s7, s8;
	[dreg:$0x13] =	wrdreg s26  }
0x18: {  	s16 =	sadd.s32 s3, s8;
	s1 =	sadd.s32 $0x14E00, s1;
	[dreg:$0x5] =	wrdreg s10  }
0x19: {  	s26 =	simm.s32 $0x50;
	s8 =	simm.s32 $0x1;
	[dreg:$0x9] =	wrdreg s15  }
0x1a: {  	s9 =	simm.s32 $0x7;
	s12 =	simm.s32 $0x2A00;
	[dreg:$0xa] =	wrdreg s16  }
0x1b: {  	s14 =	simm.s32 $0x2;
	[dreg:$0x12] =	wrdreg s1;
	s1 =	simm.s32 $0xB  }
0x1c: {  	v0 =	vimm.f32 $0.0e+00;
	s10 =	simm.s32 $0x4;
	s15 =	simm.s32 $0x8;
	s16 =	simm.s32 $0x5  }
.LBB2_1:
0x1d: {  	s5 =	rddreg [dreg:$0x5]  }
0x1e: {  	[tilespmem:s23], [sflag:$0xA] =	stream.linear.gather [hbm4b:s5+s23], $0x2710, $0x38;
	[tilespmem:$0x1E280] =	vst v63  }
0x1f: {  	[dreg:$0x14] =	wrdreg s11;
	s11 =	simm.s32 $0x200;
	s5 =	simm.s32 $0x0  }
.LBB2_2:
0x20: {  	p0 =	sne.s32 s11, $0x9E00;
	[tilespmem:s5+$0x7AF0] =	vst v0  }
0x21: {  	[tilespmem:s5+$0x7A80] =	vst v0  }
0x22: {  	[tilespmem:s5+$0x7A90] =	vst v0  }
.Ltmp0:
0x23: {  	[tilespmem:s5+$0x7AA0] =	vst v0;
	(pc) =	sbr.rel @p0 .LBB2_2-.Ltmp0, $4  }
0x24: {  	[tilespmem:s5+$0x7AB0] =	vst v0  }
0x25: {  	[tilespmem:s5+$0x7AC0] =	vst v0  }
0x26: {  	[tilespmem:s5+$0x7AD0] =	vst v0  }
0x27: {  	[tilespmem:s5+$0x7AE0] =	vst v0;
	s5 =	sshra.s32 s11, $0x2;
	s11 =	sadd.s32 $0x200, s11  }
0x28: {  	[tilespmem:s5+$0x7AF0] =	vst v0  }
0x29: {  	[tilespmem:s5+$0x7A80] =	vst v0  }
0x2a: {  	[tilespmem:s5+$0x7A90] =	vst v0  }
0x2b: {  	[tilespmem:s5+$0x7AA0] =	vst v0  }
0x2c: {  	[tilespmem:s5+$0x7AB0] =	vst v0  }
0x2d: {  	[tilespmem:s5+$0x7AC0] =	vst v0  }
0x2e: {  	[tilespmem:s5+$0x7AD0] =	vst v0  }
0x2f: {  	[tilespmem:s5+$0x7AE0] =	vst v0;
	s11 =	simm.s32 $0xA  }
0x30: {  	_ =	swait.ge [sflag:s11], $0x2710  }
0x31: {  	[sflag:s11] =	ssyncset.done $0x0  }
0x32: {  	s21 =	rddreg [dreg:$0x6];
	[sflag:s11] =	ssyncadd.s32 $0xFFFFD8F0;
	s11 =	simm.s32 $0x0  }
0x33: {  	[tilespmem:s24], [sflag:$0x4] =	stream.linear.gather [hbm4b:s21+s11], $0x50, $0x38;
	[tilespmem:$0x1E280] =	vst v63  }
0x34: {  	s22 =	rddreg [dreg:$0x7]  }
0x35: {  	[tilespmem:s25], [sflag:$0x7] =	stream.linear.gather [hbm4b:s22+s11], $0x50, $0x38;
	[tilespmem:$0x1E280] =	vst v63  }
0x36: {  	_ = 	snop  }
0x37: {  	[tilespmem:s28], [sflag:$0x1] =	stream.indirect.gather [hbm4b:s0+s26], $0x80, s11, s26, $0xb8;
	[tilespmem:$0x1E280] =	vst v63  }
0x38: {  	s23 =	rddreg [dreg:$0x9]  }
0x39: {  	[tilespmem:s29], [sflag:$0x5] =	stream.linear.gather [hbm4b:s23+s11], $0x50, $0x38;
	[tilespmem:$0x1E280] =	vst v63  }
0x3a: {  	s21 =	rddreg [dreg:$0xa]  }
0x3b: {  	[tilespmem:s30], [sflag:$0x8] =	stream.linear.gather [hbm4b:s21+s11], $0x50, $0x38;
	[tilespmem:$0x1E280] =	vst v63  }
0x3c: {  	_ = 	snop  }
0x3d: {  	[tilespmem:s31], [sflag:$0x2] =	stream.indirect.gather [hbm4b:s0+s26], $0x80, s26, s26, $0xb8;
	[tilespmem:$0x1E280] =	vst v63  }
0x3e: {  	_ = 	snop  }
0x3f: {  	[spmem:s20] =	stream.linear.scatter [tilespmem:s2], [sflag:$0xB], $0x2800, $0x38;
	[tilespmem:$0x1E280] =	vst v63  }
0x40: {  	_ =	swait.ge [sflag:s1], $0x2800  }
0x41: {  	[sflag:s1] =	ssyncset.done $0x0  }
0x42: {  	s22 =	rddreg [dreg:$0xb];
	[sflag:s1] =	ssyncadd.s32 $0xFFFFD800  }
0x43: {  	[spmem:s22] =	stream.linear.scatter [tilespmem:s2], [sflag:$0xB], $0x2800, $0x38;
	[tilespmem:$0x1E280] =	vst v63  }
0x44: {  	_ =	swait.ge [sflag:s1], $0x2800  }
0x45: {  	[sflag:s1] =	ssyncset.done $0x0  }
0x46: {  	s23 =	rddreg [dreg:$0xc];
	[sflag:s1] =	ssyncadd.s32 $0xFFFFD800  }
0x47: {  	[spmem:s23] =	stream.linear.scatter [tilespmem:s2], [sflag:$0xB], $0x2800, $0x38;
	[tilespmem:$0x1E280] =	vst v63  }
0x48: {  	_ =	swait.ge [sflag:s1], $0x2800  }
0x49: {  	[sflag:s1] =	ssyncset.done $0x0  }
0x4a: {  	s11 =	rddreg [dreg:$0xd];
	[sflag:s1] =	ssyncadd.s32 $0xFFFFD800  }
0x4b: {  	[spmem:s11] =	stream.linear.scatter [tilespmem:s2], [sflag:$0xB], $0x2800, $0x38;
	[tilespmem:$0x1E280] =	vst v63  }
0x4c: {  	_ =	swait.ge [sflag:s1], $0x2800  }
0x4d: {  	[sflag:s1] =	ssyncset.done $0x0  }
0x4e: {  	s20 =	rddreg [dreg:$0xe];
	[sflag:s1] =	ssyncadd.s32 $0xFFFFD800  }
0x4f: {  	[spmem:s20] =	stream.linear.scatter [tilespmem:s2], [sflag:$0xB], $0x2800, $0x38;
	[tilespmem:$0x1E280] =	vst v63  }
0x50: {  	_ =	swait.ge [sflag:s1], $0x2800  }
0x51: {  	[sflag:s1] =	ssyncset.done $0x0  }
0x52: {  	s21 =	rddreg [dreg:$0xf];
	[sflag:s1] =	ssyncadd.s32 $0xFFFFD800  }
0x53: {  	[spmem:s21] =	stream.linear.scatter [tilespmem:s2], [sflag:$0xB], $0x2800, $0x38;
	[tilespmem:$0x1E280] =	vst v63  }
0x54: {  	_ =	swait.ge [sflag:s1], $0x2800  }
0x55: {  	[sflag:s1] =	ssyncset.done $0x0  }
0x56: {  	s22 =	rddreg [dreg:$0x10];
	[sflag:s1] =	ssyncadd.s32 $0xFFFFD800  }
0x57: {  	[spmem:s22] =	stream.linear.scatter [tilespmem:s2], [sflag:$0xB], $0x2800, $0x38;
	[tilespmem:$0x1E280] =	vst v63  }
0x58: {  	_ =	swait.ge [sflag:s1], $0x2800  }
0x59: {  	[sflag:s1] =	ssyncset.done $0x0  }
0x5a: {  	s23 =	rddreg [dreg:$0x11];
	[sflag:s1] =	ssyncadd.s32 $0xFFFFD800  }
0x5b: {  	[spmem:s23] =	stream.linear.scatter [tilespmem:s2], [sflag:$0xB], $0x2800, $0x38;
	[tilespmem:$0x1E280] =	vst v63  }
0x5c: {  	_ =	swait.ge [sflag:s1], $0x2800  }
0x5d: {  	[sflag:s1] =	ssyncset.done $0x0  }
0x5e: {  	[sflag:s1] =	ssyncadd.s32 $0xFFFFD800  }
0x5f: {  	s22 =	simm.s32 $0x0;
	[bflag:$0x0] =	sbarrier.arrive $0xFFFF  }
.LBB2_4:
0x60: {  	_ =	swait.ge [sflag:s8], $0x2800  }
0x61: {  	[sflag:s8] =	ssyncset.done $0x0  }
0x62: {  	[sflag:s8] =	ssyncadd.s32 $0xFFFFD800  }
0x63: {  	s5 =	simm.s32 $0x0;
	_ =	swait.ge [sflag:s9], $0x50  }
0x64: {  	v1 =	vmov s5;
	[sflag:s9] =	ssyncset.done $0x0  }
0x65: {  	s23 =	simm.s32 $0x2AC0;
	[sflag:s9] =	ssyncadd.s32 $0xFFFFFFB0  }
0x66: {  	v5 =	vld [tilespmem:s23+$0x30]  }
0x67: {  	v8 =	vld [tilespmem:s23+$0x10]  }
0x68: {  	v6 =	vld [tilespmem:s23+$0xFFFFFFC0]  }
0x69: {  	v2 =	vld.idx.msk [tilespmem:v1+s25+$0x0], $0xffff  }
0x6a: {  	v10 =	vld [tilespmem:s23+$0xFFFFFFE0]  }
0x6b: {  	v1 =	vld [tilespmem:s23+$0xFFFFFFF0]  }
0x6c: {  	v3 =	vld [tilespmem:s23+$0x20]  }
0x6d: {  	v4 =	vld [tilespmem:s23+$0xFFFFFFD0]  }
0x6e: {  	v9 =	vmul.f32 v5, v2;
	v5 =	vld [tilespmem:s23+$0x0]  }
0x6f: {  	v7 =	vmul.f32 v6, v2  }
0x70: {  	s11 =	simm.s32 $0x1;
	s20 =	simm.s32 $0x2AC0;
	v6 =	vmul.f32 v10, v2;
	v8 =	vmul.f32 v8, v2  }
.LBB2_5:
0x71: {  	p0 =	sne.s32 s11, $0x4F  }
0x72: {  	v4 =	vmul.f32 v4, v2;
	v3 =	vmul.f32 v3, v2;
	[tilespmem:s23+$0x30] =	vst v9;
	s20 =	sadd.s32 $0x80, s20;
	s5 =	smov.u32 s11;
	s11 =	sadd.s32 $0x1, s11  }
0x73: {  	[tilespmem:s23+$0xFFFFFFC0] =	vst v7;
	v7 =	vmul.f32 v1, v2;
	v2 =	vmul.f32 v5, v2  }
0x74: {  	[tilespmem:s23+$0x10] =	vst v8  }
0x75: {  	v5 =	vmov s5;
	[tilespmem:s23+$0xFFFFFFE0] =	vst v6  }
0x76: {  	v1 =	vld [tilespmem:s20+$0xFFFFFFF0];
	[tilespmem:s23+$0xFFFFFFF0] =	vst v7  }
0x77: {  	v6 =	vld [tilespmem:s20+$0x30];
	[tilespmem:s23+$0x0] =	vst v2  }
0x78: {  	v8 =	vld [tilespmem:s20+$0x10];
	[tilespmem:s23+$0x20] =	vst v3  }
0x79: {  	v7 =	vld [tilespmem:s20+$0xFFFFFFC0];
	[tilespmem:s23+$0xFFFFFFD0] =	vst v4;
	s23 =	smov.u32 s20  }
0x7a: {  	v2 =	vld.idx.msk [tilespmem:v5+s25+$0x0], $0xffff  }
0x7b: {  	v10 =	vld [tilespmem:s20+$0xFFFFFFE0]  }
0x7c: {  	v3 =	vld [tilespmem:s20+$0x20]  }
.Ltmp1:
0x7d: {  	v4 =	vld [tilespmem:s20+$0xFFFFFFD0];
	(pc) =	sbr.rel @p0 .LBB2_5-.Ltmp1, $3  }
0x7e: {  	v5 =	vld [tilespmem:s20+$0x0];
	_ =	sdelay $0x1  }
0x7f: {  	v7 =	vmul.f32 v7, v2;
	v9 =	vmul.f32 v6, v2  }
0x80: {  	v8 =	vmul.f32 v8, v2;
	v6 =	vmul.f32 v10, v2  }
0x81: {  	[tilespmem:s23+$0x30] =	vst v9  }
0x82: {  	[tilespmem:s23+$0xFFFFFFC0] =	vst v7  }
0x83: {  	v1 =	vmul.f32 v1, v2;
	[tilespmem:s23+$0x10] =	vst v8  }
0x84: {  	v3 =	vmul.f32 v3, v2;
	[tilespmem:s23+$0xFFFFFFE0] =	vst v6  }
0x85: {  	v5 =	vmul.f32 v5, v2;
	[tilespmem:s23+$0xFFFFFFF0] =	vst v1  }
0x86: {  	v1 =	vmul.f32 v4, v2;
	[tilespmem:s23+$0x20] =	vst v3  }
0x87: {  	[tilespmem:s23+$0x0] =	vst v5  }
0x88: {  	[tilespmem:s23+$0xFFFFFFD0] =	vst v1  }
0x89: {  	s23 =	smul.u32 $0xF0, s22;
	_ =	swait.ge [sflag:s10], $0x50  }
0x8a: {  	[sflag:s10] =	ssyncset.done $0x0  }
0x8b: {  	s5 =	sadd.s32 $0xA0, s23;
	[sflag:s10] =	ssyncadd.s32 $0xFFFFFFB0  }
0x8c: {  	[spmem:s4] =	stream.indirect.scatter.add.f32 [tilespmem:s28], [sflag:$0xB], $0x80, s24, s26, $0xb8;
	[tilespmem:$0x1E280] =	vst v63  }
0x8d: {  	s11 =	sadd.s32 s6, s5;
	_ =	swait.ge [sflag:s1], $0x2800  }
0x8e: {  	s11 =	sshrl.u32 s11, $0x3;
	[sflag:s1] =	ssyncset.done $0x0  }
0x8f: {  	s21 =	simm.s32 $0x0;
	s20 =	sadd.s32 s7, s11;
	[sflag:s1] =	ssyncadd.s32 $0xFFFFD800  }
0x90: {  	[tilespmem:s12], [sflag:$0x6] =	stream.linear.gather [hbm4b:s20+s21], $0x50, $0x38;
	[tilespmem:$0x1E280] =	vst v63  }
0x91: {  	s11 =	sadd.s32 s3, s11  }
0x92: {  	[tilespmem:s13], [sflag:$0x9] =	stream.linear.gather [hbm4b:s11+s21], $0x50, $0x38;
	[tilespmem:$0x1E280] =	vst v63  }
0x93: {  	_ = 	snop  }
0x94: {  	[tilespmem:s2], [sflag:$0x3] =	stream.indirect.gather [hbm4b:s0+s26], $0x80, s5, s26, $0xb8;
	[tilespmem:$0x1E280] =	vst v63  }
0x95: {  	_ =	swait.ge [sflag:s14], $0x2800  }
0x96: {  	[sflag:s14] =	ssyncset.done $0x0  }
0x97: {  	[sflag:s14] =	ssyncadd.s32 $0xFFFFD800  }
0x98: {  	_ =	swait.ge [sflag:s15], $0x50  }
0x99: {  	v1 =	vmov s21;
	[sflag:s15] =	ssyncset.done $0x0  }
0x9a: {  	s11 =	simm.s32 $0x52C0;
	[sflag:s15] =	ssyncadd.s32 $0xFFFFFFB0  }
0x9b: {  	v5 =	vld [tilespmem:s11+$0x30]  }
0x9c: {  	v8 =	vld [tilespmem:s11+$0x10]  }
0x9d: {  	v6 =	vld [tilespmem:s11+$0xFFFFFFC0]  }
0x9e: {  	v2 =	vld.idx.msk [tilespmem:v1+s30+$0x0], $0xffff  }
0x9f: {  	v10 =	vld [tilespmem:s11+$0xFFFFFFE0]  }
0xa0: {  	v1 =	vld [tilespmem:s11+$0xFFFFFFF0]  }
0xa1: {  	v3 =	vld [tilespmem:s11+$0x20]  }
0xa2: {  	v4 =	vld [tilespmem:s11+$0xFFFFFFD0]  }
0xa3: {  	v9 =	vmul.f32 v5, v2;
	v5 =	vld [tilespmem:s11+$0x0]  }
0xa4: {  	v7 =	vmul.f32 v6, v2  }
0xa5: {  	s20 =	simm.s32 $0x1;
	s5 =	simm.s32 $0x52C0;
	v6 =	vmul.f32 v10, v2;
	v8 =	vmul.f32 v8, v2  }
.LBB2_7:
0xa6: {  	p0 =	sne.s32 s20, $0x4F  }
0xa7: {  	v4 =	vmul.f32 v4, v2;
	v3 =	vmul.f32 v3, v2;
	[tilespmem:s11+$0x30] =	vst v9;
	s5 =	sadd.s32 $0x80, s5;
	s21 =	smov.u32 s20;
	s20 =	sadd.s32 $0x1, s20  }
0xa8: {  	[tilespmem:s11+$0xFFFFFFC0] =	vst v7;
	v7 =	vmul.f32 v1, v2;
	v2 =	vmul.f32 v5, v2  }
0xa9: {  	[tilespmem:s11+$0x10] =	vst v8  }
0xaa: {  	v5 =	vmov s21;
	[tilespmem:s11+$0xFFFFFFE0] =	vst v6  }
0xab: {  	v1 =	vld [tilespmem:s5+$0xFFFFFFF0];
	[tilespmem:s11+$0xFFFFFFF0] =	vst v7  }
0xac: {  	v6 =	vld [tilespmem:s5+$0x30];
	[tilespmem:s11+$0x0] =	vst v2  }
0xad: {  	v8 =	vld [tilespmem:s5+$0x10];
	[tilespmem:s11+$0x20] =	vst v3  }
0xae: {  	v7 =	vld [tilespmem:s5+$0xFFFFFFC0];
	[tilespmem:s11+$0xFFFFFFD0] =	vst v4;
	s11 =	smov.u32 s5  }
0xaf: {  	v2 =	vld.idx.msk [tilespmem:v5+s30+$0x0], $0xffff  }
0xb0: {  	v10 =	vld [tilespmem:s5+$0xFFFFFFE0]  }
0xb1: {  	v3 =	vld [tilespmem:s5+$0x20]  }
.Ltmp2:
0xb2: {  	v4 =	vld [tilespmem:s5+$0xFFFFFFD0];
	(pc) =	sbr.rel @p0 .LBB2_7-.Ltmp2, $3  }
0xb3: {  	v5 =	vld [tilespmem:s5+$0x0];
	_ =	sdelay $0x1  }
0xb4: {  	v7 =	vmul.f32 v7, v2;
	v9 =	vmul.f32 v6, v2  }
0xb5: {  	v8 =	vmul.f32 v8, v2;
	v6 =	vmul.f32 v10, v2  }
0xb6: {  	[tilespmem:s11+$0x30] =	vst v9  }
0xb7: {  	[tilespmem:s11+$0xFFFFFFC0] =	vst v7  }
0xb8: {  	v1 =	vmul.f32 v1, v2;
	[tilespmem:s11+$0x10] =	vst v8  }
0xb9: {  	v3 =	vmul.f32 v3, v2;
	[tilespmem:s11+$0xFFFFFFE0] =	vst v6  }
0xba: {  	v5 =	vmul.f32 v5, v2;
	[tilespmem:s11+$0xFFFFFFF0] =	vst v1  }
0xbb: {  	v1 =	vmul.f32 v4, v2;
	[tilespmem:s11+$0x20] =	vst v3  }
0xbc: {  	[tilespmem:s11+$0x0] =	vst v5  }
0xbd: {  	[tilespmem:s11+$0xFFFFFFD0] =	vst v1  }
0xbe: {  	_ =	swait.ge [sflag:s16], $0x50  }
0xbf: {  	[sflag:s16] =	ssyncset.done $0x0  }
0xc0: {  	s5 =	sadd.s32 $0xF0, s23;
	[sflag:s16] =	ssyncadd.s32 $0xFFFFFFB0  }
0xc1: {  	[spmem:s4] =	stream.indirect.scatter.add.f32 [tilespmem:s31], [sflag:$0xB], $0x80, s29, s26, $0xb8;
	[tilespmem:$0x1E280] =	vst v63  }
0xc2: {  	s21 =	sadd.s32 s6, s5;
	_ =	swait.ge [sflag:s1], $0x2800  }
0xc3: {  	s11 =	sshrl.u32 s21, $0x3;
	[sflag:s1] =	ssyncset.done $0x0  }
0xc4: {  	s21 =	simm.s32 $0x0;
	s20 =	sadd.s32 s7, s11;
	[sflag:s1] =	ssyncadd.s32 $0xFFFFD800  }
0xc5: {  	[tilespmem:s24], [sflag:$0x4] =	stream.linear.gather [hbm4b:s20+s21], $0x50, $0x38;
	[tilespmem:$0x1E280] =	vst v63  }
0xc6: {  	s11 =	sadd.s32 s3, s11  }
0xc7: {  	[tilespmem:s25], [sflag:$0x7] =	stream.linear.gather [hbm4b:s11+s21], $0x50, $0x38;
	[tilespmem:$0x1E280] =	vst v63  }
0xc8: {  	_ = 	snop  }
0xc9: {  	[tilespmem:s28], [sflag:$0x1] =	stream.indirect.gather [hbm4b:s0+s26], $0x80, s5, s26, $0xb8;
	[tilespmem:$0x1E280] =	vst v63  }
0xca: {  	_ =	swait.ge [sflag:s17], $0x2800  }
0xcb: {  	[sflag:s17] =	ssyncset.done $0x0  }
0xcc: {  	[sflag:s17] =	ssyncadd.s32 $0xFFFFD800  }
0xcd: {  	_ =	swait.ge [sflag:s18], $0x50  }
0xce: {  	v1 =	vmov s21;
	[sflag:s18] =	ssyncset.done $0x0  }
0xcf: {  	s11 =	simm.s32 $0x7AC0;
	[sflag:s18] =	ssyncadd.s32 $0xFFFFFFB0  }
0xd0: {  	v5 =	vld [tilespmem:s11+$0x30]  }
0xd1: {  	v8 =	vld [tilespmem:s11+$0x10]  }
0xd2: {  	v6 =	vld [tilespmem:s11+$0xFFFFFFC0]  }
0xd3: {  	v2 =	vld.idx.msk [tilespmem:v1+s13+$0x0], $0xffff  }
0xd4: {  	v10 =	vld [tilespmem:s11+$0xFFFFFFE0]  }
0xd5: {  	v1 =	vld [tilespmem:s11+$0xFFFFFFF0]  }
0xd6: {  	v3 =	vld [tilespmem:s11+$0x20]  }
0xd7: {  	v4 =	vld [tilespmem:s11+$0xFFFFFFD0]  }
0xd8: {  	v9 =	vmul.f32 v5, v2;
	v5 =	vld [tilespmem:s11+$0x0]  }
0xd9: {  	v7 =	vmul.f32 v6, v2  }
0xda: {  	s20 =	simm.s32 $0x1;
	s5 =	simm.s32 $0x7AC0;
	v6 =	vmul.f32 v10, v2;
	v8 =	vmul.f32 v8, v2  }
.LBB2_9:
0xdb: {  	p0 =	sne.s32 s20, $0x4F  }
0xdc: {  	v4 =	vmul.f32 v4, v2;
	v3 =	vmul.f32 v3, v2;
	[tilespmem:s11+$0x30] =	vst v9;
	s5 =	sadd.s32 $0x80, s5;
	s21 =	smov.u32 s20;
	s20 =	sadd.s32 $0x1, s20  }
0xdd: {  	[tilespmem:s11+$0xFFFFFFC0] =	vst v7;
	v7 =	vmul.f32 v1, v2;
	v2 =	vmul.f32 v5, v2  }
0xde: {  	[tilespmem:s11+$0x10] =	vst v8  }
0xdf: {  	v5 =	vmov s21;
	[tilespmem:s11+$0xFFFFFFE0] =	vst v6  }
0xe0: {  	v1 =	vld [tilespmem:s5+$0xFFFFFFF0];
	[tilespmem:s11+$0xFFFFFFF0] =	vst v7  }
0xe1: {  	v6 =	vld [tilespmem:s5+$0x30];
	[tilespmem:s11+$0x0] =	vst v2  }
0xe2: {  	v8 =	vld [tilespmem:s5+$0x10];
	[tilespmem:s11+$0x20] =	vst v3  }
0xe3: {  	v7 =	vld [tilespmem:s5+$0xFFFFFFC0];
	[tilespmem:s11+$0xFFFFFFD0] =	vst v4;
	s11 =	smov.u32 s5  }
0xe4: {  	v2 =	vld.idx.msk [tilespmem:v5+s13+$0x0], $0xffff  }
0xe5: {  	v10 =	vld [tilespmem:s5+$0xFFFFFFE0]  }
0xe6: {  	v3 =	vld [tilespmem:s5+$0x20]  }
.Ltmp3:
0xe7: {  	v4 =	vld [tilespmem:s5+$0xFFFFFFD0];
	(pc) =	sbr.rel @p0 .LBB2_9-.Ltmp3, $3  }
0xe8: {  	v5 =	vld [tilespmem:s5+$0x0];
	_ =	sdelay $0x1  }
0xe9: {  	v7 =	vmul.f32 v7, v2;
	v9 =	vmul.f32 v6, v2  }
0xea: {  	v8 =	vmul.f32 v8, v2;
	v6 =	vmul.f32 v10, v2  }
0xeb: {  	[tilespmem:s11+$0x30] =	vst v9  }
0xec: {  	[tilespmem:s11+$0xFFFFFFC0] =	vst v7  }
0xed: {  	v1 =	vmul.f32 v1, v2;
	[tilespmem:s11+$0x10] =	vst v8  }
0xee: {  	v3 =	vmul.f32 v3, v2;
	[tilespmem:s11+$0xFFFFFFE0] =	vst v6  }
0xef: {  	v5 =	vmul.f32 v5, v2;
	[tilespmem:s11+$0xFFFFFFF0] =	vst v1  }
0xf0: {  	v1 =	vmul.f32 v4, v2;
	[tilespmem:s11+$0x20] =	vst v3  }
0xf1: {  	[tilespmem:s11+$0x0] =	vst v5  }
0xf2: {  	[tilespmem:s11+$0xFFFFFFD0] =	vst v1  }
0xf3: {  	_ =	swait.ge [sflag:s19], $0x50  }
0xf4: {  	[sflag:s19] =	ssyncset.done $0x0  }
0xf5: {  	s5 =	sadd.s32 $0x140, s23;
	[sflag:s19] =	ssyncadd.s32 $0xFFFFFFB0  }
0xf6: {  	[spmem:s4] =	stream.indirect.scatter.add.f32 [tilespmem:s2], [sflag:$0xB], $0x80, s12, s26, $0xb8;
	[tilespmem:$0x1E280] =	vst v63  }
0xf7: {  	s21 =	simm.s32 $0x0;
	s23 =	sadd.s32 s6, s5;
	_ =	swait.ge [sflag:s1], $0x2800  }
0xf8: {  	s22 =	sadd.s32 $0x1, s22;
	s11 =	sshrl.u32 s23, $0x3;
	[sflag:s1] =	ssyncset.done $0x0  }
0xf9: {  	p0 =	sne.s32 s22, $0x29;
	s20 =	sadd.s32 s7, s11;
	[sflag:s1] =	ssyncadd.s32 $0xFFFFD800  }
0xfa: {  	[tilespmem:s29], [sflag:$0x5] =	stream.linear.gather [hbm4b:s20+s21], $0x50, $0x38;
	[tilespmem:$0x1E280] =	vst v63  }
.Ltmp4:
0xfb: {  	_ = 	snop;
	(pc) =	sbr.rel @p0 .LBB2_4-.Ltmp4, $4  }
0xfc: {  	s11 =	sadd.s32 s3, s11  }
0xfd: {  	[tilespmem:s30], [sflag:$0x8] =	stream.linear.gather [hbm4b:s11+s21], $0x50, $0x38;
	[tilespmem:$0x1E280] =	vst v63  }
0xfe: {  	s23 =	simm.s32 $0x0  }
0xff: {  	[tilespmem:s31], [sflag:$0x2] =	stream.indirect.gather [hbm4b:s0+s26], $0x80, s5, s26, $0xb8;
	[tilespmem:$0x1E280] =	vst v63  }
0x100: {  	_ =	swait.ge [sflag:s8], $0x2800  }
0x101: {  	[sflag:s8] =	ssyncset.done $0x0  }
0x102: {  	[sflag:s8] =	ssyncadd.s32 $0xFFFFD800  }
0x103: {  	s5 =	simm.s32 $0x0;
	_ =	swait.ge [sflag:s9], $0x50  }
0x104: {  	v1 =	vmov s5;
	[sflag:s9] =	ssyncset.done $0x0  }
0x105: {  	s11 =	simm.s32 $0x2AC0;
	[sflag:s9] =	ssyncadd.s32 $0xFFFFFFB0  }
0x106: {  	v5 =	vld [tilespmem:s11+$0x30]  }
0x107: {  	v8 =	vld [tilespmem:s11+$0x10]  }
0x108: {  	v6 =	vld [tilespmem:s11+$0xFFFFFFC0]  }
0x109: {  	v2 =	vld.idx.msk [tilespmem:v1+s25+$0x0], $0xffff  }
0x10a: {  	v10 =	vld [tilespmem:s11+$0xFFFFFFE0]  }
0x10b: {  	v1 =	vld [tilespmem:s11+$0xFFFFFFF0]  }
0x10c: {  	v3 =	vld [tilespmem:s11+$0x20]  }
0x10d: {  	v4 =	vld [tilespmem:s11+$0xFFFFFFD0]  }
0x10e: {  	v9 =	vmul.f32 v5, v2;
	v5 =	vld [tilespmem:s11+$0x0]  }
0x10f: {  	v7 =	vmul.f32 v6, v2  }
0x110: {  	s20 =	simm.s32 $0x1;
	s5 =	simm.s32 $0x2AC0;
	v6 =	vmul.f32 v10, v2;
	v8 =	vmul.f32 v8, v2  }
.LBB2_12:
0x111: {  	p0 =	sne.s32 s20, $0x4F  }
0x112: {  	v4 =	vmul.f32 v4, v2;
	v3 =	vmul.f32 v3, v2;
	[tilespmem:s11+$0x30] =	vst v9;
	s5 =	sadd.s32 $0x80, s5;
	s21 =	smov.u32 s20;
	s20 =	sadd.s32 $0x1, s20  }
0x113: {  	[tilespmem:s11+$0xFFFFFFC0] =	vst v7;
	v7 =	vmul.f32 v1, v2;
	v2 =	vmul.f32 v5, v2  }
0x114: {  	[tilespmem:s11+$0x10] =	vst v8  }
0x115: {  	v5 =	vmov s21;
	[tilespmem:s11+$0xFFFFFFE0] =	vst v6  }
0x116: {  	v1 =	vld [tilespmem:s5+$0xFFFFFFF0];
	[tilespmem:s11+$0xFFFFFFF0] =	vst v7  }
0x117: {  	v6 =	vld [tilespmem:s5+$0x30];
	[tilespmem:s11+$0x0] =	vst v2  }
0x118: {  	v8 =	vld [tilespmem:s5+$0x10];
	[tilespmem:s11+$0x20] =	vst v3  }
0x119: {  	v7 =	vld [tilespmem:s5+$0xFFFFFFC0];
	[tilespmem:s11+$0xFFFFFFD0] =	vst v4;
	s11 =	smov.u32 s5  }
0x11a: {  	v2 =	vld.idx.msk [tilespmem:v5+s25+$0x0], $0xffff  }
0x11b: {  	v10 =	vld [tilespmem:s5+$0xFFFFFFE0]  }
0x11c: {  	v3 =	vld [tilespmem:s5+$0x20]  }
.Ltmp5:
0x11d: {  	v4 =	vld [tilespmem:s5+$0xFFFFFFD0];
	(pc) =	sbr.rel @p0 .LBB2_12-.Ltmp5, $3  }
0x11e: {  	v5 =	vld [tilespmem:s5+$0x0];
	_ =	sdelay $0x1  }
0x11f: {  	v7 =	vmul.f32 v7, v2;
	v9 =	vmul.f32 v6, v2  }
0x120: {  	v8 =	vmul.f32 v8, v2;
	v6 =	vmul.f32 v10, v2  }
0x121: {  	[tilespmem:s11+$0x30] =	vst v9  }
0x122: {  	[tilespmem:s11+$0xFFFFFFC0] =	vst v7  }
0x123: {  	v1 =	vmul.f32 v1, v2;
	[tilespmem:s11+$0x10] =	vst v8  }
0x124: {  	v3 =	vmul.f32 v3, v2;
	[tilespmem:s11+$0xFFFFFFE0] =	vst v6  }
0x125: {  	v5 =	vmul.f32 v5, v2;
	[tilespmem:s11+$0xFFFFFFF0] =	vst v1  }
0x126: {  	v1 =	vmul.f32 v4, v2;
	[tilespmem:s11+$0x20] =	vst v3  }
0x127: {  	[tilespmem:s11+$0x0] =	vst v5  }
0x128: {  	[tilespmem:s11+$0xFFFFFFD0] =	vst v1  }
0x129: {  	_ =	swait.ge [sflag:s10], $0x50  }
0x12a: {  	[sflag:s10] =	ssyncset.done $0x0  }
0x12b: {  	[sflag:s10] =	ssyncadd.s32 $0xFFFFFFB0  }
0x12c: {  	[spmem:s4] =	stream.indirect.scatter.add.f32 [tilespmem:s28], [sflag:$0xB], $0x80, s24, s26, $0xb8;
	[tilespmem:$0x1E280] =	vst v63  }
0x12d: {  	_ =	swait.ge [sflag:s1], $0x2800  }
0x12e: {  	[sflag:s1] =	ssyncset.done $0x0  }
0x12f: {  	[sflag:s1] =	ssyncadd.s32 $0xFFFFD800  }
0x130: {  	_ =	swait.ge [sflag:s14], $0x2800  }
0x131: {  	[sflag:s14] =	ssyncset.done $0x0  }
0x132: {  	[sflag:s14] =	ssyncadd.s32 $0xFFFFD800  }
0x133: {  	s5 =	simm.s32 $0x0;
	_ =	swait.ge [sflag:s15], $0x50  }
0x134: {  	v1 =	vmov s5;
	[sflag:s15] =	ssyncset.done $0x0  }
0x135: {  	s11 =	simm.s32 $0x52C0;
	[sflag:s15] =	ssyncadd.s32 $0xFFFFFFB0  }
0x136: {  	v5 =	vld [tilespmem:s11+$0x30]  }
0x137: {  	v8 =	vld [tilespmem:s11+$0x10]  }
0x138: {  	v6 =	vld [tilespmem:s11+$0xFFFFFFC0]  }
0x139: {  	v2 =	vld.idx.msk [tilespmem:v1+s30+$0x0], $0xffff  }
0x13a: {  	v10 =	vld [tilespmem:s11+$0xFFFFFFE0]  }
0x13b: {  	v1 =	vld [tilespmem:s11+$0xFFFFFFF0]  }
0x13c: {  	v3 =	vld [tilespmem:s11+$0x20]  }
0x13d: {  	v4 =	vld [tilespmem:s11+$0xFFFFFFD0]  }
0x13e: {  	v9 =	vmul.f32 v5, v2;
	v5 =	vld [tilespmem:s11+$0x0]  }
0x13f: {  	v7 =	vmul.f32 v6, v2  }
0x140: {  	s20 =	simm.s32 $0x1;
	s5 =	simm.s32 $0x52C0;
	v6 =	vmul.f32 v10, v2;
	v8 =	vmul.f32 v8, v2  }
.LBB2_14:
0x141: {  	p0 =	sne.s32 s20, $0x4F  }
0x142: {  	v4 =	vmul.f32 v4, v2;
	v3 =	vmul.f32 v3, v2;
	[tilespmem:s11+$0x30] =	vst v9;
	s5 =	sadd.s32 $0x80, s5;
	s21 =	smov.u32 s20;
	s20 =	sadd.s32 $0x1, s20  }
0x143: {  	[tilespmem:s11+$0xFFFFFFC0] =	vst v7;
	v7 =	vmul.f32 v1, v2;
	v2 =	vmul.f32 v5, v2  }
0x144: {  	[tilespmem:s11+$0x10] =	vst v8  }
0x145: {  	v5 =	vmov s21;
	[tilespmem:s11+$0xFFFFFFE0] =	vst v6  }
0x146: {  	v1 =	vld [tilespmem:s5+$0xFFFFFFF0];
	[tilespmem:s11+$0xFFFFFFF0] =	vst v7  }
0x147: {  	v6 =	vld [tilespmem:s5+$0x30];
	[tilespmem:s11+$0x0] =	vst v2  }
0x148: {  	v8 =	vld [tilespmem:s5+$0x10];
	[tilespmem:s11+$0x20] =	vst v3  }
0x149: {  	v7 =	vld [tilespmem:s5+$0xFFFFFFC0];
	[tilespmem:s11+$0xFFFFFFD0] =	vst v4;
	s11 =	smov.u32 s5  }
0x14a: {  	v2 =	vld.idx.msk [tilespmem:v5+s30+$0x0], $0xffff  }
0x14b: {  	v10 =	vld [tilespmem:s5+$0xFFFFFFE0]  }
0x14c: {  	v3 =	vld [tilespmem:s5+$0x20]  }
.Ltmp6:
0x14d: {  	v4 =	vld [tilespmem:s5+$0xFFFFFFD0];
	(pc) =	sbr.rel @p0 .LBB2_14-.Ltmp6, $3  }
0x14e: {  	v5 =	vld [tilespmem:s5+$0x0];
	_ =	sdelay $0x1  }
0x14f: {  	v7 =	vmul.f32 v7, v2;
	v9 =	vmul.f32 v6, v2  }
0x150: {  	v8 =	vmul.f32 v8, v2;
	v6 =	vmul.f32 v10, v2  }
0x151: {  	[tilespmem:s11+$0x30] =	vst v9  }
0x152: {  	[tilespmem:s11+$0xFFFFFFC0] =	vst v7  }
0x153: {  	v1 =	vmul.f32 v1, v2;
	[tilespmem:s11+$0x10] =	vst v8  }
0x154: {  	v3 =	vmul.f32 v3, v2;
	[tilespmem:s11+$0xFFFFFFE0] =	vst v6  }
0x155: {  	v5 =	vmul.f32 v5, v2;
	[tilespmem:s11+$0xFFFFFFF0] =	vst v1  }
0x156: {  	v1 =	vmul.f32 v4, v2;
	[tilespmem:s11+$0x20] =	vst v3  }
0x157: {  	[tilespmem:s11+$0x0] =	vst v5  }
0x158: {  	[tilespmem:s11+$0xFFFFFFD0] =	vst v1  }
0x159: {  	_ =	swait.ge [sflag:s16], $0x50  }
0x15a: {  	[sflag:s16] =	ssyncset.done $0x0  }
0x15b: {  	[sflag:s16] =	ssyncadd.s32 $0xFFFFFFB0  }
0x15c: {  	[spmem:s4] =	stream.indirect.scatter.add.f32 [tilespmem:s31], [sflag:$0xB], $0x80, s29, s26, $0xb8;
	[tilespmem:$0x1E280] =	vst v63  }
0x15d: {  	_ =	swait.ge [sflag:s1], $0x2800  }
0x15e: {  	[sflag:s1] =	ssyncset.done $0x0  }
0x15f: {  	[sflag:s1] =	ssyncadd.s32 $0xFFFFD800  }
0x160: {  	s5 =	stileid.u32;
	[bflag:$0x0] =	sbarrier.arrive $0xFFFF  }
0x161: {  	s5 =	sshll.u32 s5, $0x6;
	s20 =	rddreg [dreg:$0x8]  }
0x162: {  	s5 =	sor.u32 $0x1C0B, s5;
	s21 =	rddreg [dreg:$0x12];
	s22 =	sshrl.u32 s20, $0x3  }
0x163: {  	[hbm:s21], [sflag:s5] =	dma.local [spmem:s22], $0x2800  }
0x164: {  	_ =	swait.ge [sflag:s1], $0x2800  }
0x165: {  	s21 =	rddreg [dreg:$0x14]  }
0x166: {  	s22 =	rddreg [dreg:$0x13];
	s11 =	sadd.s32 $0x1, s21  }
0x167: {  	p0 =	sne.s32 s11, s22  }
.Ltmp7:
0x168: {  	_ = 	snop;
	(pc) =	sbr.rel @p0 .LBB2_1-.Ltmp7, $3  }
0x169: {  	_ =	sdelay $0x1  }
0x16a: {  	[sflag:s1] =	ssyncset.done $0x0  }
0x16b: {  	[sflag:s1] =	ssyncadd.s32 $0xFFFFD800  }
0x16c: {  	_ =	sfence.sel $0x180000  }
0x16d: {  	[bflag:$0x0] =	sbarrier.arrive $0xFFFF  }
0x16e: {  	_ =	strace $0x9000004A  }
0x16f: {  	s0 =	stileid.u32;
	[bflag:$0x2] =	sbarrier.arrive $0xFFFF  }
0x170: {  	p0 =	sne.s32 s0, $0x0;
	s0 =	rddreg [dreg:$0x4]  }
0x171: {  	s0 =	sadd.s32 @!p0 $0x100000, s0  }
0x172: {  	[sflag:s0] =	ssyncadd.tile.s32 @!p0 $0x1;
	_ =	shalt  }
.Lfunc_end2:
_tile_overlayer_lowered:
.L_overlay_start_2:
0x173: {  	(tag) =	ssettag $0x2  }
0x174: {  	s0 =	rddreg [dreg:$0x0];
	s2 =	stileid.u32  }
0x175: {  	s1 =	rddreg [dreg:$0x1];
	p0 =	sne.s32 s2, $0x0  }
0x176: {  	s3 =	rddreg [dreg:$0x2];
	[bflag:$0x3] =	sbarrier.arrive $0xFFFF;
	s2 =	simm.s32 @!p0 $0x1C0B  }
0x177: {  	[timem:s3], [sflag:s2] =	dma.local @!p0 [hbm:s0], s1  }
0x178: {  	s0 =	simm.s32 @!p0 $0xB  }
0x179: {  	_ =	swait.ge @!p0 [sflag:s0], s1  }
0x17a: {  	s1 =	ssub.s32 @!p0 $0x0, s1;
	[sflag:s0] =	ssyncset.done @!p0 $0x0  }
0x17b: {  	[sflag:s0] =	ssyncadd.s32 @!p0 s1  }
0x17c: {  	[bflag:$0x3] =	sbarrier.arrive $0xFFFF  }
0x17d: {  	_ =	shalt  }

</sc_bundles>
